<compile_context>
chip_gen: v7x
topology: tpu7x:2x2x1
jax: 0.10.2.dev20260603
libtpu: 0.0.44.dev20260713+nightly
codegen_flags: <defaults>
</compile_context>

<pallas_src>
import jax
import jax.numpy as jnp
from jax import lax
from jax.experimental import pallas as pl
from jax.experimental.pallas import tpu as pltpu
from jax.experimental.pallas import tpu_sc as plsc

L = 196
LR = 200
D = 768
DC = 192
NK = 4
HW = 14


def _silu(v):
    return v * jax.nn.sigmoid(v)


def _softplus(v):
    return jnp.maximum(v, 0.0) + jnp.log1p(jnp.exp(-jnp.abs(v)))


def _ln(v, g, b, eps=1e-5):
    m = jnp.mean(v, axis=-1, keepdims=True)
    var = jnp.mean((v - m) * (v - m), axis=-1, keepdims=True)
    return (v - m) * lax.rsqrt(var + eps) * g + b


def _dot_t(a, b):
    return lax.dot_general(a, b, (((1,), (1,)), ((), ())),
                           preferred_element_type=jnp.float32)


def _pre_body(x_ref, si_ref, ipw_ref, w9_ref, cb_ref, xpw_ref, dtw_ref,
              dtb_ref, alog_ref, fea_ref, xc_ref, cc_ref, z_ref):
    nb = x_ref.shape[0]
    lidx = lax.broadcasted_iota(jnp.int32, (L, 1), 0)
    wmod = lidx % HW
    liota = lax.broadcasted_iota(jnp.int32, (1, L), 1)
    w9 = w9_ref[...].T
    zpad = jnp.zeros((15, D), jnp.float32)
    zr = jnp.zeros((LR - L, 2 * D), jnp.float32)
    for bb in range(nb):
        xb = x_ref[bb].reshape(L, -1)
        xz = _dot_t(xb, ipw_ref[...])
        xp = xz[:, :D]
        z_ref[bb] = xz[:, D:].astype(jnp.bfloat16)

        xpad = jnp.concatenate([zpad, xp, zpad], axis=0)
        xmsk = {0: xpad}
        pwm = jnp.concatenate([jnp.zeros((15, 1), jnp.int32), wmod,
                               jnp.zeros((15, 1), jnp.int32)], axis=0)
        xmsk[1] = jnp.where(pwm != 0, xpad, 0.0)
        xmsk[-1] = jnp.where(pwm != (HW - 1), xpad, 0.0)
        acc = jnp.zeros((L, D), jnp.float32)
        for di in (-1, 0, 1):
            for dj in (-1, 0, 1):
                s = di * HW + dj
                shifted = xmsk[dj][15 + s:15 + s + L, :]
                kidx = (di + 1) * 3 + (dj + 1)
                acc = acc + shifted * w9[kidx:kidx + 1, :]
        xc = _silu(acc + cb_ref[...])
        xc_ref[bb] = xc.astype(jnp.bfloat16)

        xdbl = _dot_t(xc, xpw_ref[...])
        bs = xdbl[:, 24:25]
        cc_ref[bb] = xdbl[:, 25:26]
        dts = _dot_t(xdbl[:, :24], dtw_ref[...])
        dts = _softplus(dts + dtb_ref[...])
        da = jnp.exp(dts * jnp.exp(alog_ref[...]))
        dbx = dts * bs * xc
        perm = (si_ref[bb] == liota).astype(jnp.float32)
        both = jnp.concatenate([dbx, da], axis=1)
        pboth = jnp.dot(perm, both, preferred_element_type=jnp.float32)
        pboth = jnp.concatenate([pboth, zr], axis=0)
        for k in range(NK):
            cat = jnp.concatenate([pboth[:, k * DC:(k + 1) * DC],
                                   pboth[:, D + k * DC:D + (k + 1) * DC]],
                                  axis=1)
            for tc in range(3):
                fea_ref[bb, k, tc] = cat[:, tc * 128:(tc + 1) * 128].reshape(
                    LR // 8, 8, 128)


def _sc_tree(fea_hbm, sp_hbm, out_hbm, fea_v, hb_v, sp_v):
    c = lax.axis_index("c")
    s = lax.axis_index("s")
    wid = s * 2 + c
    b = wid % 8
    k = wid // 8
    pltpu.sync_copy(fea_hbm.at[b, k], fea_v)
    pltpu.sync_copy(sp_hbm, sp_v)
    boff = b * L

    lanes = lax.iota(jnp.int32, 16)

    def step(t, par):
        tv = jnp.full((16,), t, jnp.int32)
        valid = (par >= 0) & (par < tv)
        spar = jnp.maximum(par, 0)
        tr = t // 8
        sub = t % 8
        ptr = spar // 8
        psub = spar % 8
        bt1 = jnp.full((16,), jnp.minimum(boff + t + 1, sp_v.shape[0] - 1),
                       jnp.int32)
        par_next = plsc.load_gather(sp_v, [bt1])
        hps = []
        for cc in range(DC // 16):
            tcf, lcf = divmod(cc * 16, 128)
            tch = jnp.full((16,), tcf, jnp.int32)
            hp = plsc.load_gather(hb_v, [tch, ptr, psub, lanes + lcf])
            hps.append(jnp.where(valid, hp, 0.0))
        for cc in range(DC // 16):
            tcf, lcf = divmod(cc * 16, 128)
            tce, lce = divmod(DC + cc * 16, 128)
            fx = fea_v[tcf, tr, sub, pl.ds(lcf, 16)]
            ea = fea_v[tce, tr, sub, pl.ds(lce, 16)]
            hb_v[tcf, tr, sub, pl.ds(lcf, 16)] = ea * hps[cc] + fx
        return par_next

    par0 = plsc.load_gather(sp_v, [jnp.full((16,), boff, jnp.int32)])
    lax.fori_loop(0, L, step, par0, unroll=4)
    pltpu.sync_copy(hb_v, out_hbm.at[b, k])


def _post_body(h4_ref, sir_ref, cc_ref, xc_ref, z_ref, ds_ref, ong_ref,
               onb_ref, hng_ref, hnb_ref, opw_ref, out_ref):
    nb = h4_ref.shape[0]
    lcol = lax.broadcasted_iota(jnp.int32, (L, 1), 0)
    trow = lax.broadcasted_iota(jnp.int32, (1, L), 1)
    for bb in range(nb):
        pieces = []
        for k in range(NK):
            p0 = h4_ref[bb, k, 0].reshape(LR, 128)[:L]
            p1 = h4_ref[bb, k, 1].reshape(LR, 128)[:L, :DC - 128]
            pieces.append(p0)
            pieces.append(p1)
        hb = jnp.concatenate(pieces, axis=1)
        occ = sir_ref[bb] == lcol
        tl = jnp.max(jnp.where(occ, trow, -1), axis=1, keepdims=True)
        sel = (tl == trow).astype(jnp.float32)
        h = jnp.dot(sel, hb, preferred_element_type=jnp.float32)
        hn = _ln(h, hng_ref[...], hnb_ref[...])
        y = hn * cc_ref[bb] + ds_ref[...] * xc_ref[bb].astype(jnp.float32)
        y = _ln(y, ong_ref[...], onb_ref[...])
        y = y * _silu(z_ref[bb].astype(jnp.float32))
        out_ref[bb] = _dot_t(y, opw_ref[...])


@jax.jit
def kernel(x, bfs_indices, bfs_parents, in_proj_w, conv_w, conv_b,
           x_proj_weight, dt_projs_weight, dt_projs_bias, A_logs, Ds,
           out_norm_g, out_norm_b, h_norm_g, h_norm_b, out_proj_w):
    Bn, Hn, Wn, dm = x.shape
    w9 = conv_w.reshape(D, 9)
    cb = conv_b.reshape(1, D)
    xpw = x_proj_weight[0]
    dtw = dt_projs_weight[0]
    dtb = dt_projs_bias.reshape(1, D)
    alog = A_logs.reshape(1, D)
    ds2 = Ds.reshape(1, D)
    ong = out_norm_g.reshape(1, D)
    onb = out_norm_b.reshape(1, D)
    hng = h_norm_g.reshape(1, D)
    hnb = h_norm_b.reshape(1, D)
    si_col = bfs_indices.reshape(Bn, L, 1)
    si_row = bfs_indices.reshape(Bn, 1, L)
    sp_flat = bfs_parents.reshape(Bn * L)

    f32 = jnp.float32
    rep2 = lambda b: (0, 0)
    NBB = 2
    fea, xcv, ccv, zv = pl.pallas_call(
        _pre_body,
        grid=(Bn // NBB,),
        in_specs=[
            pl.BlockSpec((NBB, Hn, Wn, dm), lambda b: (b, 0, 0, 0)),
            pl.BlockSpec((NBB, L, 1), lambda b: (b, 0, 0)),
            pl.BlockSpec((2 * D, dm), rep2),
            pl.BlockSpec((D, 9), rep2),
            pl.BlockSpec((1, D), rep2),
            pl.BlockSpec((26, D), rep2),
            pl.BlockSpec((D, 24), rep2),
            pl.BlockSpec((1, D), rep2),
            pl.BlockSpec((1, D), rep2),
        ],
        out_specs=[
            pl.BlockSpec((NBB, NK, 3, LR // 8, 8, 128),
                         lambda b: (b, 0, 0, 0, 0, 0)),
            pl.BlockSpec((NBB, L, D), lambda b: (b, 0, 0)),
            pl.BlockSpec((NBB, L, 1), lambda b: (b, 0, 0)),
            pl.BlockSpec((NBB, L, D), lambda b: (b, 0, 0)),
        ],
        out_shape=[
            jax.ShapeDtypeStruct((Bn, NK, 3, LR // 8, 8, 128), f32),
            jax.ShapeDtypeStruct((Bn, L, D), jnp.bfloat16),
            jax.ShapeDtypeStruct((Bn, L, 1), f32),
            jax.ShapeDtypeStruct((Bn, L, D), jnp.bfloat16),
        ],
    )(x, si_col, in_proj_w, w9, cb, xpw, dtw, dtb, alog)

    sc_call = pl.kernel(
        _sc_tree,
        out_type=jax.ShapeDtypeStruct((Bn, NK, 2, LR // 8, 8, 128), f32),
        mesh=plsc.VectorSubcoreMesh(core_axis_name="c", subcore_axis_name="s",
                                    num_cores=2, num_subcores=16),
        compiler_params=pltpu.CompilerParams(needs_layout_passes=False,
                                             use_tc_tiling_on_sc=False),
        scratch_types=[
            pltpu.VMEM((3, LR // 8, 8, 128), f32),
            pltpu.VMEM((2, LR // 8, 8, 128), f32),
            pltpu.VMEM((Bn * L,), jnp.int32),
        ],
    )
    h4 = sc_call(fea, sp_flat)

    y = pl.pallas_call(
        _post_body,
        grid=(Bn // NBB,),
        in_specs=[
            pl.BlockSpec((NBB, NK, 2, LR // 8, 8, 128),
                         lambda b: (b, 0, 0, 0, 0, 0)),
            pl.BlockSpec((NBB, 1, L), lambda b: (b, 0, 0)),
            pl.BlockSpec((NBB, L, 1), lambda b: (b, 0, 0)),
            pl.BlockSpec((NBB, L, D), lambda b: (b, 0, 0)),
            pl.BlockSpec((NBB, L, D), lambda b: (b, 0, 0)),
            pl.BlockSpec((1, D), rep2),
            pl.BlockSpec((1, D), rep2),
            pl.BlockSpec((1, D), rep2),
            pl.BlockSpec((1, D), rep2),
            pl.BlockSpec((1, D), rep2),
            pl.BlockSpec((dm, D), rep2),
        ],
        out_specs=pl.BlockSpec((NBB, L, dm), lambda b: (b, 0, 0)),
        out_shape=jax.ShapeDtypeStruct((Bn, L, dm), f32),
    )(h4, si_row, ccv, xcv, zv, ds2, ong, onb, hng, hnb, out_proj_w)

    return y.reshape(Bn, Hn, Wn, dm)

# --- scband reference (transcript-rebuilt; emitter-appended) ---
"""Pipeline reference for scband-tree-ssm-25795573580018 (READ-ONLY COPY).

The authoritative reference and input builder live on the scoring server;
editing this copy changes nothing except your own understanding.
"""

import jax, jax.numpy as jnp
import numpy as np

B = 8; Hh = 14; Ww = 14; D_MODEL = 384; D_INNER = 768; DT_RANK = 24; N_STATE = 1; L = Hh * Ww


def _silu(v):
    return v * jax.nn.sigmoid(v)


def _layernorm(v, g, b, eps=1e-5):
    m = jnp.mean(v, axis=-1, keepdims=True)
    var = jnp.var(v, axis=-1, keepdims=True)
    return (v - m) / jnp.sqrt(var + eps) * g + b


def _tree_recurrence(feat_in, edge_weight, si, sp):
    Bn, Dn, Ln = feat_in.shape
    bidx = jnp.arange(Bn)[:, None]
    didx = jnp.arange(Dn)[None, :]
    h0 = jnp.zeros((Bn, Dn, Ln), feat_in.dtype)
    hb0 = jnp.zeros((Bn, Dn, Ln), feat_in.dtype)

    def step(carry, t):
        h, h_bfs = carry
        nid = si[:, t]
        par = sp[:, t]
        fx = feat_in[bidx, didx, nid[:, None]]
        ea = edge_weight[bidx, didx, nid[:, None]]
        is_root = par == -1
        safe_par = jnp.clip(par, 0, Ln - 1)
        h_par = h_bfs[bidx, didx, safe_par[:, None]]
        h_par = jnp.where(is_root[:, None], 0.0, h_par)
        h_new = ea * h_par + fx
        h = h.at[bidx, didx, nid[:, None]].set(h_new)
        h_bfs = h_bfs.at[:, :, t].set(h_new)
        return (h, h_bfs), None

    (h, _), _ = jax.lax.scan(step, (h0, hb0), jnp.arange(si.shape[1]))
    return h


def _forward(x, bfs_indices, bfs_parents, in_proj_w, conv_w, conv_b, x_proj_weight, dt_projs_weight, dt_projs_bias, A_logs, Ds, out_norm_g, out_norm_b, h_norm_g, h_norm_b, out_proj_w):
    Bn, Hn, Wn, _ = x.shape
    Ln = Hn * Wn
    xz = x @ in_proj_w.T
    d_expand = in_proj_w.shape[0] // 2
    xp, z = xz[..., :d_expand], xz[..., d_expand:]
    xc = jnp.transpose(xp, (0, 3, 1, 2))
    xc = jax.lax.conv_general_dilated(xc, conv_w, (1, 1), 'SAME', feature_group_count=d_expand, dimension_numbers=('NCHW', 'OIHW', 'NCHW')) + conv_b[None, :, None, None]
    xc = _silu(xc)
    xs = xc.reshape(Bn, 1, d_expand, Ln)
    x_dbl = jnp.einsum('bkdl,kcd->bkcl', xs, x_proj_weight)
    dt_rank = dt_projs_weight.shape[2]
    Nn = A_logs.shape[1]
    dts = x_dbl[:, :, :dt_rank, :]
    Bs = x_dbl[:, :, dt_rank:dt_rank + Nn, :]
    Cs = x_dbl[:, :, dt_rank + Nn:dt_rank + 2 * Nn, :]
    dts = jnp.einsum('bkrl,kdr->bkdl', dts, dt_projs_weight)
    xs_flat = xs.reshape(Bn, -1, Ln)
    dts_flat = dts.reshape(Bn, -1, Ln)
    As = -jnp.exp(A_logs.astype(jnp.float32))
    delta_bias = dt_projs_bias.reshape(-1)
    dts_flat = jax.nn.softplus(dts_flat + delta_bias[None, :, None])
    dA = jnp.exp(dts_flat * (-As[:, 0])[None, :, None])
    dBx = dts_flat * Bs[:, 0, 0, :][:, None, :] * xs_flat
    h = _tree_recurrence(dBx, dA, bfs_indices, bfs_parents)
    h = jnp.transpose(_layernorm(jnp.transpose(h, (0, 2, 1)), h_norm_g, h_norm_b), (0, 2, 1))
    Cc = Cs[:, 0, 0, :]
    y = h * Cc[:, None, :] + Ds[None, :, None] * xs_flat
    y = _layernorm(jnp.transpose(y, (0, 2, 1)), out_norm_g, out_norm_b)
    y = y.reshape(Bn, Hn, Wn, -1)
    y = y * _silu(z)
    return y @ out_proj_w.T


def setup_inputs(seed: int = 0):
    key = jax.random.key(seed)
    ks = jax.random.split(key, 10)
    x = jax.random.normal(ks[0], (B, Hh, Ww, D_MODEL), jnp.float32)
    si = jax.random.randint(ks[1], (B, L), 0, L, dtype=jnp.int32)
    sp = jax.random.randint(ks[2], (B, L), 0, L, dtype=jnp.int32)
    sp = sp.at[:, 0].set(-1)
    in_proj_w = jax.random.normal(ks[3], (2 * D_INNER, D_MODEL), jnp.float32) / np.sqrt(D_MODEL)
    conv_w = jax.random.normal(ks[4], (D_INNER, 1, 3, 3), jnp.float32) * 0.1
    conv_b = jnp.zeros((D_INNER,), jnp.float32)
    x_proj_weight = jax.random.normal(ks[5], (1, DT_RANK + 2 * N_STATE, D_INNER), jnp.float32) / np.sqrt(D_INNER)
    dt_projs_weight = jax.random.normal(ks[6], (1, D_INNER, DT_RANK), jnp.float32) * 0.01
    dt_projs_bias = jnp.full((1, D_INNER), -4.6, jnp.float32)
    A_logs = jnp.zeros((D_INNER, N_STATE), jnp.float32)
    Ds = jnp.ones((D_INNER,), jnp.float32)
    out_norm_g = jnp.ones((D_INNER,), jnp.float32)
    out_norm_b = jnp.zeros((D_INNER,), jnp.float32)
    h_norm_g = jnp.ones((D_INNER,), jnp.float32)
    h_norm_b = jnp.zeros((D_INNER,), jnp.float32)
    out_proj_w = jax.random.normal(ks[7], (D_MODEL, D_INNER), jnp.float32) / np.sqrt(D_INNER)
    return {'x': x, 'bfs_indices': si, 'bfs_parents': sp, 'in_proj_w': in_proj_w, 'conv_w': conv_w, 'conv_b': conv_b, 'x_proj_weight': x_proj_weight, 'dt_projs_weight': dt_projs_weight, 'dt_projs_bias': dt_projs_bias, 'A_logs': A_logs, 'Ds': Ds, 'out_norm_g': out_norm_g, 'out_norm_b': out_norm_b, 'h_norm_g': h_norm_g, 'h_norm_b': h_norm_b, 'out_proj_w': out_proj_w}


def reference(x, bfs_indices, bfs_parents, in_proj_w, conv_w, conv_b, x_proj_weight, dt_projs_weight, dt_projs_bias, A_logs, Ds, out_norm_g, out_norm_b, h_norm_g, h_norm_b, out_proj_w):
    return _forward(x, bfs_indices, bfs_parents, in_proj_w, conv_w, conv_b, x_proj_weight, dt_projs_weight, dt_projs_bias, A_logs, Ds, out_norm_g, out_norm_b, h_norm_g, h_norm_b, out_proj_w)

if __name__ == "__main__":
    import jax
    _d = setup_inputs()
    print(jax.jit(kernel)(*tuple(_d.values())))

</pallas_src>

<mosaic_0001>
#map = affine_map<(d0, d1) -> (0, 0, 0, 0, 0, 0)>
#map1 = affine_map<(d0, d1) -> (0)>
module attributes {stable_mosaic.version = 14 : i64} {
  func.func @_sc_tree(%arg0: i32, %arg1: i32, %arg2: memref<8x4x3x25x8x128xf32, #tpu.memory_space<hbm>>, %arg3: memref<1568xi32, #tpu.memory_space<hbm>>, %arg4: memref<8x4x2x25x8x128xf32, #tpu.memory_space<hbm>>, %arg5: memref<3x25x8x128xf32, #tpu.memory_space<vmem>>, %arg6: memref<2x25x8x128xf32, #tpu.memory_space<vmem>>, %arg7: memref<1568xi32, #tpu.memory_space<vmem>>) attributes {dimension_semantics = [#tpu.dimension_semantics<core_parallel>, #tpu.dimension_semantics<subcore_parallel>], iteration_bounds = array<i64: 2, 16>, scalar_prefetch = 0 : i64, scratch_operands = 3 : i64, tpu.core_type = #tpu.core_type<sc_vector_subcore>, window_params = [{transform_indices = #map}, {transform_indices = #map1}, {transform_indices = #map}]} {
    %mul3A = arith.constant 2 : i32
    %mul3A_0 = arith.muli %arg1, %mul3A : i32
    %add3A = arith.addi %mul3A_0, %arg0 : i32
    %jit3A = arith.constant 8 : i32
    %eq3A = arith.constant 0 : i32
    %eq3A_1 = arith.cmpi eq, %jit3A, %eq3A : i32
    %jit3A_2 = arith.constant 1 : i32
    %select_n3A = arith.select %eq3A_1, %jit3A_2, %jit3A : i32
    %rem3A = arith.remsi %add3A, %select_n3A : i32
    %ne3A = arith.constant 0 : i32
    %ne3A_3 = arith.cmpi ne, %rem3A, %ne3A : i32
    %lt3A = arith.constant 0 : i32
    %lt3A_4 = arith.cmpi slt, %rem3A, %lt3A : i32
    %lt3A_5 = arith.constant 0 : i32
    %lt3A_6 = arith.cmpi slt, %select_n3A, %lt3A_5 : i32
    %ne3A_7 = arith.xori %lt3A_4, %lt3A_6 : i1
    %and3A = arith.andi %ne3A_7, %ne3A_3 : i1
    %add3A_8 = arith.addi %rem3A, %select_n3A : i32
    %select_n3A_9 = arith.select %and3A, %add3A_8, %rem3A : i32
    %jit3A_10 = arith.constant 8 : i32
    %div3A = arith.divsi %add3A, %jit3A_10 : i32
    %sign3A = arith.constant 0 : i32
    %sign3A_11 = arith.cmpi sgt, %add3A, %sign3A : i32
    %sign3A_12 = arith.extui %sign3A_11 : i1 to i32
    %sign3A_13 = arith.constant 0 : i32
    %sign3A_14 = arith.cmpi slt, %add3A, %sign3A_13 : i32
    %sign3A_15 = arith.extui %sign3A_14 : i1 to i32
    %sign3A_16 = arith.subi %sign3A_12, %sign3A_15 : i32
    %sign3A_17 = arith.constant 0 : i32
    %sign3A_18 = arith.cmpi sgt, %jit3A_10, %sign3A_17 : i32
    %sign3A_19 = arith.extui %sign3A_18 : i1 to i32
    %sign3A_20 = arith.constant 0 : i32
    %sign3A_21 = arith.cmpi slt, %jit3A_10, %sign3A_20 : i32
    %sign3A_22 = arith.extui %sign3A_21 : i1 to i32
    %sign3A_23 = arith.subi %sign3A_19, %sign3A_22 : i32
    %ne3A_24 = arith.cmpi ne, %sign3A_16, %sign3A_23 : i32
    %rem3A_25 = arith.remsi %add3A, %jit3A_10 : i32
    %ne3A_26 = arith.constant 0 : i32
    %ne3A_27 = arith.cmpi ne, %rem3A_25, %ne3A_26 : i32
    %and3A_28 = arith.andi %ne3A_24, %ne3A_27 : i1
    %sub3A = arith.constant 1 : i32
    %sub3A_29 = arith.subi %div3A, %sub3A : i32
    %select_n3A_30 = arith.select %and3A_28, %sub3A_29, %div3A : i32
    "tpu.region"() ({
      %run_scoped3A = tpu.sem_alloc : memref<!tpu.dma_semaphore, #tpu.memory_space<semaphore_mem>>
      %dma_start3A = arith.constant 0 : i32
      %dma_start3A_38 = arith.constant 0 : i32
      %dma_start3A_39 = arith.constant 0 : i32
      %dma_start3A_40 = arith.constant 0 : i32
      %dma_start3A_41 = tpu.memref_slice %arg2[%select_n3A_9, %select_n3A_30, %dma_start3A, %dma_start3A_38, %dma_start3A_39, %dma_start3A_40] : memref<8x4x3x25x8x128xf32, #tpu.memory_space<hbm>> -> memref<1x1x3x25x8x128xf32, #tpu.memory_space<hbm>>
      %dma_start3A_42 = tpu.memref_squeeze %dma_start3A_41 : memref<1x1x3x25x8x128xf32, #tpu.memory_space<hbm>> -> memref<3x25x8x128xf32, #tpu.memory_space<hbm>>
      %dma_start3A_43 = arith.constant 0 : i32
      %dma_start3A_44 = arith.constant 0 : i32
      %dma_start3A_45 = arith.constant 0 : i32
      %dma_start3A_46 = arith.constant 0 : i32
      %dma_start3A_47 = tpu.memref_slice %arg2[%select_n3A_9, %select_n3A_30, %dma_start3A_43, %dma_start3A_44, %dma_start3A_45, %dma_start3A_46] : memref<8x4x3x25x8x128xf32, #tpu.memory_space<hbm>> -> memref<1x1x3x25x8x128xf32, #tpu.memory_space<hbm>>
      %dma_start3A_48 = tpu.memref_squeeze %dma_start3A_47 : memref<1x1x3x25x8x128xf32, #tpu.memory_space<hbm>> -> memref<3x25x8x128xf32, #tpu.memory_space<hbm>>
      tpu.enqueue_dma source(%dma_start3A_48 : memref<3x25x8x128xf32, #tpu.memory_space<hbm>>) target(%arg5 : memref<3x25x8x128xf32, #tpu.memory_space<vmem>>) target_semaphore(%run_scoped3A : memref<!tpu.dma_semaphore, #tpu.memory_space<semaphore_mem>>)
      %dma_wait3A = arith.constant 0 : i32
      %dma_wait3A_49 = arith.constant 0 : i32
      %dma_wait3A_50 = arith.constant 0 : i32
      %dma_wait3A_51 = arith.constant 0 : i32
      %dma_wait3A_52 = tpu.memref_slice %arg2[%select_n3A_9, %select_n3A_30, %dma_wait3A, %dma_wait3A_49, %dma_wait3A_50, %dma_wait3A_51] : memref<8x4x3x25x8x128xf32, #tpu.memory_space<hbm>> -> memref<1x1x3x25x8x128xf32, #tpu.memory_space<hbm>>
      %dma_wait3A_53 = tpu.memref_squeeze %dma_wait3A_52 : memref<1x1x3x25x8x128xf32, #tpu.memory_space<hbm>> -> memref<3x25x8x128xf32, #tpu.memory_space<hbm>>
      %dma_wait3A_54 = arith.constant 0 : i32
      %dma_wait3A_55 = arith.constant 0 : i32
      %dma_wait3A_56 = arith.constant 0 : i32
      %dma_wait3A_57 = arith.constant 0 : i32
      %dma_wait3A_58 = tpu.memref_slice %arg2[%select_n3A_9, %select_n3A_30, %dma_wait3A_54, %dma_wait3A_55, %dma_wait3A_56, %dma_wait3A_57] : memref<8x4x3x25x8x128xf32, #tpu.memory_space<hbm>> -> memref<1x1x3x25x8x128xf32, #tpu.memory_space<hbm>>
      %dma_wait3A_59 = tpu.memref_squeeze %dma_wait3A_58 : memref<1x1x3x25x8x128xf32, #tpu.memory_space<hbm>> -> memref<3x25x8x128xf32, #tpu.memory_space<hbm>>
      tpu.wait_dma2 semaphore(%run_scoped3A : memref<!tpu.dma_semaphore, #tpu.memory_space<semaphore_mem>>) src(%dma_wait3A_59 : memref<3x25x8x128xf32, #tpu.memory_space<hbm>>) dst(%arg5 : memref<3x25x8x128xf32, #tpu.memory_space<vmem>>)
      tpu.yield
    }) : () -> ()
    "tpu.region"() ({
      %run_scoped3A = tpu.sem_alloc : memref<!tpu.dma_semaphore, #tpu.memory_space<semaphore_mem>>
      tpu.enqueue_dma source(%arg3 : memref<1568xi32, #tpu.memory_space<hbm>>) target(%arg7 : memref<1568xi32, #tpu.memory_space<vmem>>) target_semaphore(%run_scoped3A : memref<!tpu.dma_semaphore, #tpu.memory_space<semaphore_mem>>)
      tpu.wait_dma2 semaphore(%run_scoped3A : memref<!tpu.dma_semaphore, #tpu.memory_space<semaphore_mem>>) src(%arg3 : memref<1568xi32, #tpu.memory_space<hbm>>) dst(%arg7 : memref<1568xi32, #tpu.memory_space<vmem>>)
      tpu.yield
    }) : () -> ()
    %mul3A_31 = arith.constant 196 : i32
    %mul3A_32 = arith.muli %select_n3A_9, %mul3A_31 : i32
    %iota3A = tpu.iota {dimensions = array<i32: 0>} : vector<16xi32>
    %broadcast_in_dim3A = vector.broadcast %mul3A_32 : i32 to vector<16xi32>
    %gather3A = tpu.vector_load_idx %arg7[%broadcast_in_dim3A] : memref<1568xi32, #tpu.memory_space<vmem>>[vector<16xi32>], vector<16xi32>,
    %scan3A = arith.constant 0 : i32
    %scan3A_33 = arith.constant 196 : i32
    %scan3A_34 = arith.addi %scan3A, %scan3A_33 : i32
    %scan3A_35 = arith.constant 4 : i32
    %scan3A_36 = scf.for %scan3A_38 = %scan3A to %scan3A_34 step %scan3A_35 iter_args(%scan3A_39 = %gather3A) -> (vector<16xi32>)  : i32 {
      %broadcast_in_dim3A_40 = vector.broadcast %scan3A_38 : i32 to vector<16xi32>
      %ge3A = arith.constant 0 : i32
      %ge3A_41 = vector.broadcast %ge3A : i32 to vector<16xi32>
      %ge3A_42 = arith.cmpi sge, %scan3A_39, %ge3A_41 : vector<16xi32>
      %lt3A_43 = arith.cmpi slt, %scan3A_39, %broadcast_in_dim3A_40 : vector<16xi32>
      %and3A_44 = arith.andi %ge3A_42, %lt3A_43 : vector<16xi1>
      %max3A = arith.constant 0 : i32
      %max3A_45 = vector.broadcast %max3A : i32 to vector<16xi32>
      %max3A_46 = arith.maxsi %scan3A_39, %max3A_45 : vector<16xi32>
      %jit3A_47 = arith.constant 8 : i32
      %div3A_48 = arith.divsi %scan3A_38, %jit3A_47 : i32
      %sign3A_49 = arith.constant 0 : i32
      %sign3A_50 = arith.cmpi sgt, %scan3A_38, %sign3A_49 : i32
      %sign3A_51 = arith.extui %sign3A_50 : i1 to i32
      %sign3A_52 = arith.constant 0 : i32
      %sign3A_53 = arith.cmpi slt, %scan3A_38, %sign3A_52 : i32
      %sign3A_54 = arith.extui %sign3A_53 : i1 to i32
      %sign3A_55 = arith.subi %sign3A_51, %sign3A_54 : i32
      %sign3A_56 = arith.constant 0 : i32
      %sign3A_57 = arith.cmpi sgt, %jit3A_47, %sign3A_56 : i32
      %sign3A_58 = arith.extui %sign3A_57 : i1 to i32
      %sign3A_59 = arith.constant 0 : i32
      %sign3A_60 = arith.cmpi slt, %jit3A_47, %sign3A_59 : i32
      %sign3A_61 = arith.extui %sign3A_60 : i1 to i32
      %sign3A_62 = arith.subi %sign3A_58, %sign3A_61 : i32
      %ne3A_63 = arith.cmpi ne, %sign3A_55, %sign3A_62 : i32
      %rem3A_64 = arith.remsi %scan3A_38, %jit3A_47 : i32
      %ne3A_65 = arith.constant 0 : i32
      %ne3A_66 = arith.cmpi ne, %rem3A_64, %ne3A_65 : i32
      %and3A_67 = arith.andi %ne3A_63, %ne3A_66 : i1
      %sub3A_68 = arith.constant 1 : i32
      %sub3A_69 = arith.subi %div3A_48, %sub3A_68 : i32
      %select_n3A_70 = arith.select %and3A_67, %sub3A_69, %div3A_48 : i32
      %jit3A_71 = arith.constant 8 : i32
      %eq3A_72 = arith.constant 0 : i32
      %eq3A_73 = arith.cmpi eq, %jit3A_71, %eq3A_72 : i32
      %jit3A_74 = arith.constant 1 : i32
      %select_n3A_75 = arith.select %eq3A_73, %jit3A_74, %jit3A_71 : i32
      %rem3A_76 = arith.remsi %scan3A_38, %select_n3A_75 : i32
      %ne3A_77 = arith.constant 0 : i32
      %ne3A_78 = arith.cmpi ne, %rem3A_76, %ne3A_77 : i32
      %lt3A_79 = arith.constant 0 : i32
      %lt3A_80 = arith.cmpi slt, %rem3A_76, %lt3A_79 : i32
      %lt3A_81 = arith.constant 0 : i32
      %lt3A_82 = arith.cmpi slt, %select_n3A_75, %lt3A_81 : i32
      %ne3A_83 = arith.xori %lt3A_80, %lt3A_82 : i1
      %and3A_84 = arith.andi %ne3A_83, %ne3A_78 : i1
      %add3A_85 = arith.addi %rem3A_76, %select_n3A_75 : i32
      %select_n3A_86 = arith.select %and3A_84, %add3A_85, %rem3A_76 : i32
      %jit3A_87 = arith.constant 8 : i32
      %div3A_88 = vector.broadcast %jit3A_87 : i32 to vector<16xi32>
      %div3A_89 = arith.divsi %max3A_46, %div3A_88 : vector<16xi32>
      %sign3A_90 = arith.constant 0 : i32
      %sign3A_91 = vector.broadcast %sign3A_90 : i32 to vector<16xi32>
      %sign3A_92 = arith.cmpi sgt, %max3A_46, %sign3A_91 : vector<16xi32>
      %sign3A_93 = arith.extui %sign3A_92 : vector<16xi1> to vector<16xi32>
      %sign3A_94 = arith.constant 0 : i32
      %sign3A_95 = vector.broadcast %sign3A_94 : i32 to vector<16xi32>
      %sign3A_96 = arith.cmpi slt, %max3A_46, %sign3A_95 : vector<16xi32>
      %sign3A_97 = arith.extui %sign3A_96 : vector<16xi1> to vector<16xi32>
      %sign3A_98 = arith.subi %sign3A_93, %sign3A_97 : vector<16xi32>
      %sign3A_99 = arith.constant 0 : i32
      %sign3A_100 = arith.cmpi sgt, %jit3A_87, %sign3A_99 : i32
      %sign3A_101 = arith.extui %sign3A_100 : i1 to i32
      %sign3A_102 = arith.constant 0 : i32
      %sign3A_103 = arith.cmpi slt, %jit3A_87, %sign3A_102 : i32
      %sign3A_104 = arith.extui %sign3A_103 : i1 to i32
      %sign3A_105 = arith.subi %sign3A_101, %sign3A_104 : i32
      %ne3A_106 = vector.broadcast %sign3A_105 : i32 to vector<16xi32>
      %ne3A_107 = arith.cmpi ne, %sign3A_98, %ne3A_106 : vector<16xi32>
      %rem3A_108 = vector.broadcast %jit3A_87 : i32 to vector<16xi32>
      %rem3A_109 = arith.remsi %max3A_46, %rem3A_108 : vector<16xi32>
      %ne3A_110 = arith.constant 0 : i32
      %ne3A_111 = vector.broadcast %ne3A_110 : i32 to vector<16xi32>
      %ne3A_112 = arith.cmpi ne, %rem3A_109, %ne3A_111 : vector<16xi32>
      %and3A_113 = arith.andi %ne3A_107, %ne3A_112 : vector<16xi1>
      %sub3A_114 = arith.constant 1 : i32
      %sub3A_115 = vector.broadcast %sub3A_114 : i32 to vector<16xi32>
      %sub3A_116 = arith.subi %div3A_89, %sub3A_115 : vector<16xi32>
      %select_n3A_117 = arith.select %and3A_113, %sub3A_116, %div3A_89 : vector<16xi1>, vector<16xi32>
      %jit3A_118 = arith.constant 8 : i32
      %eq3A_119 = arith.constant 0 : i32
      %eq3A_120 = arith.cmpi eq, %jit3A_118, %eq3A_119 : i32
      %jit3A_121 = arith.constant 1 : i32
      %select_n3A_122 = arith.select %eq3A_120, %jit3A_121, %jit3A_118 : i32
      %rem3A_123 = vector.broadcast %select_n3A_122 : i32 to vector<16xi32>
      %rem3A_124 = arith.remsi %max3A_46, %rem3A_123 : vector<16xi32>
      %ne3A_125 = arith.constant 0 : i32
      %ne3A_126 = vector.broadcast %ne3A_125 : i32 to vector<16xi32>
      %ne3A_127 = arith.cmpi ne, %rem3A_124, %ne3A_126 : vector<16xi32>
      %lt3A_128 = arith.constant 0 : i32
      %lt3A_129 = vector.broadcast %lt3A_128 : i32 to vector<16xi32>
      %lt3A_130 = arith.cmpi slt, %rem3A_124, %lt3A_129 : vector<16xi32>
      %lt3A_131 = arith.constant 0 : i32
      %lt3A_132 = arith.cmpi slt, %select_n3A_122, %lt3A_131 : i32
      %ne3A_133 = vector.broadcast %lt3A_132 : i1 to vector<16xi1>
      %ne3A_134 = vector.broadcast %ne3A_133 : vector<16xi1> to vector<16xi1>
      %ne3A_135 = arith.xori %lt3A_130, %ne3A_134 : vector<16xi1>
      %and3A_136 = arith.andi %ne3A_135, %ne3A_127 : vector<16xi1>
      %add3A_137 = vector.broadcast %select_n3A_122 : i32 to vector<16xi32>
      %add3A_138 = arith.addi %rem3A_124, %add3A_137 : vector<16xi32>
      %select_n3A_139 = arith.select %and3A_136, %add3A_138, %rem3A_124 : vector<16xi1>, vector<16xi32>
      %add3A_140 = arith.addi %mul3A_32, %scan3A_38 : i32
      %add3A_141 = arith.constant 1 : i32
      %add3A_142 = arith.addi %add3A_140, %add3A_141 : i32
      %min3A = arith.constant 1567 : i32
      %min3A_143 = arith.minsi %add3A_142, %min3A : i32
      %broadcast_in_dim3A_144 = vector.broadcast %min3A_143 : i32 to vector<16xi32>
      %gather3A_145 = tpu.vector_load_idx %arg7[%broadcast_in_dim3A_144] : memref<1568xi32, #tpu.memory_space<vmem>>[vector<16xi32>], vector<16xi32>,
      %broadcast_in_dim3A_146 = arith.constant 0 : i32
      %broadcast_in_dim3A_147 = vector.broadcast %broadcast_in_dim3A_146 : i32 to vector<16xi32>
      %add3A_148 = arith.constant 0 : i32
      %add3A_149 = vector.broadcast %add3A_148 : i32 to vector<16xi32>
      %add3A_150 = arith.addi %iota3A, %add3A_149 : vector<16xi32>
      %gather3A_151 = tpu.vector_load_idx %arg6[%broadcast_in_dim3A_147, %select_n3A_117, %select_n3A_139, %add3A_150] : memref<2x25x8x128xf32, #tpu.memory_space<vmem>>[vector<16xi32>, vector<16xi32>, vector<16xi32>, vector<16xi32>], vector<16xf32>,
      %jit3A_152 = arith.constant 0.000000e+00 : f32
      %broadcast_in_dim3A_153 = vector.broadcast %jit3A_152 : f32 to vector<16xf32>
      %select_n3A_154 = arith.select %and3A_44, %gather3A_151, %broadcast_in_dim3A_153 : vector<16xi1>, vector<16xf32>
      %broadcast_in_dim3A_155 = arith.constant 0 : i32
      %broadcast_in_dim3A_156 = vector.broadcast %broadcast_in_dim3A_155 : i32 to vector<16xi32>
      %add3A_157 = arith.constant 16 : i32
      %add3A_158 = vector.broadcast %add3A_157 : i32 to vector<16xi32>
      %add3A_159 = arith.addi %iota3A, %add3A_158 : vector<16xi32>
      %gather3A_160 = tpu.vector_load_idx %arg6[%broadcast_in_dim3A_156, %select_n3A_117, %select_n3A_139, %add3A_159] : memref<2x25x8x128xf32, #tpu.memory_space<vmem>>[vector<16xi32>, vector<16xi32>, vector<16xi32>, vector<16xi32>], vector<16xf32>,
      %jit3A_161 = arith.constant 0.000000e+00 : f32
      %broadcast_in_dim3A_162 = vector.broadcast %jit3A_161 : f32 to vector<16xf32>
      %select_n3A_163 = arith.select %and3A_44, %gather3A_160, %broadcast_in_dim3A_162 : vector<16xi1>, vector<16xf32>
      %broadcast_in_dim3A_164 = arith.constant 0 : i32
      %broadcast_in_dim3A_165 = vector.broadcast %broadcast_in_dim3A_164 : i32 to vector<16xi32>
      %add3A_166 = arith.constant 32 : i32
      %add3A_167 = vector.broadcast %add3A_166 : i32 to vector<16xi32>
      %add3A_168 = arith.addi %iota3A, %add3A_167 : vector<16xi32>
      %gather3A_169 = tpu.vector_load_idx %arg6[%broadcast_in_dim3A_165, %select_n3A_117, %select_n3A_139, %add3A_168] : memref<2x25x8x128xf32, #tpu.memory_space<vmem>>[vector<16xi32>, vector<16xi32>, vector<16xi32>, vector<16xi32>], vector<16xf32>,
      %jit3A_170 = arith.constant 0.000000e+00 : f32
      %broadcast_in_dim3A_171 = vector.broadcast %jit3A_170 : f32 to vector<16xf32>
      %select_n3A_172 = arith.select %and3A_44, %gather3A_169, %broadcast_in_dim3A_171 : vector<16xi1>, vector<16xf32>
      %broadcast_in_dim3A_173 = arith.constant 0 : i32
      %broadcast_in_dim3A_174 = vector.broadcast %broadcast_in_dim3A_173 : i32 to vector<16xi32>
      %add3A_175 = arith.constant 48 : i32
      %add3A_176 = vector.broadcast %add3A_175 : i32 to vector<16xi32>
      %add3A_177 = arith.addi %iota3A, %add3A_176 : vector<16xi32>
      %gather3A_178 = tpu.vector_load_idx %arg6[%broadcast_in_dim3A_174, %select_n3A_117, %select_n3A_139, %add3A_177] : memref<2x25x8x128xf32, #tpu.memory_space<vmem>>[vector<16xi32>, vector<16xi32>, vector<16xi32>, vector<16xi32>], vector<16xf32>,
      %jit3A_179 = arith.constant 0.000000e+00 : f32
      %broadcast_in_dim3A_180 = vector.broadcast %jit3A_179 : f32 to vector<16xf32>
      %select_n3A_181 = arith.select %and3A_44, %gather3A_178, %broadcast_in_dim3A_180 : vector<16xi1>, vector<16xf32>
      %broadcast_in_dim3A_182 = arith.constant 0 : i32
      %broadcast_in_dim3A_183 = vector.broadcast %broadcast_in_dim3A_182 : i32 to vector<16xi32>
      %add3A_184 = arith.constant 64 : i32
      %add3A_185 = vector.broadcast %add3A_184 : i32 to vector<16xi32>
      %add3A_186 = arith.addi %iota3A, %add3A_185 : vector<16xi32>
      %gather3A_187 = tpu.vector_load_idx %arg6[%broadcast_in_dim3A_183, %select_n3A_117, %select_n3A_139, %add3A_186] : memref<2x25x8x128xf32, #tpu.memory_space<vmem>>[vector<16xi32>, vector<16xi32>, vector<16xi32>, vector<16xi32>], vector<16xf32>,
      %jit3A_188 = arith.constant 0.000000e+00 : f32
      %broadcast_in_dim3A_189 = vector.broadcast %jit3A_188 : f32 to vector<16xf32>
      %select_n3A_190 = arith.select %and3A_44, %gather3A_187, %broadcast_in_dim3A_189 : vector<16xi1>, vector<16xf32>
      %broadcast_in_dim3A_191 = arith.constant 0 : i32
      %broadcast_in_dim3A_192 = vector.broadcast %broadcast_in_dim3A_191 : i32 to vector<16xi32>
      %add3A_193 = arith.constant 80 : i32
      %add3A_194 = vector.broadcast %add3A_193 : i32 to vector<16xi32>
      %add3A_195 = arith.addi %iota3A, %add3A_194 : vector<16xi32>
      %gather3A_196 = tpu.vector_load_idx %arg6[%broadcast_in_dim3A_192, %select_n3A_117, %select_n3A_139, %add3A_195] : memref<2x25x8x128xf32, #tpu.memory_space<vmem>>[vector<16xi32>, vector<16xi32>, vector<16xi32>, vector<16xi32>], vector<16xf32>,
      %jit3A_197 = arith.constant 0.000000e+00 : f32
      %broadcast_in_dim3A_198 = vector.broadcast %jit3A_197 : f32 to vector<16xf32>
      %select_n3A_199 = arith.select %and3A_44, %gather3A_196, %broadcast_in_dim3A_198 : vector<16xi1>, vector<16xf32>
      %broadcast_in_dim3A_200 = arith.constant 0 : i32
      %broadcast_in_dim3A_201 = vector.broadcast %broadcast_in_dim3A_200 : i32 to vector<16xi32>
      %add3A_202 = arith.constant 96 : i32
      %add3A_203 = vector.broadcast %add3A_202 : i32 to vector<16xi32>
      %add3A_204 = arith.addi %iota3A, %add3A_203 : vector<16xi32>
      %gather3A_205 = tpu.vector_load_idx %arg6[%broadcast_in_dim3A_201, %select_n3A_117, %select_n3A_139, %add3A_204] : memref<2x25x8x128xf32, #tpu.memory_space<vmem>>[vector<16xi32>, vector<16xi32>, vector<16xi32>, vector<16xi32>], vector<16xf32>,
      %jit3A_206 = arith.constant 0.000000e+00 : f32
      %broadcast_in_dim3A_207 = vector.broadcast %jit3A_206 : f32 to vector<16xf32>
      %select_n3A_208 = arith.select %and3A_44, %gather3A_205, %broadcast_in_dim3A_207 : vector<16xi1>, vector<16xf32>
      %broadcast_in_dim3A_209 = arith.constant 0 : i32
      %broadcast_in_dim3A_210 = vector.broadcast %broadcast_in_dim3A_209 : i32 to vector<16xi32>
      %add3A_211 = arith.constant 112 : i32
      %add3A_212 = vector.broadcast %add3A_211 : i32 to vector<16xi32>
      %add3A_213 = arith.addi %iota3A, %add3A_212 : vector<16xi32>
      %gather3A_214 = tpu.vector_load_idx %arg6[%broadcast_in_dim3A_210, %select_n3A_117, %select_n3A_139, %add3A_213] : memref<2x25x8x128xf32, #tpu.memory_space<vmem>>[vector<16xi32>, vector<16xi32>, vector<16xi32>, vector<16xi32>], vector<16xf32>,
      %jit3A_215 = arith.constant 0.000000e+00 : f32
      %broadcast_in_dim3A_216 = vector.broadcast %jit3A_215 : f32 to vector<16xf32>
      %select_n3A_217 = arith.select %and3A_44, %gather3A_214, %broadcast_in_dim3A_216 : vector<16xi1>, vector<16xf32>
      %broadcast_in_dim3A_218 = arith.constant 1 : i32
      %broadcast_in_dim3A_219 = vector.broadcast %broadcast_in_dim3A_218 : i32 to vector<16xi32>
      %add3A_220 = arith.constant 0 : i32
      %add3A_221 = vector.broadcast %add3A_220 : i32 to vector<16xi32>
      %add3A_222 = arith.addi %iota3A, %add3A_221 : vector<16xi32>
      %gather3A_223 = tpu.vector_load_idx %arg6[%broadcast_in_dim3A_219, %select_n3A_117, %select_n3A_139, %add3A_222] : memref<2x25x8x128xf32, #tpu.memory_space<vmem>>[vector<16xi32>, vector<16xi32>, vector<16xi32>, vector<16xi32>], vector<16xf32>,
      %jit3A_224 = arith.constant 0.000000e+00 : f32
      %broadcast_in_dim3A_225 = vector.broadcast %jit3A_224 : f32 to vector<16xf32>
      %select_n3A_226 = arith.select %and3A_44, %gather3A_223, %broadcast_in_dim3A_225 : vector<16xi1>, vector<16xf32>
      %broadcast_in_dim3A_227 = arith.constant 1 : i32
      %broadcast_in_dim3A_228 = vector.broadcast %broadcast_in_dim3A_227 : i32 to vector<16xi32>
      %add3A_229 = arith.constant 16 : i32
      %add3A_230 = vector.broadcast %add3A_229 : i32 to vector<16xi32>
      %add3A_231 = arith.addi %iota3A, %add3A_230 : vector<16xi32>
      %gather3A_232 = tpu.vector_load_idx %arg6[%broadcast_in_dim3A_228, %select_n3A_117, %select_n3A_139, %add3A_231] : memref<2x25x8x128xf32, #tpu.memory_space<vmem>>[vector<16xi32>, vector<16xi32>, vector<16xi32>, vector<16xi32>], vector<16xf32>,
      %jit3A_233 = arith.constant 0.000000e+00 : f32
      %broadcast_in_dim3A_234 = vector.broadcast %jit3A_233 : f32 to vector<16xf32>
      %select_n3A_235 = arith.select %and3A_44, %gather3A_232, %broadcast_in_dim3A_234 : vector<16xi1>, vector<16xf32>
      %broadcast_in_dim3A_236 = arith.constant 1 : i32
      %broadcast_in_dim3A_237 = vector.broadcast %broadcast_in_dim3A_236 : i32 to vector<16xi32>
      %add3A_238 = arith.constant 32 : i32
      %add3A_239 = vector.broadcast %add3A_238 : i32 to vector<16xi32>
      %add3A_240 = arith.addi %iota3A, %add3A_239 : vector<16xi32>
      %gather3A_241 = tpu.vector_load_idx %arg6[%broadcast_in_dim3A_237, %select_n3A_117, %select_n3A_139, %add3A_240] : memref<2x25x8x128xf32, #tpu.memory_space<vmem>>[vector<16xi32>, vector<16xi32>, vector<16xi32>, vector<16xi32>], vector<16xf32>,
      %jit3A_242 = arith.constant 0.000000e+00 : f32
      %broadcast_in_dim3A_243 = vector.broadcast %jit3A_242 : f32 to vector<16xf32>
      %select_n3A_244 = arith.select %and3A_44, %gather3A_241, %broadcast_in_dim3A_243 : vector<16xi1>, vector<16xf32>
      %broadcast_in_dim3A_245 = arith.constant 1 : i32
      %broadcast_in_dim3A_246 = vector.broadcast %broadcast_in_dim3A_245 : i32 to vector<16xi32>
      %add3A_247 = arith.constant 48 : i32
      %add3A_248 = vector.broadcast %add3A_247 : i32 to vector<16xi32>
      %add3A_249 = arith.addi %iota3A, %add3A_248 : vector<16xi32>
      %gather3A_250 = tpu.vector_load_idx %arg6[%broadcast_in_dim3A_246, %select_n3A_117, %select_n3A_139, %add3A_249] : memref<2x25x8x128xf32, #tpu.memory_space<vmem>>[vector<16xi32>, vector<16xi32>, vector<16xi32>, vector<16xi32>], vector<16xf32>,
      %jit3A_251 = arith.constant 0.000000e+00 : f32
      %broadcast_in_dim3A_252 = vector.broadcast %jit3A_251 : f32 to vector<16xf32>
      %select_n3A_253 = arith.select %and3A_44, %gather3A_250, %broadcast_in_dim3A_252 : vector<16xi1>, vector<16xf32>
      %get3A = arith.constant 0 : i32
      %get3A_254 = arith.index_cast %get3A : i32 to index
      %get3A_255 = arith.index_cast %select_n3A_70 : i32 to index
      %get3A_256 = arith.index_cast %select_n3A_86 : i32 to index
      %get3A_257 = arith.constant 0 : index
      %get3A_258 = tpu.vector_load %arg5[%get3A_254, %get3A_255, %get3A_256, %get3A_257] {strides = array<i32>} : memref<3x25x8x128xf32, #tpu.memory_space<vmem>>, vector<16xf32>,
      %get3A_259 = arith.constant 1 : i32
      %get3A_260 = arith.index_cast %get3A_259 : i32 to index
      %get3A_261 = arith.index_cast %select_n3A_70 : i32 to index
      %get3A_262 = arith.index_cast %select_n3A_86 : i32 to index
      %get3A_263 = arith.constant 64 : index
      %get3A_264 = tpu.vector_load %arg5[%get3A_260, %get3A_261, %get3A_262, %get3A_263] {strides = array<i32>} : memref<3x25x8x128xf32, #tpu.memory_space<vmem>>, vector<16xf32>,
      %mul3A_265 = arith.mulf %get3A_264, %select_n3A_154 : vector<16xf32>
      %add3A_266 = arith.addf %mul3A_265, %get3A_258 : vector<16xf32>
      %swap3A = arith.constant 0 : i32
      %swap3A_267 = arith.index_cast %swap3A : i32 to index
      %swap3A_268 = arith.index_cast %select_n3A_70 : i32 to index
      %swap3A_269 = arith.index_cast %select_n3A_86 : i32 to index
      %swap3A_270 = arith.constant 0 : index
      %swap3A_271 = tpu.vector_load %arg6[%swap3A_267, %swap3A_268, %swap3A_269, %swap3A_270] {strides = array<i32>} : memref<2x25x8x128xf32, #tpu.memory_space<vmem>>, vector<16xf32>,
      tpu.vector_store %arg6[%swap3A_267, %swap3A_268, %swap3A_269, %swap3A_270], %add3A_266 {strides = array<i32>} : memref<2x25x8x128xf32, #tpu.memory_space<vmem>>, vector<16xf32>,
      %get3A_272 = arith.constant 0 : i32
      %get3A_273 = arith.index_cast %get3A_272 : i32 to index
      %get3A_274 = arith.index_cast %select_n3A_70 : i32 to index
      %get3A_275 = arith.index_cast %select_n3A_86 : i32 to index
      %get3A_276 = arith.constant 16 : index
      %get3A_277 = tpu.vector_load %arg5[%get3A_273, %get3A_274, %get3A_275, %get3A_276] {strides = array<i32>} : memref<3x25x8x128xf32, #tpu.memory_space<vmem>>, vector<16xf32>,
      %get3A_278 = arith.constant 1 : i32
      %get3A_279 = arith.index_cast %get3A_278 : i32 to index
      %get3A_280 = arith.index_cast %select_n3A_70 : i32 to index
      %get3A_281 = arith.index_cast %select_n3A_86 : i32 to index
      %get3A_282 = arith.constant 80 : index
      %get3A_283 = tpu.vector_load %arg5[%get3A_279, %get3A_280, %get3A_281, %get3A_282] {strides = array<i32>} : memref<3x25x8x128xf32, #tpu.memory_space<vmem>>, vector<16xf32>,
      %mul3A_284 = arith.mulf %get3A_283, %select_n3A_163 : vector<16xf32>
      %add3A_285 = arith.addf %mul3A_284, %get3A_277 : vector<16xf32>
      %swap3A_286 = arith.constant 0 : i32
      %swap3A_287 = arith.index_cast %swap3A_286 : i32 to index
      %swap3A_288 = arith.index_cast %select_n3A_70 : i32 to index
      %swap3A_289 = arith.index_cast %select_n3A_86 : i32 to index
      %swap3A_290 = arith.constant 16 : index
      %swap3A_291 = tpu.vector_load %arg6[%swap3A_287, %swap3A_288, %swap3A_289, %swap3A_290] {strides = array<i32>} : memref<2x25x8x128xf32, #tpu.memory_space<vmem>>, vector<16xf32>,
      tpu.vector_store %arg6[%swap3A_287, %swap3A_288, %swap3A_289, %swap3A_290], %add3A_285 {strides = array<i32>} : memref<2x25x8x128xf32, #tpu.memory_space<vmem>>, vector<16xf32>,
      %get3A_292 = arith.constant 0 : i32
      %get3A_293 = arith.index_cast %get3A_292 : i32 to index
      %get3A_294 = arith.index_cast %select_n3A_70 : i32 to index
      %get3A_295 = arith.index_cast %select_n3A_86 : i32 to index
      %get3A_296 = arith.constant 32 : index
      %get3A_297 = tpu.vector_load %arg5[%get3A_293, %get3A_294, %get3A_295, %get3A_296] {strides = array<i32>} : memref<3x25x8x128xf32, #tpu.memory_space<vmem>>, vector<16xf32>,
      %get3A_298 = arith.constant 1 : i32
      %get3A_299 = arith.index_cast %get3A_298 : i32 to index
      %get3A_300 = arith.index_cast %select_n3A_70 : i32 to index
      %get3A_301 = arith.index_cast %select_n3A_86 : i32 to index
      %get3A_302 = arith.constant 96 : index
      %get3A_303 = tpu.vector_load %arg5[%get3A_299, %get3A_300, %get3A_301, %get3A_302] {strides = array<i32>} : memref<3x25x8x128xf32, #tpu.memory_space<vmem>>, vector<16xf32>,
      %mul3A_304 = arith.mulf %get3A_303, %select_n3A_172 : vector<16xf32>
      %add3A_305 = arith.addf %mul3A_304, %get3A_297 : vector<16xf32>
      %swap3A_306 = arith.constant 0 : i32
      %swap3A_307 = arith.index_cast %swap3A_306 : i32 to index
      %swap3A_308 = arith.index_cast %select_n3A_70 : i32 to index
      %swap3A_309 = arith.index_cast %select_n3A_86 : i32 to index
      %swap3A_310 = arith.constant 32 : index
      %swap3A_311 = tpu.vector_load %arg6[%swap3A_307, %swap3A_308, %swap3A_309, %swap3A_310] {strides = array<i32>} : memref<2x25x8x128xf32, #tpu.memory_space<vmem>>, vector<16xf32>,
      tpu.vector_store %arg6[%swap3A_307, %swap3A_308, %swap3A_309, %swap3A_310], %add3A_305 {strides = array<i32>} : memref<2x25x8x128xf32, #tpu.memory_space<vmem>>, vector<16xf32>,
      %get3A_312 = arith.constant 0 : i32
      %get3A_313 = arith.index_cast %get3A_312 : i32 to index
      %get3A_314 = arith.index_cast %select_n3A_70 : i32 to index
      %get3A_315 = arith.index_cast %select_n3A_86 : i32 to index
      %get3A_316 = arith.constant 48 : index
      %get3A_317 = tpu.vector_load %arg5[%get3A_313, %get3A_314, %get3A_315, %get3A_316] {strides = array<i32>} : memref<3x25x8x128xf32, #tpu.memory_space<vmem>>, vector<16xf32>,
      %get3A_318 = arith.constant 1 : i32
      %get3A_319 = arith.index_cast %get3A_318 : i32 to index
      %get3A_320 = arith.index_cast %select_n3A_70 : i32 to index
      %get3A_321 = arith.index_cast %select_n3A_86 : i32 to index
      %get3A_322 = arith.constant 112 : index
      %get3A_323 = tpu.vector_load %arg5[%get3A_319, %get3A_320, %get3A_321, %get3A_322] {strides = array<i32>} : memref<3x25x8x128xf32, #tpu.memory_space<vmem>>, vector<16xf32>,
      %mul3A_324 = arith.mulf %get3A_323, %select_n3A_181 : vector<16xf32>
      %add3A_325 = arith.addf %mul3A_324, %get3A_317 : vector<16xf32>
      %swap3A_326 = arith.constant 0 : i32
      %swap3A_327 = arith.index_cast %swap3A_326 : i32 to index
      %swap3A_328 = arith.index_cast %select_n3A_70 : i32 to index
      %swap3A_329 = arith.index_cast %select_n3A_86 : i32 to index
      %swap3A_330 = arith.constant 48 : index
      %swap3A_331 = tpu.vector_load %arg6[%swap3A_327, %swap3A_328, %swap3A_329, %swap3A_330] {strides = array<i32>} : memref<2x25x8x128xf32, #tpu.memory_space<vmem>>, vector<16xf32>,
      tpu.vector_store %arg6[%swap3A_327, %swap3A_328, %swap3A_329, %swap3A_330], %add3A_325 {strides = array<i32>} : memref<2x25x8x128xf32, #tpu.memory_space<vmem>>, vector<16xf32>,
      %get3A_332 = arith.constant 0 : i32
      %get3A_333 = arith.index_cast %get3A_332 : i32 to index
      %get3A_334 = arith.index_cast %select_n3A_70 : i32 to index
      %get3A_335 = arith.index_cast %select_n3A_86 : i32 to index
      %get3A_336 = arith.constant 64 : index
      %get3A_337 = tpu.vector_load %arg5[%get3A_333, %get3A_334, %get3A_335, %get3A_336] {strides = array<i32>} : memref<3x25x8x128xf32, #tpu.memory_space<vmem>>, vector<16xf32>,
      %get3A_338 = arith.constant 2 : i32
      %get3A_339 = arith.index_cast %get3A_338 : i32 to index
      %get3A_340 = arith.index_cast %select_n3A_70 : i32 to index
      %get3A_341 = arith.index_cast %select_n3A_86 : i32 to index
      %get3A_342 = arith.constant 0 : index
      %get3A_343 = tpu.vector_load %arg5[%get3A_339, %get3A_340, %get3A_341, %get3A_342] {strides = array<i32>} : memref<3x25x8x128xf32, #tpu.memory_space<vmem>>, vector<16xf32>,
      %mul3A_344 = arith.mulf %get3A_343, %select_n3A_190 : vector<16xf32>
      %add3A_345 = arith.addf %mul3A_344, %get3A_337 : vector<16xf32>
      %swap3A_346 = arith.constant 0 : i32
      %swap3A_347 = arith.index_cast %swap3A_346 : i32 to index
      %swap3A_348 = arith.index_cast %select_n3A_70 : i32 to index
      %swap3A_349 = arith.index_cast %select_n3A_86 : i32 to index
      %swap3A_350 = arith.constant 64 : index
      %swap3A_351 = tpu.vector_load %arg6[%swap3A_347, %swap3A_348, %swap3A_349, %swap3A_350] {strides = array<i32>} : memref<2x25x8x128xf32, #tpu.memory_space<vmem>>, vector<16xf32>,
      tpu.vector_store %arg6[%swap3A_347, %swap3A_348, %swap3A_349, %swap3A_350], %add3A_345 {strides = array<i32>} : memref<2x25x8x128xf32, #tpu.memory_space<vmem>>, vector<16xf32>,
      %get3A_352 = arith.constant 0 : i32
      %get3A_353 = arith.index_cast %get3A_352 : i32 to index
      %get3A_354 = arith.index_cast %select_n3A_70 : i32 to index
      %get3A_355 = arith.index_cast %select_n3A_86 : i32 to index
      %get3A_356 = arith.constant 80 : index
      %get3A_357 = tpu.vector_load %arg5[%get3A_353, %get3A_354, %get3A_355, %get3A_356] {strides = array<i32>} : memref<3x25x8x128xf32, #tpu.memory_space<vmem>>, vector<16xf32>,
      %get3A_358 = arith.constant 2 : i32
      %get3A_359 = arith.index_cast %get3A_358 : i32 to index
      %get3A_360 = arith.index_cast %select_n3A_70 : i32 to index
      %get3A_361 = arith.index_cast %select_n3A_86 : i32 to index
      %get3A_362 = arith.constant 16 : index
      %get3A_363 = tpu.vector_load %arg5[%get3A_359, %get3A_360, %get3A_361, %get3A_362] {strides = array<i32>} : memref<3x25x8x128xf32, #tpu.memory_space<vmem>>, vector<16xf32>,
      %mul3A_364 = arith.mulf %get3A_363, %select_n3A_199 : vector<16xf32>
      %add3A_365 = arith.addf %mul3A_364, %get3A_357 : vector<16xf32>
      %swap3A_366 = arith.constant 0 : i32
      %swap3A_367 = arith.index_cast %swap3A_366 : i32 to index
      %swap3A_368 = arith.index_cast %select_n3A_70 : i32 to index
      %swap3A_369 = arith.index_cast %select_n3A_86 : i32 to index
      %swap3A_370 = arith.constant 80 : index
      %swap3A_371 = tpu.vector_load %arg6[%swap3A_367, %swap3A_368, %swap3A_369, %swap3A_370] {strides = array<i32>} : memref<2x25x8x128xf32, #tpu.memory_space<vmem>>, vector<16xf32>,
      tpu.vector_store %arg6[%swap3A_367, %swap3A_368, %swap3A_369, %swap3A_370], %add3A_365 {strides = array<i32>} : memref<2x25x8x128xf32, #tpu.memory_space<vmem>>, vector<16xf32>,
      %get3A_372 = arith.constant 0 : i32
      %get3A_373 = arith.index_cast %get3A_372 : i32 to index
      %get3A_374 = arith.index_cast %select_n3A_70 : i32 to index
      %get3A_375 = arith.index_cast %select_n3A_86 : i32 to index
      %get3A_376 = arith.constant 96 : index
      %get3A_377 = tpu.vector_load %arg5[%get3A_373, %get3A_374, %get3A_375, %get3A_376] {strides = array<i32>} : memref<3x25x8x128xf32, #tpu.memory_space<vmem>>, vector<16xf32>,
      %get3A_378 = arith.constant 2 : i32
      %get3A_379 = arith.index_cast %get3A_378 : i32 to index
      %get3A_380 = arith.index_cast %select_n3A_70 : i32 to index
      %get3A_381 = arith.index_cast %select_n3A_86 : i32 to index
      %get3A_382 = arith.constant 32 : index
      %get3A_383 = tpu.vector_load %arg5[%get3A_379, %get3A_380, %get3A_381, %get3A_382] {strides = array<i32>} : memref<3x25x8x128xf32, #tpu.memory_space<vmem>>, vector<16xf32>,
      %mul3A_384 = arith.mulf %get3A_383, %select_n3A_208 : vector<16xf32>
      %add3A_385 = arith.addf %mul3A_384, %get3A_377 : vector<16xf32>
      %swap3A_386 = arith.constant 0 : i32
      %swap3A_387 = arith.index_cast %swap3A_386 : i32 to index
      %swap3A_388 = arith.index_cast %select_n3A_70 : i32 to index
      %swap3A_389 = arith.index_cast %select_n3A_86 : i32 to index
      %swap3A_390 = arith.constant 96 : index
      %swap3A_391 = tpu.vector_load %arg6[%swap3A_387, %swap3A_388, %swap3A_389, %swap3A_390] {strides = array<i32>} : memref<2x25x8x128xf32, #tpu.memory_space<vmem>>, vector<16xf32>,
      tpu.vector_store %arg6[%swap3A_387, %swap3A_388, %swap3A_389, %swap3A_390], %add3A_385 {strides = array<i32>} : memref<2x25x8x128xf32, #tpu.memory_space<vmem>>, vector<16xf32>,
      %get3A_392 = arith.constant 0 : i32
      %get3A_393 = arith.index_cast %get3A_392 : i32 to index
      %get3A_394 = arith.index_cast %select_n3A_70 : i32 to index
      %get3A_395 = arith.index_cast %select_n3A_86 : i32 to index
      %get3A_396 = arith.constant 112 : index
      %get3A_397 = tpu.vector_load %arg5[%get3A_393, %get3A_394, %get3A_395, %get3A_396] {strides = array<i32>} : memref<3x25x8x128xf32, #tpu.memory_space<vmem>>, vector<16xf32>,
      %get3A_398 = arith.constant 2 : i32
      %get3A_399 = arith.index_cast %get3A_398 : i32 to index
      %get3A_400 = arith.index_cast %select_n3A_70 : i32 to index
      %get3A_401 = arith.index_cast %select_n3A_86 : i32 to index
      %get3A_402 = arith.constant 48 : index
      %get3A_403 = tpu.vector_load %arg5[%get3A_399, %get3A_400, %get3A_401, %get3A_402] {strides = array<i32>} : memref<3x25x8x128xf32, #tpu.memory_space<vmem>>, vector<16xf32>,
      %mul3A_404 = arith.mulf %get3A_403, %select_n3A_217 : vector<16xf32>
      %add3A_405 = arith.addf %mul3A_404, %get3A_397 : vector<16xf32>
      %swap3A_406 = arith.constant 0 : i32
      %swap3A_407 = arith.index_cast %swap3A_406 : i32 to index
      %swap3A_408 = arith.index_cast %select_n3A_70 : i32 to index
      %swap3A_409 = arith.index_cast %select_n3A_86 : i32 to index
      %swap3A_410 = arith.constant 112 : index
      %swap3A_411 = tpu.vector_load %arg6[%swap3A_407, %swap3A_408, %swap3A_409, %swap3A_410] {strides = array<i32>} : memref<2x25x8x128xf32, #tpu.memory_space<vmem>>, vector<16xf32>,
      tpu.vector_store %arg6[%swap3A_407, %swap3A_408, %swap3A_409, %swap3A_410], %add3A_405 {strides = array<i32>} : memref<2x25x8x128xf32, #tpu.memory_space<vmem>>, vector<16xf32>,
      %get3A_412 = arith.constant 1 : i32
      %get3A_413 = arith.index_cast %get3A_412 : i32 to index
      %get3A_414 = arith.index_cast %select_n3A_70 : i32 to index
      %get3A_415 = arith.index_cast %select_n3A_86 : i32 to index
      %get3A_416 = arith.constant 0 : index
      %get3A_417 = tpu.vector_load %arg5[%get3A_413, %get3A_414, %get3A_415, %get3A_416] {strides = array<i32>} : memref<3x25x8x128xf32, #tpu.memory_space<vmem>>, vector<16xf32>,
      %get3A_418 = arith.constant 2 : i32
      %get3A_419 = arith.index_cast %get3A_418 : i32 to index
      %get3A_420 = arith.index_cast %select_n3A_70 : i32 to index
      %get3A_421 = arith.index_cast %select_n3A_86 : i32 to index
      %get3A_422 = arith.constant 64 : index
      %get3A_423 = tpu.vector_load %arg5[%get3A_419, %get3A_420, %get3A_421, %get3A_422] {strides = array<i32>} : memref<3x25x8x128xf32, #tpu.memory_space<vmem>>, vector<16xf32>,
      %mul3A_424 = arith.mulf %get3A_423, %select_n3A_226 : vector<16xf32>
      %add3A_425 = arith.addf %mul3A_424, %get3A_417 : vector<16xf32>
      %swap3A_426 = arith.constant 1 : i32
      %swap3A_427 = arith.index_cast %swap3A_426 : i32 to index
      %swap3A_428 = arith.index_cast %select_n3A_70 : i32 to index
      %swap3A_429 = arith.index_cast %select_n3A_86 : i32 to index
      %swap3A_430 = arith.constant 0 : index
      %swap3A_431 = tpu.vector_load %arg6[%swap3A_427, %swap3A_428, %swap3A_429, %swap3A_430] {strides = array<i32>} : memref<2x25x8x128xf32, #tpu.memory_space<vmem>>, vector<16xf32>,
      tpu.vector_store %arg6[%swap3A_427, %swap3A_428, %swap3A_429, %swap3A_430], %add3A_425 {strides = array<i32>} : memref<2x25x8x128xf32, #tpu.memory_space<vmem>>, vector<16xf32>,
      %get3A_432 = arith.constant 1 : i32
      %get3A_433 = arith.index_cast %get3A_432 : i32 to index
      %get3A_434 = arith.index_cast %select_n3A_70 : i32 to index
      %get3A_435 = arith.index_cast %select_n3A_86 : i32 to index
      %get3A_436 = arith.constant 16 : index
      %get3A_437 = tpu.vector_load %arg5[%get3A_433, %get3A_434, %get3A_435, %get3A_436] {strides = array<i32>} : memref<3x25x8x128xf32, #tpu.memory_space<vmem>>, vector<16xf32>,
      %get3A_438 = arith.constant 2 : i32
      %get3A_439 = arith.index_cast %get3A_438 : i32 to index
      %get3A_440 = arith.index_cast %select_n3A_70 : i32 to index
      %get3A_441 = arith.index_cast %select_n3A_86 : i32 to index
      %get3A_442 = arith.constant 80 : index
      %get3A_443 = tpu.vector_load %arg5[%get3A_439, %get3A_440, %get3A_441, %get3A_442] {strides = array<i32>} : memref<3x25x8x128xf32, #tpu.memory_space<vmem>>, vector<16xf32>,
      %mul3A_444 = arith.mulf %get3A_443, %select_n3A_235 : vector<16xf32>
      %add3A_445 = arith.addf %mul3A_444, %get3A_437 : vector<16xf32>
      %swap3A_446 = arith.constant 1 : i32
      %swap3A_447 = arith.index_cast %swap3A_446 : i32 to index
      %swap3A_448 = arith.index_cast %select_n3A_70 : i32 to index
      %swap3A_449 = arith.index_cast %select_n3A_86 : i32 to index
      %swap3A_450 = arith.constant 16 : index
      %swap3A_451 = tpu.vector_load %arg6[%swap3A_447, %swap3A_448, %swap3A_449, %swap3A_450] {strides = array<i32>} : memref<2x25x8x128xf32, #tpu.memory_space<vmem>>, vector<16xf32>,
      tpu.vector_store %arg6[%swap3A_447, %swap3A_448, %swap3A_449, %swap3A_450], %add3A_445 {strides = array<i32>} : memref<2x25x8x128xf32, #tpu.memory_space<vmem>>, vector<16xf32>,
      %get3A_452 = arith.constant 1 : i32
      %get3A_453 = arith.index_cast %get3A_452 : i32 to index
      %get3A_454 = arith.index_cast %select_n3A_70 : i32 to index
      %get3A_455 = arith.index_cast %select_n3A_86 : i32 to index
      %get3A_456 = arith.constant 32 : index
      %get3A_457 = tpu.vector_load %arg5[%get3A_453, %get3A_454, %get3A_455, %get3A_456] {strides = array<i32>} : memref<3x25x8x128xf32, #tpu.memory_space<vmem>>, vector<16xf32>,
      %get3A_458 = arith.constant 2 : i32
      %get3A_459 = arith.index_cast %get3A_458 : i32 to index
      %get3A_460 = arith.index_cast %select_n3A_70 : i32 to index
      %get3A_461 = arith.index_cast %select_n3A_86 : i32 to index
      %get3A_462 = arith.constant 96 : index
      %get3A_463 = tpu.vector_load %arg5[%get3A_459, %get3A_460, %get3A_461, %get3A_462] {strides = array<i32>} : memref<3x25x8x128xf32, #tpu.memory_space<vmem>>, vector<16xf32>,
      %mul3A_464 = arith.mulf %get3A_463, %select_n3A_244 : vector<16xf32>
      %add3A_465 = arith.addf %mul3A_464, %get3A_457 : vector<16xf32>
      %swap3A_466 = arith.constant 1 : i32
      %swap3A_467 = arith.index_cast %swap3A_466 : i32 to index
      %swap3A_468 = arith.index_cast %select_n3A_70 : i32 to index
      %swap3A_469 = arith.index_cast %select_n3A_86 : i32 to index
      %swap3A_470 = arith.constant 32 : index
      %swap3A_471 = tpu.vector_load %arg6[%swap3A_467, %swap3A_468, %swap3A_469, %swap3A_470] {strides = array<i32>} : memref<2x25x8x128xf32, #tpu.memory_space<vmem>>, vector<16xf32>,
      tpu.vector_store %arg6[%swap3A_467, %swap3A_468, %swap3A_469, %swap3A_470], %add3A_465 {strides = array<i32>} : memref<2x25x8x128xf32, #tpu.memory_space<vmem>>, vector<16xf32>,
      %get3A_472 = arith.constant 1 : i32
      %get3A_473 = arith.index_cast %get3A_472 : i32 to index
      %get3A_474 = arith.index_cast %select_n3A_70 : i32 to index
      %get3A_475 = arith.index_cast %select_n3A_86 : i32 to index
      %get3A_476 = arith.constant 48 : index
      %get3A_477 = tpu.vector_load %arg5[%get3A_473, %get3A_474, %get3A_475, %get3A_476] {strides = array<i32>} : memref<3x25x8x128xf32, #tpu.memory_space<vmem>>, vector<16xf32>,
      %get3A_478 = arith.constant 2 : i32
      %get3A_479 = arith.index_cast %get3A_478 : i32 to index
      %get3A_480 = arith.index_cast %select_n3A_70 : i32 to index
      %get3A_481 = arith.index_cast %select_n3A_86 : i32 to index
      %get3A_482 = arith.constant 112 : index
      %get3A_483 = tpu.vector_load %arg5[%get3A_479, %get3A_480, %get3A_481, %get3A_482] {strides = array<i32>} : memref<3x25x8x128xf32, #tpu.memory_space<vmem>>, vector<16xf32>,
      %mul3A_484 = arith.mulf %get3A_483, %select_n3A_253 : vector<16xf32>
      %add3A_485 = arith.addf %mul3A_484, %get3A_477 : vector<16xf32>
      %swap3A_486 = arith.constant 1 : i32
      %swap3A_487 = arith.index_cast %swap3A_486 : i32 to index
      %swap3A_488 = arith.index_cast %select_n3A_70 : i32 to index
      %swap3A_489 = arith.index_cast %select_n3A_86 : i32 to index
      %swap3A_490 = arith.constant 48 : index
      %swap3A_491 = tpu.vector_load %arg6[%swap3A_487, %swap3A_488, %swap3A_489, %swap3A_490] {strides = array<i32>} : memref<2x25x8x128xf32, #tpu.memory_space<vmem>>, vector<16xf32>,
      tpu.vector_store %arg6[%swap3A_487, %swap3A_488, %swap3A_489, %swap3A_490], %add3A_485 {strides = array<i32>} : memref<2x25x8x128xf32, #tpu.memory_space<vmem>>, vector<16xf32>,
      %scan3A_492 = arith.constant 1 : i32
      %scan3A_493 = arith.addi %scan3A_38, %scan3A_492 : i32
      %broadcast_in_dim3A_494 = vector.broadcast %scan3A_493 : i32 to vector<16xi32>
      %ge3A_495 = arith.constant 0 : i32
      %ge3A_496 = vector.broadcast %ge3A_495 : i32 to vector<16xi32>
      %ge3A_497 = arith.cmpi sge, %gather3A_145, %ge3A_496 : vector<16xi32>
      %lt3A_498 = arith.cmpi slt, %gather3A_145, %broadcast_in_dim3A_494 : vector<16xi32>
      %and3A_499 = arith.andi %ge3A_497, %lt3A_498 : vector<16xi1>
      %max3A_500 = arith.constant 0 : i32
      %max3A_501 = vector.broadcast %max3A_500 : i32 to vector<16xi32>
      %max3A_502 = arith.maxsi %gather3A_145, %max3A_501 : vector<16xi32>
      %jit3A_503 = arith.constant 8 : i32
      %div3A_504 = arith.divsi %scan3A_493, %jit3A_503 : i32
      %sign3A_505 = arith.constant 0 : i32
      %sign3A_506 = arith.cmpi sgt, %scan3A_493, %sign3A_505 : i32
      %sign3A_507 = arith.extui %sign3A_506 : i1 to i32
      %sign3A_508 = arith.constant 0 : i32
      %sign3A_509 = arith.cmpi slt, %scan3A_493, %sign3A_508 : i32
      %sign3A_510 = arith.extui %sign3A_509 : i1 to i32
      %sign3A_511 = arith.subi %sign3A_507, %sign3A_510 : i32
      %sign3A_512 = arith.constant 0 : i32
      %sign3A_513 = arith.cmpi sgt, %jit3A_503, %sign3A_512 : i32
      %sign3A_514 = arith.extui %sign3A_513 : i1 to i32
      %sign3A_515 = arith.constant 0 : i32
      %sign3A_516 = arith.cmpi slt, %jit3A_503, %sign3A_515 : i32
      %sign3A_517 = arith.extui %sign3A_516 : i1 to i32
      %sign3A_518 = arith.subi %sign3A_514, %sign3A_517 : i32
      %ne3A_519 = arith.cmpi ne, %sign3A_511, %sign3A_518 : i32
      %rem3A_520 = arith.remsi %scan3A_493, %jit3A_503 : i32
      %ne3A_521 = arith.constant 0 : i32
      %ne3A_522 = arith.cmpi ne, %rem3A_520, %ne3A_521 : i32
      %and3A_523 = arith.andi %ne3A_519, %ne3A_522 : i1
      %sub3A_524 = arith.constant 1 : i32
      %sub3A_525 = arith.subi %div3A_504, %sub3A_524 : i32
      %select_n3A_526 = arith.select %and3A_523, %sub3A_525, %div3A_504 : i32
      %jit3A_527 = arith.constant 8 : i32
      %eq3A_528 = arith.constant 0 : i32
      %eq3A_529 = arith.cmpi eq, %jit3A_527, %eq3A_528 : i32
      %jit3A_530 = arith.constant 1 : i32
      %select_n3A_531 = arith.select %eq3A_529, %jit3A_530, %jit3A_527 : i32
      %rem3A_532 = arith.remsi %scan3A_493, %select_n3A_531 : i32
      %ne3A_533 = arith.constant 0 : i32
      %ne3A_534 = arith.cmpi ne, %rem3A_532, %ne3A_533 : i32
      %lt3A_535 = arith.constant 0 : i32
      %lt3A_536 = arith.cmpi slt, %rem3A_532, %lt3A_535 : i32
      %lt3A_537 = arith.constant 0 : i32
      %lt3A_538 = arith.cmpi slt, %select_n3A_531, %lt3A_537 : i32
      %ne3A_539 = arith.xori %lt3A_536, %lt3A_538 : i1
      %and3A_540 = arith.andi %ne3A_539, %ne3A_534 : i1
      %add3A_541 = arith.addi %rem3A_532, %select_n3A_531 : i32
      %select_n3A_542 = arith.select %and3A_540, %add3A_541, %rem3A_532 : i32
      %jit3A_543 = arith.constant 8 : i32
      %div3A_544 = vector.broadcast %jit3A_543 : i32 to vector<16xi32>
      %div3A_545 = arith.divsi %max3A_502, %div3A_544 : vector<16xi32>
      %sign3A_546 = arith.constant 0 : i32
      %sign3A_547 = vector.broadcast %sign3A_546 : i32 to vector<16xi32>
      %sign3A_548 = arith.cmpi sgt, %max3A_502, %sign3A_547 : vector<16xi32>
      %sign3A_549 = arith.extui %sign3A_548 : vector<16xi1> to vector<16xi32>
      %sign3A_550 = arith.constant 0 : i32
      %sign3A_551 = vector.broadcast %sign3A_550 : i32 to vector<16xi32>
      %sign3A_552 = arith.cmpi slt, %max3A_502, %sign3A_551 : vector<16xi32>
      %sign3A_553 = arith.extui %sign3A_552 : vector<16xi1> to vector<16xi32>
      %sign3A_554 = arith.subi %sign3A_549, %sign3A_553 : vector<16xi32>
      %sign3A_555 = arith.constant 0 : i32
      %sign3A_556 = arith.cmpi sgt, %jit3A_543, %sign3A_555 : i32
      %sign3A_557 = arith.extui %sign3A_556 : i1 to i32
      %sign3A_558 = arith.constant 0 : i32
      %sign3A_559 = arith.cmpi slt, %jit3A_543, %sign3A_558 : i32
      %sign3A_560 = arith.extui %sign3A_559 : i1 to i32
      %sign3A_561 = arith.subi %sign3A_557, %sign3A_560 : i32
      %ne3A_562 = vector.broadcast %sign3A_561 : i32 to vector<16xi32>
      %ne3A_563 = arith.cmpi ne, %sign3A_554, %ne3A_562 : vector<16xi32>
      %rem3A_564 = vector.broadcast %jit3A_543 : i32 to vector<16xi32>
      %rem3A_565 = arith.remsi %max3A_502, %rem3A_564 : vector<16xi32>
      %ne3A_566 = arith.constant 0 : i32
      %ne3A_567 = vector.broadcast %ne3A_566 : i32 to vector<16xi32>
      %ne3A_568 = arith.cmpi ne, %rem3A_565, %ne3A_567 : vector<16xi32>
      %and3A_569 = arith.andi %ne3A_563, %ne3A_568 : vector<16xi1>
      %sub3A_570 = arith.constant 1 : i32
      %sub3A_571 = vector.broadcast %sub3A_570 : i32 to vector<16xi32>
      %sub3A_572 = arith.subi %div3A_545, %sub3A_571 : vector<16xi32>
      %select_n3A_573 = arith.select %and3A_569, %sub3A_572, %div3A_545 : vector<16xi1>, vector<16xi32>
      %jit3A_574 = arith.constant 8 : i32
      %eq3A_575 = arith.constant 0 : i32
      %eq3A_576 = arith.cmpi eq, %jit3A_574, %eq3A_575 : i32
      %jit3A_577 = arith.constant 1 : i32
      %select_n3A_578 = arith.select %eq3A_576, %jit3A_577, %jit3A_574 : i32
      %rem3A_579 = vector.broadcast %select_n3A_578 : i32 to vector<16xi32>
      %rem3A_580 = arith.remsi %max3A_502, %rem3A_579 : vector<16xi32>
      %ne3A_581 = arith.constant 0 : i32
      %ne3A_582 = vector.broadcast %ne3A_581 : i32 to vector<16xi32>
      %ne3A_583 = arith.cmpi ne, %rem3A_580, %ne3A_582 : vector<16xi32>
      %lt3A_584 = arith.constant 0 : i32
      %lt3A_585 = vector.broadcast %lt3A_584 : i32 to vector<16xi32>
      %lt3A_586 = arith.cmpi slt, %rem3A_580, %lt3A_585 : vector<16xi32>
      %lt3A_587 = arith.constant 0 : i32
      %lt3A_588 = arith.cmpi slt, %select_n3A_578, %lt3A_587 : i32
      %ne3A_589 = vector.broadcast %lt3A_588 : i1 to vector<16xi1>
      %ne3A_590 = vector.broadcast %ne3A_589 : vector<16xi1> to vector<16xi1>
      %ne3A_591 = arith.xori %lt3A_586, %ne3A_590 : vector<16xi1>
      %and3A_592 = arith.andi %ne3A_591, %ne3A_583 : vector<16xi1>
      %add3A_593 = vector.broadcast %select_n3A_578 : i32 to vector<16xi32>
      %add3A_594 = arith.addi %rem3A_580, %add3A_593 : vector<16xi32>
      %select_n3A_595 = arith.select %and3A_592, %add3A_594, %rem3A_580 : vector<16xi1>, vector<16xi32>
      %add3A_596 = arith.addi %mul3A_32, %scan3A_493 : i32
      %add3A_597 = arith.constant 1 : i32
      %add3A_598 = arith.addi %add3A_596, %add3A_597 : i32
      %min3A_599 = arith.constant 1567 : i32
      %min3A_600 = arith.minsi %add3A_598, %min3A_599 : i32
      %broadcast_in_dim3A_601 = vector.broadcast %min3A_600 : i32 to vector<16xi32>
      %gather3A_602 = tpu.vector_load_idx %arg7[%broadcast_in_dim3A_601] : memref<1568xi32, #tpu.memory_space<vmem>>[vector<16xi32>], vector<16xi32>,
      %broadcast_in_dim3A_603 = arith.constant 0 : i32
      %broadcast_in_dim3A_604 = vector.broadcast %broadcast_in_dim3A_603 : i32 to vector<16xi32>
      %add3A_605 = arith.constant 0 : i32
      %add3A_606 = vector.broadcast %add3A_605 : i32 to vector<16xi32>
      %add3A_607 = arith.addi %iota3A, %add3A_606 : vector<16xi32>
      %gather3A_608 = tpu.vector_load_idx %arg6[%broadcast_in_dim3A_604, %select_n3A_573, %select_n3A_595, %add3A_607] : memref<2x25x8x128xf32, #tpu.memory_space<vmem>>[vector<16xi32>, vector<16xi32>, vector<16xi32>, vector<16xi32>], vector<16xf32>,
      %jit3A_609 = arith.constant 0.000000e+00 : f32
      %broadcast_in_dim3A_610 = vector.broadcast %jit3A_609 : f32 to vector<16xf32>
      %select_n3A_611 = arith.select %and3A_499, %gather3A_608, %broadcast_in_dim3A_610 : vector<16xi1>, vector<16xf32>
      %broadcast_in_dim3A_612 = arith.constant 0 : i32
      %broadcast_in_dim3A_613 = vector.broadcast %broadcast_in_dim3A_612 : i32 to vector<16xi32>
      %add3A_614 = arith.constant 16 : i32
      %add3A_615 = vector.broadcast %add3A_614 : i32 to vector<16xi32>
      %add3A_616 = arith.addi %iota3A, %add3A_615 : vector<16xi32>
      %gather3A_617 = tpu.vector_load_idx %arg6[%broadcast_in_dim3A_613, %select_n3A_573, %select_n3A_595, %add3A_616] : memref<2x25x8x128xf32, #tpu.memory_space<vmem>>[vector<16xi32>, vector<16xi32>, vector<16xi32>, vector<16xi32>], vector<16xf32>,
      %jit3A_618 = arith.constant 0.000000e+00 : f32
      %broadcast_in_dim3A_619 = vector.broadcast %jit3A_618 : f32 to vector<16xf32>
      %select_n3A_620 = arith.select %and3A_499, %gather3A_617, %broadcast_in_dim3A_619 : vector<16xi1>, vector<16xf32>
      %broadcast_in_dim3A_621 = arith.constant 0 : i32
      %broadcast_in_dim3A_622 = vector.broadcast %broadcast_in_dim3A_621 : i32 to vector<16xi32>
      %add3A_623 = arith.constant 32 : i32
      %add3A_624 = vector.broadcast %add3A_623 : i32 to vector<16xi32>
      %add3A_625 = arith.addi %iota3A, %add3A_624 : vector<16xi32>
      %gather3A_626 = tpu.vector_load_idx %arg6[%broadcast_in_dim3A_622, %select_n3A_573, %select_n3A_595, %add3A_625] : memref<2x25x8x128xf32, #tpu.memory_space<vmem>>[vector<16xi32>, vector<16xi32>, vector<16xi32>, vector<16xi32>], vector<16xf32>,
      %jit3A_627 = arith.constant 0.000000e+00 : f32
      %broadcast_in_dim3A_628 = vector.broadcast %jit3A_627 : f32 to vector<16xf32>
      %select_n3A_629 = arith.select %and3A_499, %gather3A_626, %broadcast_in_dim3A_628 : vector<16xi1>, vector<16xf32>
      %broadcast_in_dim3A_630 = arith.constant 0 : i32
      %broadcast_in_dim3A_631 = vector.broadcast %broadcast_in_dim3A_630 : i32 to vector<16xi32>
      %add3A_632 = arith.constant 48 : i32
      %add3A_633 = vector.broadcast %add3A_632 : i32 to vector<16xi32>
      %add3A_634 = arith.addi %iota3A, %add3A_633 : vector<16xi32>
      %gather3A_635 = tpu.vector_load_idx %arg6[%broadcast_in_dim3A_631, %select_n3A_573, %select_n3A_595, %add3A_634] : memref<2x25x8x128xf32, #tpu.memory_space<vmem>>[vector<16xi32>, vector<16xi32>, vector<16xi32>, vector<16xi32>], vector<16xf32>,
      %jit3A_636 = arith.constant 0.000000e+00 : f32
      %broadcast_in_dim3A_637 = vector.broadcast %jit3A_636 : f32 to vector<16xf32>
      %select_n3A_638 = arith.select %and3A_499, %gather3A_635, %broadcast_in_dim3A_637 : vector<16xi1>, vector<16xf32>
      %broadcast_in_dim3A_639 = arith.constant 0 : i32
      %broadcast_in_dim3A_640 = vector.broadcast %broadcast_in_dim3A_639 : i32 to vector<16xi32>
      %add3A_641 = arith.constant 64 : i32
      %add3A_642 = vector.broadcast %add3A_641 : i32 to vector<16xi32>
      %add3A_643 = arith.addi %iota3A, %add3A_642 : vector<16xi32>
      %gather3A_644 = tpu.vector_load_idx %arg6[%broadcast_in_dim3A_640, %select_n3A_573, %select_n3A_595, %add3A_643] : memref<2x25x8x128xf32, #tpu.memory_space<vmem>>[vector<16xi32>, vector<16xi32>, vector<16xi32>, vector<16xi32>], vector<16xf32>,
      %jit3A_645 = arith.constant 0.000000e+00 : f32
      %broadcast_in_dim3A_646 = vector.broadcast %jit3A_645 : f32 to vector<16xf32>
      %select_n3A_647 = arith.select %and3A_499, %gather3A_644, %broadcast_in_dim3A_646 : vector<16xi1>, vector<16xf32>
      %broadcast_in_dim3A_648 = arith.constant 0 : i32
      %broadcast_in_dim3A_649 = vector.broadcast %broadcast_in_dim3A_648 : i32 to vector<16xi32>
      %add3A_650 = arith.constant 80 : i32
      %add3A_651 = vector.broadcast %add3A_650 : i32 to vector<16xi32>
      %add3A_652 = arith.addi %iota3A, %add3A_651 : vector<16xi32>
      %gather3A_653 = tpu.vector_load_idx %arg6[%broadcast_in_dim3A_649, %select_n3A_573, %select_n3A_595, %add3A_652] : memref<2x25x8x128xf32, #tpu.memory_space<vmem>>[vector<16xi32>, vector<16xi32>, vector<16xi32>, vector<16xi32>], vector<16xf32>,
      %jit3A_654 = arith.constant 0.000000e+00 : f32
      %broadcast_in_dim3A_655 = vector.broadcast %jit3A_654 : f32 to vector<16xf32>
      %select_n3A_656 = arith.select %and3A_499, %gather3A_653, %broadcast_in_dim3A_655 : vector<16xi1>, vector<16xf32>
      %broadcast_in_dim3A_657 = arith.constant 0 : i32
      %broadcast_in_dim3A_658 = vector.broadcast %broadcast_in_dim3A_657 : i32 to vector<16xi32>
      %add3A_659 = arith.constant 96 : i32
      %add3A_660 = vector.broadcast %add3A_659 : i32 to vector<16xi32>
      %add3A_661 = arith.addi %iota3A, %add3A_660 : vector<16xi32>
      %gather3A_662 = tpu.vector_load_idx %arg6[%broadcast_in_dim3A_658, %select_n3A_573, %select_n3A_595, %add3A_661] : memref<2x25x8x128xf32, #tpu.memory_space<vmem>>[vector<16xi32>, vector<16xi32>, vector<16xi32>, vector<16xi32>], vector<16xf32>,
      %jit3A_663 = arith.constant 0.000000e+00 : f32
      %broadcast_in_dim3A_664 = vector.broadcast %jit3A_663 : f32 to vector<16xf32>
      %select_n3A_665 = arith.select %and3A_499, %gather3A_662, %broadcast_in_dim3A_664 : vector<16xi1>, vector<16xf32>
      %broadcast_in_dim3A_666 = arith.constant 0 : i32
      %broadcast_in_dim3A_667 = vector.broadcast %broadcast_in_dim3A_666 : i32 to vector<16xi32>
      %add3A_668 = arith.constant 112 : i32
      %add3A_669 = vector.broadcast %add3A_668 : i32 to vector<16xi32>
      %add3A_670 = arith.addi %iota3A, %add3A_669 : vector<16xi32>
      %gather3A_671 = tpu.vector_load_idx %arg6[%broadcast_in_dim3A_667, %select_n3A_573, %select_n3A_595, %add3A_670] : memref<2x25x8x128xf32, #tpu.memory_space<vmem>>[vector<16xi32>, vector<16xi32>, vector<16xi32>, vector<16xi32>], vector<16xf32>,
      %jit3A_672 = arith.constant 0.000000e+00 : f32
      %broadcast_in_dim3A_673 = vector.broadcast %jit3A_672 : f32 to vector<16xf32>
      %select_n3A_674 = arith.select %and3A_499, %gather3A_671, %broadcast_in_dim3A_673 : vector<16xi1>, vector<16xf32>
      %broadcast_in_dim3A_675 = arith.constant 1 : i32
      %broadcast_in_dim3A_676 = vector.broadcast %broadcast_in_dim3A_675 : i32 to vector<16xi32>
      %add3A_677 = arith.constant 0 : i32
      %add3A_678 = vector.broadcast %add3A_677 : i32 to vector<16xi32>
      %add3A_679 = arith.addi %iota3A, %add3A_678 : vector<16xi32>
      %gather3A_680 = tpu.vector_load_idx %arg6[%broadcast_in_dim3A_676, %select_n3A_573, %select_n3A_595, %add3A_679] : memref<2x25x8x128xf32, #tpu.memory_space<vmem>>[vector<16xi32>, vector<16xi32>, vector<16xi32>, vector<16xi32>], vector<16xf32>,
      %jit3A_681 = arith.constant 0.000000e+00 : f32
      %broadcast_in_dim3A_682 = vector.broadcast %jit3A_681 : f32 to vector<16xf32>
      %select_n3A_683 = arith.select %and3A_499, %gather3A_680, %broadcast_in_dim3A_682 : vector<16xi1>, vector<16xf32>
      %broadcast_in_dim3A_684 = arith.constant 1 : i32
      %broadcast_in_dim3A_685 = vector.broadcast %broadcast_in_dim3A_684 : i32 to vector<16xi32>
      %add3A_686 = arith.constant 16 : i32
      %add3A_687 = vector.broadcast %add3A_686 : i32 to vector<16xi32>
      %add3A_688 = arith.addi %iota3A, %add3A_687 : vector<16xi32>
      %gather3A_689 = tpu.vector_load_idx %arg6[%broadcast_in_dim3A_685, %select_n3A_573, %select_n3A_595, %add3A_688] : memref<2x25x8x128xf32, #tpu.memory_space<vmem>>[vector<16xi32>, vector<16xi32>, vector<16xi32>, vector<16xi32>], vector<16xf32>,
      %jit3A_690 = arith.constant 0.000000e+00 : f32
      %broadcast_in_dim3A_691 = vector.broadcast %jit3A_690 : f32 to vector<16xf32>
      %select_n3A_692 = arith.select %and3A_499, %gather3A_689, %broadcast_in_dim3A_691 : vector<16xi1>, vector<16xf32>
      %broadcast_in_dim3A_693 = arith.constant 1 : i32
      %broadcast_in_dim3A_694 = vector.broadcast %broadcast_in_dim3A_693 : i32 to vector<16xi32>
      %add3A_695 = arith.constant 32 : i32
      %add3A_696 = vector.broadcast %add3A_695 : i32 to vector<16xi32>
      %add3A_697 = arith.addi %iota3A, %add3A_696 : vector<16xi32>
      %gather3A_698 = tpu.vector_load_idx %arg6[%broadcast_in_dim3A_694, %select_n3A_573, %select_n3A_595, %add3A_697] : memref<2x25x8x128xf32, #tpu.memory_space<vmem>>[vector<16xi32>, vector<16xi32>, vector<16xi32>, vector<16xi32>], vector<16xf32>,
      %jit3A_699 = arith.constant 0.000000e+00 : f32
      %broadcast_in_dim3A_700 = vector.broadcast %jit3A_699 : f32 to vector<16xf32>
      %select_n3A_701 = arith.select %and3A_499, %gather3A_698, %broadcast_in_dim3A_700 : vector<16xi1>, vector<16xf32>
      %broadcast_in_dim3A_702 = arith.constant 1 : i32
      %broadcast_in_dim3A_703 = vector.broadcast %broadcast_in_dim3A_702 : i32 to vector<16xi32>
      %add3A_704 = arith.constant 48 : i32
      %add3A_705 = vector.broadcast %add3A_704 : i32 to vector<16xi32>
      %add3A_706 = arith.addi %iota3A, %add3A_705 : vector<16xi32>
      %gather3A_707 = tpu.vector_load_idx %arg6[%broadcast_in_dim3A_703, %select_n3A_573, %select_n3A_595, %add3A_706] : memref<2x25x8x128xf32, #tpu.memory_space<vmem>>[vector<16xi32>, vector<16xi32>, vector<16xi32>, vector<16xi32>], vector<16xf32>,
      %jit3A_708 = arith.constant 0.000000e+00 : f32
      %broadcast_in_dim3A_709 = vector.broadcast %jit3A_708 : f32 to vector<16xf32>
      %select_n3A_710 = arith.select %and3A_499, %gather3A_707, %broadcast_in_dim3A_709 : vector<16xi1>, vector<16xf32>
      %get3A_711 = arith.constant 0 : i32
      %get3A_712 = arith.index_cast %get3A_711 : i32 to index
      %get3A_713 = arith.index_cast %select_n3A_526 : i32 to index
      %get3A_714 = arith.index_cast %select_n3A_542 : i32 to index
      %get3A_715 = arith.constant 0 : index
      %get3A_716 = tpu.vector_load %arg5[%get3A_712, %get3A_713, %get3A_714, %get3A_715] {strides = array<i32>} : memref<3x25x8x128xf32, #tpu.memory_space<vmem>>, vector<16xf32>,
      %get3A_717 = arith.constant 1 : i32
      %get3A_718 = arith.index_cast %get3A_717 : i32 to index
      %get3A_719 = arith.index_cast %select_n3A_526 : i32 to index
      %get3A_720 = arith.index_cast %select_n3A_542 : i32 to index
      %get3A_721 = arith.constant 64 : index
      %get3A_722 = tpu.vector_load %arg5[%get3A_718, %get3A_719, %get3A_720, %get3A_721] {strides = array<i32>} : memref<3x25x8x128xf32, #tpu.memory_space<vmem>>, vector<16xf32>,
      %mul3A_723 = arith.mulf %get3A_722, %select_n3A_611 : vector<16xf32>
      %add3A_724 = arith.addf %mul3A_723, %get3A_716 : vector<16xf32>
      %swap3A_725 = arith.constant 0 : i32
      %swap3A_726 = arith.index_cast %swap3A_725 : i32 to index
      %swap3A_727 = arith.index_cast %select_n3A_526 : i32 to index
      %swap3A_728 = arith.index_cast %select_n3A_542 : i32 to index
      %swap3A_729 = arith.constant 0 : index
      %swap3A_730 = tpu.vector_load %arg6[%swap3A_726, %swap3A_727, %swap3A_728, %swap3A_729] {strides = array<i32>} : memref<2x25x8x128xf32, #tpu.memory_space<vmem>>, vector<16xf32>,
      tpu.vector_store %arg6[%swap3A_726, %swap3A_727, %swap3A_728, %swap3A_729], %add3A_724 {strides = array<i32>} : memref<2x25x8x128xf32, #tpu.memory_space<vmem>>, vector<16xf32>,
      %get3A_731 = arith.constant 0 : i32
      %get3A_732 = arith.index_cast %get3A_731 : i32 to index
      %get3A_733 = arith.index_cast %select_n3A_526 : i32 to index
      %get3A_734 = arith.index_cast %select_n3A_542 : i32 to index
      %get3A_735 = arith.constant 16 : index
      %get3A_736 = tpu.vector_load %arg5[%get3A_732, %get3A_733, %get3A_734, %get3A_735] {strides = array<i32>} : memref<3x25x8x128xf32, #tpu.memory_space<vmem>>, vector<16xf32>,
      %get3A_737 = arith.constant 1 : i32
      %get3A_738 = arith.index_cast %get3A_737 : i32 to index
      %get3A_739 = arith.index_cast %select_n3A_526 : i32 to index
      %get3A_740 = arith.index_cast %select_n3A_542 : i32 to index
      %get3A_741 = arith.constant 80 : index
      %get3A_742 = tpu.vector_load %arg5[%get3A_738, %get3A_739, %get3A_740, %get3A_741] {strides = array<i32>} : memref<3x25x8x128xf32, #tpu.memory_space<vmem>>, vector<16xf32>,
      %mul3A_743 = arith.mulf %get3A_742, %select_n3A_620 : vector<16xf32>
      %add3A_744 = arith.addf %mul3A_743, %get3A_736 : vector<16xf32>
      %swap3A_745 = arith.constant 0 : i32
      %swap3A_746 = arith.index_cast %swap3A_745 : i32 to index
      %swap3A_747 = arith.index_cast %select_n3A_526 : i32 to index
      %swap3A_748 = arith.index_cast %select_n3A_542 : i32 to index
      %swap3A_749 = arith.constant 16 : index
      %swap3A_750 = tpu.vector_load %arg6[%swap3A_746, %swap3A_747, %swap3A_748, %swap3A_749] {strides = array<i32>} : memref<2x25x8x128xf32, #tpu.memory_space<vmem>>, vector<16xf32>,
      tpu.vector_store %arg6[%swap3A_746, %swap3A_747, %swap3A_748, %swap3A_749], %add3A_744 {strides = array<i32>} : memref<2x25x8x128xf32, #tpu.memory_space<vmem>>, vector<16xf32>,
      %get3A_751 = arith.constant 0 : i32
      %get3A_752 = arith.index_cast %get3A_751 : i32 to index
      %get3A_753 = arith.index_cast %select_n3A_526 : i32 to index
      %get3A_754 = arith.index_cast %select_n3A_542 : i32 to index
      %get3A_755 = arith.constant 32 : index
      %get3A_756 = tpu.vector_load %arg5[%get3A_752, %get3A_753, %get3A_754, %get3A_755] {strides = array<i32>} : memref<3x25x8x128xf32, #tpu.memory_space<vmem>>, vector<16xf32>,
      %get3A_757 = arith.constant 1 : i32
      %get3A_758 = arith.index_cast %get3A_757 : i32 to index
      %get3A_759 = arith.index_cast %select_n3A_526 : i32 to index
      %get3A_760 = arith.index_cast %select_n3A_542 : i32 to index
      %get3A_761 = arith.constant 96 : index
      %get3A_762 = tpu.vector_load %arg5[%get3A_758, %get3A_759, %get3A_760, %get3A_761] {strides = array<i32>} : memref<3x25x8x128xf32, #tpu.memory_space<vmem>>, vector<16xf32>,
      %mul3A_763 = arith.mulf %get3A_762, %select_n3A_629 : vector<16xf32>
      %add3A_764 = arith.addf %mul3A_763, %get3A_756 : vector<16xf32>
      %swap3A_765 = arith.constant 0 : i32
      %swap3A_766 = arith.index_cast %swap3A_765 : i32 to index
      %swap3A_767 = arith.index_cast %select_n3A_526 : i32 to index
      %swap3A_768 = arith.index_cast %select_n3A_542 : i32 to index
      %swap3A_769 = arith.constant 32 : index
      %swap3A_770 = tpu.vector_load %arg6[%swap3A_766, %swap3A_767, %swap3A_768, %swap3A_769] {strides = array<i32>} : memref<2x25x8x128xf32, #tpu.memory_space<vmem>>, vector<16xf32>,
      tpu.vector_store %arg6[%swap3A_766, %swap3A_767, %swap3A_768, %swap3A_769], %add3A_764 {strides = array<i32>} : memref<2x25x8x128xf32, #tpu.memory_space<vmem>>, vector<16xf32>,
      %get3A_771 = arith.constant 0 : i32
      %get3A_772 = arith.index_cast %get3A_771 : i32 to index
      %get3A_773 = arith.index_cast %select_n3A_526 : i32 to index
      %get3A_774 = arith.index_cast %select_n3A_542 : i32 to index
      %get3A_775 = arith.constant 48 : index
      %get3A_776 = tpu.vector_load %arg5[%get3A_772, %get3A_773, %get3A_774, %get3A_775] {strides = array<i32>} : memref<3x25x8x128xf32, #tpu.memory_space<vmem>>, vector<16xf32>,
      %get3A_777 = arith.constant 1 : i32
      %get3A_778 = arith.index_cast %get3A_777 : i32 to index
      %get3A_779 = arith.index_cast %select_n3A_526 : i32 to index
      %get3A_780 = arith.index_cast %select_n3A_542 : i32 to index
      %get3A_781 = arith.constant 112 : index
      %get3A_782 = tpu.vector_load %arg5[%get3A_778, %get3A_779, %get3A_780, %get3A_781] {strides = array<i32>} : memref<3x25x8x128xf32, #tpu.memory_space<vmem>>, vector<16xf32>,
      %mul3A_783 = arith.mulf %get3A_782, %select_n3A_638 : vector<16xf32>
      %add3A_784 = arith.addf %mul3A_783, %get3A_776 : vector<16xf32>
      %swap3A_785 = arith.constant 0 : i32
      %swap3A_786 = arith.index_cast %swap3A_785 : i32 to index
      %swap3A_787 = arith.index_cast %select_n3A_526 : i32 to index
      %swap3A_788 = arith.index_cast %select_n3A_542 : i32 to index
      %swap3A_789 = arith.constant 48 : index
      %swap3A_790 = tpu.vector_load %arg6[%swap3A_786, %swap3A_787, %swap3A_788, %swap3A_789] {strides = array<i32>} : memref<2x25x8x128xf32, #tpu.memory_space<vmem>>, vector<16xf32>,
      tpu.vector_store %arg6[%swap3A_786, %swap3A_787, %swap3A_788, %swap3A_789], %add3A_784 {strides = array<i32>} : memref<2x25x8x128xf32, #tpu.memory_space<vmem>>, vector<16xf32>,
      %get3A_791 = arith.constant 0 : i32
      %get3A_792 = arith.index_cast %get3A_791 : i32 to index
      %get3A_793 = arith.index_cast %select_n3A_526 : i32 to index
      %get3A_794 = arith.index_cast %select_n3A_542 : i32 to index
      %get3A_795 = arith.constant 64 : index
      %get3A_796 = tpu.vector_load %arg5[%get3A_792, %get3A_793, %get3A_794, %get3A_795] {strides = array<i32>} : memref<3x25x8x128xf32, #tpu.memory_space<vmem>>, vector<16xf32>,
      %get3A_797 = arith.constant 2 : i32
      %get3A_798 = arith.index_cast %get3A_797 : i32 to index
      %get3A_799 = arith.index_cast %select_n3A_526 : i32 to index
      %get3A_800 = arith.index_cast %select_n3A_542 : i32 to index
      %get3A_801 = arith.constant 0 : index
      %get3A_802 = tpu.vector_load %arg5[%get3A_798, %get3A_799, %get3A_800, %get3A_801] {strides = array<i32>} : memref<3x25x8x128xf32, #tpu.memory_space<vmem>>, vector<16xf32>,
      %mul3A_803 = arith.mulf %get3A_802, %select_n3A_647 : vector<16xf32>
      %add3A_804 = arith.addf %mul3A_803, %get3A_796 : vector<16xf32>
      %swap3A_805 = arith.constant 0 : i32
      %swap3A_806 = arith.index_cast %swap3A_805 : i32 to index
      %swap3A_807 = arith.index_cast %select_n3A_526 : i32 to index
      %swap3A_808 = arith.index_cast %select_n3A_542 : i32 to index
      %swap3A_809 = arith.constant 64 : index
      %swap3A_810 = tpu.vector_load %arg6[%swap3A_806, %swap3A_807, %swap3A_808, %swap3A_809] {strides = array<i32>} : memref<2x25x8x128xf32, #tpu.memory_space<vmem>>, vector<16xf32>,
      tpu.vector_store %arg6[%swap3A_806, %swap3A_807, %swap3A_808, %swap3A_809], %add3A_804 {strides = array<i32>} : memref<2x25x8x128xf32, #tpu.memory_space<vmem>>, vector<16xf32>,
      %get3A_811 = arith.constant 0 : i32
      %get3A_812 = arith.index_cast %get3A_811 : i32 to index
      %get3A_813 = arith.index_cast %select_n3A_526 : i32 to index
      %get3A_814 = arith.index_cast %select_n3A_542 : i32 to index
      %get3A_815 = arith.constant 80 : index
      %get3A_816 = tpu.vector_load %arg5[%get3A_812, %get3A_813, %get3A_814, %get3A_815] {strides = array<i32>} : memref<3x25x8x128xf32, #tpu.memory_space<vmem>>, vector<16xf32>,
      %get3A_817 = arith.constant 2 : i32
      %get3A_818 = arith.index_cast %get3A_817 : i32 to index
      %get3A_819 = arith.index_cast %select_n3A_526 : i32 to index
      %get3A_820 = arith.index_cast %select_n3A_542 : i32 to index
      %get3A_821 = arith.constant 16 : index
      %get3A_822 = tpu.vector_load %arg5[%get3A_818, %get3A_819, %get3A_820, %get3A_821] {strides = array<i32>} : memref<3x25x8x128xf32, #tpu.memory_space<vmem>>, vector<16xf32>,
      %mul3A_823 = arith.mulf %get3A_822, %select_n3A_656 : vector<16xf32>
      %add3A_824 = arith.addf %mul3A_823, %get3A_816 : vector<16xf32>
      %swap3A_825 = arith.constant 0 : i32
      %swap3A_826 = arith.index_cast %swap3A_825 : i32 to index
      %swap3A_827 = arith.index_cast %select_n3A_526 : i32 to index
      %swap3A_828 = arith.index_cast %select_n3A_542 : i32 to index
      %swap3A_829 = arith.constant 80 : index
      %swap3A_830 = tpu.vector_load %arg6[%swap3A_826, %swap3A_827, %swap3A_828, %swap3A_829] {strides = array<i32>} : memref<2x25x8x128xf32, #tpu.memory_space<vmem>>, vector<16xf32>,
      tpu.vector_store %arg6[%swap3A_826, %swap3A_827, %swap3A_828, %swap3A_829], %add3A_824 {strides = array<i32>} : memref<2x25x8x128xf32, #tpu.memory_space<vmem>>, vector<16xf32>,
      %get3A_831 = arith.constant 0 : i32
      %get3A_832 = arith.index_cast %get3A_831 : i32 to index
      %get3A_833 = arith.index_cast %select_n3A_526 : i32 to index
      %get3A_834 = arith.index_cast %select_n3A_542 : i32 to index
      %get3A_835 = arith.constant 96 : index
      %get3A_836 = tpu.vector_load %arg5[%get3A_832, %get3A_833, %get3A_834, %get3A_835] {strides = array<i32>} : memref<3x25x8x128xf32, #tpu.memory_space<vmem>>, vector<16xf32>,
      %get3A_837 = arith.constant 2 : i32
      %get3A_838 = arith.index_cast %get3A_837 : i32 to index
      %get3A_839 = arith.index_cast %select_n3A_526 : i32 to index
      %get3A_840 = arith.index_cast %select_n3A_542 : i32 to index
      %get3A_841 = arith.constant 32 : index
      %get3A_842 = tpu.vector_load %arg5[%get3A_838, %get3A_839, %get3A_840, %get3A_841] {strides = array<i32>} : memref<3x25x8x128xf32, #tpu.memory_space<vmem>>, vector<16xf32>,
      %mul3A_843 = arith.mulf %get3A_842, %select_n3A_665 : vector<16xf32>
      %add3A_844 = arith.addf %mul3A_843, %get3A_836 : vector<16xf32>
      %swap3A_845 = arith.constant 0 : i32
      %swap3A_846 = arith.index_cast %swap3A_845 : i32 to index
      %swap3A_847 = arith.index_cast %select_n3A_526 : i32 to index
      %swap3A_848 = arith.index_cast %select_n3A_542 : i32 to index
      %swap3A_849 = arith.constant 96 : index
      %swap3A_850 = tpu.vector_load %arg6[%swap3A_846, %swap3A_847, %swap3A_848, %swap3A_849] {strides = array<i32>} : memref<2x25x8x128xf32, #tpu.memory_space<vmem>>, vector<16xf32>,
      tpu.vector_store %arg6[%swap3A_846, %swap3A_847, %swap3A_848, %swap3A_849], %add3A_844 {strides = array<i32>} : memref<2x25x8x128xf32, #tpu.memory_space<vmem>>, vector<16xf32>,
      %get3A_851 = arith.constant 0 : i32
      %get3A_852 = arith.index_cast %get3A_851 : i32 to index
      %get3A_853 = arith.index_cast %select_n3A_526 : i32 to index
      %get3A_854 = arith.index_cast %select_n3A_542 : i32 to index
      %get3A_855 = arith.constant 112 : index
      %get3A_856 = tpu.vector_load %arg5[%get3A_852, %get3A_853, %get3A_854, %get3A_855] {strides = array<i32>} : memref<3x25x8x128xf32, #tpu.memory_space<vmem>>, vector<16xf32>,
      %get3A_857 = arith.constant 2 : i32
      %get3A_858 = arith.index_cast %get3A_857 : i32 to index
      %get3A_859 = arith.index_cast %select_n3A_526 : i32 to index
      %get3A_860 = arith.index_cast %select_n3A_542 : i32 to index
      %get3A_861 = arith.constant 48 : index
      %get3A_862 = tpu.vector_load %arg5[%get3A_858, %get3A_859, %get3A_860, %get3A_861] {strides = array<i32>} : memref<3x25x8x128xf32, #tpu.memory_space<vmem>>, vector<16xf32>,
      %mul3A_863 = arith.mulf %get3A_862, %select_n3A_674 : vector<16xf32>
      %add3A_864 = arith.addf %mul3A_863, %get3A_856 : vector<16xf32>
      %swap3A_865 = arith.constant 0 : i32
      %swap3A_866 = arith.index_cast %swap3A_865 : i32 to index
      %swap3A_867 = arith.index_cast %select_n3A_526 : i32 to index
      %swap3A_868 = arith.index_cast %select_n3A_542 : i32 to index
      %swap3A_869 = arith.constant 112 : index
      %swap3A_870 = tpu.vector_load %arg6[%swap3A_866, %swap3A_867, %swap3A_868, %swap3A_869] {strides = array<i32>} : memref<2x25x8x128xf32, #tpu.memory_space<vmem>>, vector<16xf32>,
      tpu.vector_store %arg6[%swap3A_866, %swap3A_867, %swap3A_868, %swap3A_869], %add3A_864 {strides = array<i32>} : memref<2x25x8x128xf32, #tpu.memory_space<vmem>>, vector<16xf32>,
      %get3A_871 = arith.constant 1 : i32
      %get3A_872 = arith.index_cast %get3A_871 : i32 to index
      %get3A_873 = arith.index_cast %select_n3A_526 : i32 to index
      %get3A_874 = arith.index_cast %select_n3A_542 : i32 to index
      %get3A_875 = arith.constant 0 : index
      %get3A_876 = tpu.vector_load %arg5[%get3A_872, %get3A_873, %get3A_874, %get3A_875] {strides = array<i32>} : memref<3x25x8x128xf32, #tpu.memory_space<vmem>>, vector<16xf32>,
      %get3A_877 = arith.constant 2 : i32
      %get3A_878 = arith.index_cast %get3A_877 : i32 to index
      %get3A_879 = arith.index_cast %select_n3A_526 : i32 to index
      %get3A_880 = arith.index_cast %select_n3A_542 : i32 to index
      %get3A_881 = arith.constant 64 : index
      %get3A_882 = tpu.vector_load %arg5[%get3A_878, %get3A_879, %get3A_880, %get3A_881] {strides = array<i32>} : memref<3x25x8x128xf32, #tpu.memory_space<vmem>>, vector<16xf32>,
      %mul3A_883 = arith.mulf %get3A_882, %select_n3A_683 : vector<16xf32>
      %add3A_884 = arith.addf %mul3A_883, %get3A_876 : vector<16xf32>
      %swap3A_885 = arith.constant 1 : i32
      %swap3A_886 = arith.index_cast %swap3A_885 : i32 to index
      %swap3A_887 = arith.index_cast %select_n3A_526 : i32 to index
      %swap3A_888 = arith.index_cast %select_n3A_542 : i32 to index
      %swap3A_889 = arith.constant 0 : index
      %swap3A_890 = tpu.vector_load %arg6[%swap3A_886, %swap3A_887, %swap3A_888, %swap3A_889] {strides = array<i32>} : memref<2x25x8x128xf32, #tpu.memory_space<vmem>>, vector<16xf32>,
      tpu.vector_store %arg6[%swap3A_886, %swap3A_887, %swap3A_888, %swap3A_889], %add3A_884 {strides = array<i32>} : memref<2x25x8x128xf32, #tpu.memory_space<vmem>>, vector<16xf32>,
      %get3A_891 = arith.constant 1 : i32
      %get3A_892 = arith.index_cast %get3A_891 : i32 to index
      %get3A_893 = arith.index_cast %select_n3A_526 : i32 to index
      %get3A_894 = arith.index_cast %select_n3A_542 : i32 to index
      %get3A_895 = arith.constant 16 : index
      %get3A_896 = tpu.vector_load %arg5[%get3A_892, %get3A_893, %get3A_894, %get3A_895] {strides = array<i32>} : memref<3x25x8x128xf32, #tpu.memory_space<vmem>>, vector<16xf32>,
      %get3A_897 = arith.constant 2 : i32
      %get3A_898 = arith.index_cast %get3A_897 : i32 to index
      %get3A_899 = arith.index_cast %select_n3A_526 : i32 to index
      %get3A_900 = arith.index_cast %select_n3A_542 : i32 to index
      %get3A_901 = arith.constant 80 : index
      %get3A_902 = tpu.vector_load %arg5[%get3A_898, %get3A_899, %get3A_900, %get3A_901] {strides = array<i32>} : memref<3x25x8x128xf32, #tpu.memory_space<vmem>>, vector<16xf32>,
      %mul3A_903 = arith.mulf %get3A_902, %select_n3A_692 : vector<16xf32>
      %add3A_904 = arith.addf %mul3A_903, %get3A_896 : vector<16xf32>
      %swap3A_905 = arith.constant 1 : i32
      %swap3A_906 = arith.index_cast %swap3A_905 : i32 to index
      %swap3A_907 = arith.index_cast %select_n3A_526 : i32 to index
      %swap3A_908 = arith.index_cast %select_n3A_542 : i32 to index
      %swap3A_909 = arith.constant 16 : index
      %swap3A_910 = tpu.vector_load %arg6[%swap3A_906, %swap3A_907, %swap3A_908, %swap3A_909] {strides = array<i32>} : memref<2x25x8x128xf32, #tpu.memory_space<vmem>>, vector<16xf32>,
      tpu.vector_store %arg6[%swap3A_906, %swap3A_907, %swap3A_908, %swap3A_909], %add3A_904 {strides = array<i32>} : memref<2x25x8x128xf32, #tpu.memory_space<vmem>>, vector<16xf32>,
      %get3A_911 = arith.constant 1 : i32
      %get3A_912 = arith.index_cast %get3A_911 : i32 to index
      %get3A_913 = arith.index_cast %select_n3A_526 : i32 to index
      %get3A_914 = arith.index_cast %select_n3A_542 : i32 to index
      %get3A_915 = arith.constant 32 : index
      %get3A_916 = tpu.vector_load %arg5[%get3A_912, %get3A_913, %get3A_914, %get3A_915] {strides = array<i32>} : memref<3x25x8x128xf32, #tpu.memory_space<vmem>>, vector<16xf32>,
      %get3A_917 = arith.constant 2 : i32
      %get3A_918 = arith.index_cast %get3A_917 : i32 to index
      %get3A_919 = arith.index_cast %select_n3A_526 : i32 to index
      %get3A_920 = arith.index_cast %select_n3A_542 : i32 to index
      %get3A_921 = arith.constant 96 : index
      %get3A_922 = tpu.vector_load %arg5[%get3A_918, %get3A_919, %get3A_920, %get3A_921] {strides = array<i32>} : memref<3x25x8x128xf32, #tpu.memory_space<vmem>>, vector<16xf32>,
      %mul3A_923 = arith.mulf %get3A_922, %select_n3A_701 : vector<16xf32>
      %add3A_924 = arith.addf %mul3A_923, %get3A_916 : vector<16xf32>
      %swap3A_925 = arith.constant 1 : i32
      %swap3A_926 = arith.index_cast %swap3A_925 : i32 to index
      %swap3A_927 = arith.index_cast %select_n3A_526 : i32 to index
      %swap3A_928 = arith.index_cast %select_n3A_542 : i32 to index
      %swap3A_929 = arith.constant 32 : index
      %swap3A_930 = tpu.vector_load %arg6[%swap3A_926, %swap3A_927, %swap3A_928, %swap3A_929] {strides = array<i32>} : memref<2x25x8x128xf32, #tpu.memory_space<vmem>>, vector<16xf32>,
      tpu.vector_store %arg6[%swap3A_926, %swap3A_927, %swap3A_928, %swap3A_929], %add3A_924 {strides = array<i32>} : memref<2x25x8x128xf32, #tpu.memory_space<vmem>>, vector<16xf32>,
      %get3A_931 = arith.constant 1 : i32
      %get3A_932 = arith.index_cast %get3A_931 : i32 to index
      %get3A_933 = arith.index_cast %select_n3A_526 : i32 to index
      %get3A_934 = arith.index_cast %select_n3A_542 : i32 to index
      %get3A_935 = arith.constant 48 : index
      %get3A_936 = tpu.vector_load %arg5[%get3A_932, %get3A_933, %get3A_934, %get3A_935] {strides = array<i32>} : memref<3x25x8x128xf32, #tpu.memory_space<vmem>>, vector<16xf32>,
      %get3A_937 = arith.constant 2 : i32
      %get3A_938 = arith.index_cast %get3A_937 : i32 to index
      %get3A_939 = arith.index_cast %select_n3A_526 : i32 to index
      %get3A_940 = arith.index_cast %select_n3A_542 : i32 to index
      %get3A_941 = arith.constant 112 : index
      %get3A_942 = tpu.vector_load %arg5[%get3A_938, %get3A_939, %get3A_940, %get3A_941] {strides = array<i32>} : memref<3x25x8x128xf32, #tpu.memory_space<vmem>>, vector<16xf32>,
      %mul3A_943 = arith.mulf %get3A_942, %select_n3A_710 : vector<16xf32>
      %add3A_944 = arith.addf %mul3A_943, %get3A_936 : vector<16xf32>
      %swap3A_945 = arith.constant 1 : i32
      %swap3A_946 = arith.index_cast %swap3A_945 : i32 to index
      %swap3A_947 = arith.index_cast %select_n3A_526 : i32 to index
      %swap3A_948 = arith.index_cast %select_n3A_542 : i32 to index
      %swap3A_949 = arith.constant 48 : index
      %swap3A_950 = tpu.vector_load %arg6[%swap3A_946, %swap3A_947, %swap3A_948, %swap3A_949] {strides = array<i32>} : memref<2x25x8x128xf32, #tpu.memory_space<vmem>>, vector<16xf32>,
      tpu.vector_store %arg6[%swap3A_946, %swap3A_947, %swap3A_948, %swap3A_949], %add3A_944 {strides = array<i32>} : memref<2x25x8x128xf32, #tpu.memory_space<vmem>>, vector<16xf32>,
      %scan3A_951 = arith.constant 2 : i32
      %scan3A_952 = arith.addi %scan3A_38, %scan3A_951 : i32
      %broadcast_in_dim3A_953 = vector.broadcast %scan3A_952 : i32 to vector<16xi32>
      %ge3A_954 = arith.constant 0 : i32
      %ge3A_955 = vector.broadcast %ge3A_954 : i32 to vector<16xi32>
      %ge3A_956 = arith.cmpi sge, %gather3A_602, %ge3A_955 : vector<16xi32>
      %lt3A_957 = arith.cmpi slt, %gather3A_602, %broadcast_in_dim3A_953 : vector<16xi32>
      %and3A_958 = arith.andi %ge3A_956, %lt3A_957 : vector<16xi1>
      %max3A_959 = arith.constant 0 : i32
      %max3A_960 = vector.broadcast %max3A_959 : i32 to vector<16xi32>
      %max3A_961 = arith.maxsi %gather3A_602, %max3A_960 : vector<16xi32>
      %jit3A_962 = arith.constant 8 : i32
      %div3A_963 = arith.divsi %scan3A_952, %jit3A_962 : i32
      %sign3A_964 = arith.constant 0 : i32
      %sign3A_965 = arith.cmpi sgt, %scan3A_952, %sign3A_964 : i32
      %sign3A_966 = arith.extui %sign3A_965 : i1 to i32
      %sign3A_967 = arith.constant 0 : i32
      %sign3A_968 = arith.cmpi slt, %scan3A_952, %sign3A_967 : i32
      %sign3A_969 = arith.extui %sign3A_968 : i1 to i32
      %sign3A_970 = arith.subi %sign3A_966, %sign3A_969 : i32
      %sign3A_971 = arith.constant 0 : i32
      %sign3A_972 = arith.cmpi sgt, %jit3A_962, %sign3A_971 : i32
      %sign3A_973 = arith.extui %sign3A_972 : i1 to i32
      %sign3A_974 = arith.constant 0 : i32
      %sign3A_975 = arith.cmpi slt, %jit3A_962, %sign3A_974 : i32
      %sign3A_976 = arith.extui %sign3A_975 : i1 to i32
      %sign3A_977 = arith.subi %sign3A_973, %sign3A_976 : i32
      %ne3A_978 = arith.cmpi ne, %sign3A_970, %sign3A_977 : i32
      %rem3A_979 = arith.remsi %scan3A_952, %jit3A_962 : i32
      %ne3A_980 = arith.constant 0 : i32
      %ne3A_981 = arith.cmpi ne, %rem3A_979, %ne3A_980 : i32
      %and3A_982 = arith.andi %ne3A_978, %ne3A_981 : i1
      %sub3A_983 = arith.constant 1 : i32
      %sub3A_984 = arith.subi %div3A_963, %sub3A_983 : i32
      %select_n3A_985 = arith.select %and3A_982, %sub3A_984, %div3A_963 : i32
      %jit3A_986 = arith.constant 8 : i32
      %eq3A_987 = arith.constant 0 : i32
      %eq3A_988 = arith.cmpi eq, %jit3A_986, %eq3A_987 : i32
      %jit3A_989 = arith.constant 1 : i32
      %select_n3A_990 = arith.select %eq3A_988, %jit3A_989, %jit3A_986 : i32
      %rem3A_991 = arith.remsi %scan3A_952, %select_n3A_990 : i32
      %ne3A_992 = arith.constant 0 : i32
      %ne3A_993 = arith.cmpi ne, %rem3A_991, %ne3A_992 : i32
      %lt3A_994 = arith.constant 0 : i32
      %lt3A_995 = arith.cmpi slt, %rem3A_991, %lt3A_994 : i32
      %lt3A_996 = arith.constant 0 : i32
      %lt3A_997 = arith.cmpi slt, %select_n3A_990, %lt3A_996 : i32
      %ne3A_998 = arith.xori %lt3A_995, %lt3A_997 : i1
      %and3A_999 = arith.andi %ne3A_998, %ne3A_993 : i1
      %add3A_1000 = arith.addi %rem3A_991, %select_n3A_990 : i32
      %select_n3A_1001 = arith.select %and3A_999, %add3A_1000, %rem3A_991 : i32
      %jit3A_1002 = arith.constant 8 : i32
      %div3A_1003 = vector.broadcast %jit3A_1002 : i32 to vector<16xi32>
      %div3A_1004 = arith.divsi %max3A_961, %div3A_1003 : vector<16xi32>
      %sign3A_1005 = arith.constant 0 : i32
      %sign3A_1006 = vector.broadcast %sign3A_1005 : i32 to vector<16xi32>
      %sign3A_1007 = arith.cmpi sgt, %max3A_961, %sign3A_1006 : vector<16xi32>
      %sign3A_1008 = arith.extui %sign3A_1007 : vector<16xi1> to vector<16xi32>
      %sign3A_1009 = arith.constant 0 : i32
      %sign3A_1010 = vector.broadcast %sign3A_1009 : i32 to vector<16xi32>
      %sign3A_1011 = arith.cmpi slt, %max3A_961, %sign3A_1010 : vector<16xi32>
      %sign3A_1012 = arith.extui %sign3A_1011 : vector<16xi1> to vector<16xi32>
      %sign3A_1013 = arith.subi %sign3A_1008, %sign3A_1012 : vector<16xi32>
      %sign3A_1014 = arith.constant 0 : i32
      %sign3A_1015 = arith.cmpi sgt, %jit3A_1002, %sign3A_1014 : i32
      %sign3A_1016 = arith.extui %sign3A_1015 : i1 to i32
      %sign3A_1017 = arith.constant 0 : i32
      %sign3A_1018 = arith.cmpi slt, %jit3A_1002, %sign3A_1017 : i32
      %sign3A_1019 = arith.extui %sign3A_1018 : i1 to i32
      %sign3A_1020 = arith.subi %sign3A_1016, %sign3A_1019 : i32
      %ne3A_1021 = vector.broadcast %sign3A_1020 : i32 to vector<16xi32>
      %ne3A_1022 = arith.cmpi ne, %sign3A_1013, %ne3A_1021 : vector<16xi32>
      %rem3A_1023 = vector.broadcast %jit3A_1002 : i32 to vector<16xi32>
      %rem3A_1024 = arith.remsi %max3A_961, %rem3A_1023 : vector<16xi32>
      %ne3A_1025 = arith.constant 0 : i32
      %ne3A_1026 = vector.broadcast %ne3A_1025 : i32 to vector<16xi32>
      %ne3A_1027 = arith.cmpi ne, %rem3A_1024, %ne3A_1026 : vector<16xi32>
      %and3A_1028 = arith.andi %ne3A_1022, %ne3A_1027 : vector<16xi1>
      %sub3A_1029 = arith.constant 1 : i32
      %sub3A_1030 = vector.broadcast %sub3A_1029 : i32 to vector<16xi32>
      %sub3A_1031 = arith.subi %div3A_1004, %sub3A_1030 : vector<16xi32>
      %select_n3A_1032 = arith.select %and3A_1028, %sub3A_1031, %div3A_1004 : vector<16xi1>, vector<16xi32>
      %jit3A_1033 = arith.constant 8 : i32
      %eq3A_1034 = arith.constant 0 : i32
      %eq3A_1035 = arith.cmpi eq, %jit3A_1033, %eq3A_1034 : i32
      %jit3A_1036 = arith.constant 1 : i32
      %select_n3A_1037 = arith.select %eq3A_1035, %jit3A_1036, %jit3A_1033 : i32
      %rem3A_1038 = vector.broadcast %select_n3A_1037 : i32 to vector<16xi32>
      %rem3A_1039 = arith.remsi %max3A_961, %rem3A_1038 : vector<16xi32>
      %ne3A_1040 = arith.constant 0 : i32
      %ne3A_1041 = vector.broadcast %ne3A_1040 : i32 to vector<16xi32>
      %ne3A_1042 = arith.cmpi ne, %rem3A_1039, %ne3A_1041 : vector<16xi32>
      %lt3A_1043 = arith.constant 0 : i32
      %lt3A_1044 = vector.broadcast %lt3A_1043 : i32 to vector<16xi32>
      %lt3A_1045 = arith.cmpi slt, %rem3A_1039, %lt3A_1044 : vector<16xi32>
      %lt3A_1046 = arith.constant 0 : i32
      %lt3A_1047 = arith.cmpi slt, %select_n3A_1037, %lt3A_1046 : i32
      %ne3A_1048 = vector.broadcast %lt3A_1047 : i1 to vector<16xi1>
      %ne3A_1049 = vector.broadcast %ne3A_1048 : vector<16xi1> to vector<16xi1>
      %ne3A_1050 = arith.xori %lt3A_1045, %ne3A_1049 : vector<16xi1>
      %and3A_1051 = arith.andi %ne3A_1050, %ne3A_1042 : vector<16xi1>
      %add3A_1052 = vector.broadcast %select_n3A_1037 : i32 to vector<16xi32>
      %add3A_1053 = arith.addi %rem3A_1039, %add3A_1052 : vector<16xi32>
      %select_n3A_1054 = arith.select %and3A_1051, %add3A_1053, %rem3A_1039 : vector<16xi1>, vector<16xi32>
      %add3A_1055 = arith.addi %mul3A_32, %scan3A_952 : i32
      %add3A_1056 = arith.constant 1 : i32
      %add3A_1057 = arith.addi %add3A_1055, %add3A_1056 : i32
      %min3A_1058 = arith.constant 1567 : i32
      %min3A_1059 = arith.minsi %add3A_1057, %min3A_1058 : i32
      %broadcast_in_dim3A_1060 = vector.broadcast %min3A_1059 : i32 to vector<16xi32>
      %gather3A_1061 = tpu.vector_load_idx %arg7[%broadcast_in_dim3A_1060] : memref<1568xi32, #tpu.memory_space<vmem>>[vector<16xi32>], vector<16xi32>,
      %broadcast_in_dim3A_1062 = arith.constant 0 : i32
      %broadcast_in_dim3A_1063 = vector.broadcast %broadcast_in_dim3A_1062 : i32 to vector<16xi32>
      %add3A_1064 = arith.constant 0 : i32
      %add3A_1065 = vector.broadcast %add3A_1064 : i32 to vector<16xi32>
      %add3A_1066 = arith.addi %iota3A, %add3A_1065 : vector<16xi32>
      %gather3A_1067 = tpu.vector_load_idx %arg6[%broadcast_in_dim3A_1063, %select_n3A_1032, %select_n3A_1054, %add3A_1066] : memref<2x25x8x128xf32, #tpu.memory_space<vmem>>[vector<16xi32>, vector<16xi32>, vector<16xi32>, vector<16xi32>], vector<16xf32>,
      %jit3A_1068 = arith.constant 0.000000e+00 : f32
      %broadcast_in_dim3A_1069 = vector.broadcast %jit3A_1068 : f32 to vector<16xf32>
      %select_n3A_1070 = arith.select %and3A_958, %gather3A_1067, %broadcast_in_dim3A_1069 : vector<16xi1>, vector<16xf32>
      %broadcast_in_dim3A_1071 = arith.constant 0 : i32
      %broadcast_in_dim3A_1072 = vector.broadcast %broadcast_in_dim3A_1071 : i32 to vector<16xi32>
      %add3A_1073 = arith.constant 16 : i32
      %add3A_1074 = vector.broadcast %add3A_1073 : i32 to vector<16xi32>
      %add3A_1075 = arith.addi %iota3A, %add3A_1074 : vector<16xi32>
      %gather3A_1076 = tpu.vector_load_idx %arg6[%broadcast_in_dim3A_1072, %select_n3A_1032, %select_n3A_1054, %add3A_1075] : memref<2x25x8x128xf32, #tpu.memory_space<vmem>>[vector<16xi32>, vector<16xi32>, vector<16xi32>, vector<16xi32>], vector<16xf32>,
      %jit3A_1077 = arith.constant 0.000000e+00 : f32
      %broadcast_in_dim3A_1078 = vector.broadcast %jit3A_1077 : f32 to vector<16xf32>
      %select_n3A_1079 = arith.select %and3A_958, %gather3A_1076, %broadcast_in_dim3A_1078 : vector<16xi1>, vector<16xf32>
      %broadcast_in_dim3A_1080 = arith.constant 0 : i32
      %broadcast_in_dim3A_1081 = vector.broadcast %broadcast_in_dim3A_1080 : i32 to vector<16xi32>
      %add3A_1082 = arith.constant 32 : i32
      %add3A_1083 = vector.broadcast %add3A_1082 : i32 to vector<16xi32>
      %add3A_1084 = arith.addi %iota3A, %add3A_1083 : vector<16xi32>
      %gather3A_1085 = tpu.vector_load_idx %arg6[%broadcast_in_dim3A_1081, %select_n3A_1032, %select_n3A_1054, %add3A_1084] : memref<2x25x8x128xf32, #tpu.memory_space<vmem>>[vector<16xi32>, vector<16xi32>, vector<16xi32>, vector<16xi32>], vector<16xf32>,
      %jit3A_1086 = arith.constant 0.000000e+00 : f32
      %broadcast_in_dim3A_1087 = vector.broadcast %jit3A_1086 : f32 to vector<16xf32>
      %select_n3A_1088 = arith.select %and3A_958, %gather3A_1085, %broadcast_in_dim3A_1087 : vector<16xi1>, vector<16xf32>
      %broadcast_in_dim3A_1089 = arith.constant 0 : i32
      %broadcast_in_dim3A_1090 = vector.broadcast %broadcast_in_dim3A_1089 : i32 to vector<16xi32>
      %add3A_1091 = arith.constant 48 : i32
      %add3A_1092 = vector.broadcast %add3A_1091 : i32 to vector<16xi32>
      %add3A_1093 = arith.addi %iota3A, %add3A_1092 : vector<16xi32>
      %gather3A_1094 = tpu.vector_load_idx %arg6[%broadcast_in_dim3A_1090, %select_n3A_1032, %select_n3A_1054, %add3A_1093] : memref<2x25x8x128xf32, #tpu.memory_space<vmem>>[vector<16xi32>, vector<16xi32>, vector<16xi32>, vector<16xi32>], vector<16xf32>,
      %jit3A_1095 = arith.constant 0.000000e+00 : f32
      %broadcast_in_dim3A_1096 = vector.broadcast %jit3A_1095 : f32 to vector<16xf32>
      %select_n3A_1097 = arith.select %and3A_958, %gather3A_1094, %broadcast_in_dim3A_1096 : vector<16xi1>, vector<16xf32>
      %broadcast_in_dim3A_1098 = arith.constant 0 : i32
      %broadcast_in_dim3A_1099 = vector.broadcast %broadcast_in_dim3A_1098 : i32 to vector<16xi32>
      %add3A_1100 = arith.constant 64 : i32
      %add3A_1101 = vector.broadcast %add3A_1100 : i32 to vector<16xi32>
      %add3A_1102 = arith.addi %iota3A, %add3A_1101 : vector<16xi32>
      %gather3A_1103 = tpu.vector_load_idx %arg6[%broadcast_in_dim3A_1099, %select_n3A_1032, %select_n3A_1054, %add3A_1102] : memref<2x25x8x128xf32, #tpu.memory_space<vmem>>[vector<16xi32>, vector<16xi32>, vector<16xi32>, vector<16xi32>], vector<16xf32>,
      %jit3A_1104 = arith.constant 0.000000e+00 : f32
      %broadcast_in_dim3A_1105 = vector.broadcast %jit3A_1104 : f32 to vector<16xf32>
      %select_n3A_1106 = arith.select %and3A_958, %gather3A_1103, %broadcast_in_dim3A_1105 : vector<16xi1>, vector<16xf32>
      %broadcast_in_dim3A_1107 = arith.constant 0 : i32
      %broadcast_in_dim3A_1108 = vector.broadcast %broadcast_in_dim3A_1107 : i32 to vector<16xi32>
      %add3A_1109 = arith.constant 80 : i32
      %add3A_1110 = vector.broadcast %add3A_1109 : i32 to vector<16xi32>
      %add3A_1111 = arith.addi %iota3A, %add3A_1110 : vector<16xi32>
      %gather3A_1112 = tpu.vector_load_idx %arg6[%broadcast_in_dim3A_1108, %select_n3A_1032, %select_n3A_1054, %add3A_1111] : memref<2x25x8x128xf32, #tpu.memory_space<vmem>>[vector<16xi32>, vector<16xi32>, vector<16xi32>, vector<16xi32>], vector<16xf32>,
      %jit3A_1113 = arith.constant 0.000000e+00 : f32
      %broadcast_in_dim3A_1114 = vector.broadcast %jit3A_1113 : f32 to vector<16xf32>
      %select_n3A_1115 = arith.select %and3A_958, %gather3A_1112, %broadcast_in_dim3A_1114 : vector<16xi1>, vector<16xf32>
      %broadcast_in_dim3A_1116 = arith.constant 0 : i32
      %broadcast_in_dim3A_1117 = vector.broadcast %broadcast_in_dim3A_1116 : i32 to vector<16xi32>
      %add3A_1118 = arith.constant 96 : i32
      %add3A_1119 = vector.broadcast %add3A_1118 : i32 to vector<16xi32>
      %add3A_1120 = arith.addi %iota3A, %add3A_1119 : vector<16xi32>
      %gather3A_1121 = tpu.vector_load_idx %arg6[%broadcast_in_dim3A_1117, %select_n3A_1032, %select_n3A_1054, %add3A_1120] : memref<2x25x8x128xf32, #tpu.memory_space<vmem>>[vector<16xi32>, vector<16xi32>, vector<16xi32>, vector<16xi32>], vector<16xf32>,
      %jit3A_1122 = arith.constant 0.000000e+00 : f32
      %broadcast_in_dim3A_1123 = vector.broadcast %jit3A_1122 : f32 to vector<16xf32>
      %select_n3A_1124 = arith.select %and3A_958, %gather3A_1121, %broadcast_in_dim3A_1123 : vector<16xi1>, vector<16xf32>
      %broadcast_in_dim3A_1125 = arith.constant 0 : i32
      %broadcast_in_dim3A_1126 = vector.broadcast %broadcast_in_dim3A_1125 : i32 to vector<16xi32>
      %add3A_1127 = arith.constant 112 : i32
      %add3A_1128 = vector.broadcast %add3A_1127 : i32 to vector<16xi32>
      %add3A_1129 = arith.addi %iota3A, %add3A_1128 : vector<16xi32>
      %gather3A_1130 = tpu.vector_load_idx %arg6[%broadcast_in_dim3A_1126, %select_n3A_1032, %select_n3A_1054, %add3A_1129] : memref<2x25x8x128xf32, #tpu.memory_space<vmem>>[vector<16xi32>, vector<16xi32>, vector<16xi32>, vector<16xi32>], vector<16xf32>,
      %jit3A_1131 = arith.constant 0.000000e+00 : f32
      %broadcast_in_dim3A_1132 = vector.broadcast %jit3A_1131 : f32 to vector<16xf32>
      %select_n3A_1133 = arith.select %and3A_958, %gather3A_1130, %broadcast_in_dim3A_1132 : vector<16xi1>, vector<16xf32>
      %broadcast_in_dim3A_1134 = arith.constant 1 : i32
      %broadcast_in_dim3A_1135 = vector.broadcast %broadcast_in_dim3A_1134 : i32 to vector<16xi32>
      %add3A_1136 = arith.constant 0 : i32
      %add3A_1137 = vector.broadcast %add3A_1136 : i32 to vector<16xi32>
      %add3A_1138 = arith.addi %iota3A, %add3A_1137 : vector<16xi32>
      %gather3A_1139 = tpu.vector_load_idx %arg6[%broadcast_in_dim3A_1135, %select_n3A_1032, %select_n3A_1054, %add3A_1138] : memref<2x25x8x128xf32, #tpu.memory_space<vmem>>[vector<16xi32>, vector<16xi32>, vector<16xi32>, vector<16xi32>], vector<16xf32>,
      %jit3A_1140 = arith.constant 0.000000e+00 : f32
      %broadcast_in_dim3A_1141 = vector.broadcast %jit3A_1140 : f32 to vector<16xf32>
      %select_n3A_1142 = arith.select %and3A_958, %gather3A_1139, %broadcast_in_dim3A_1141 : vector<16xi1>, vector<16xf32>
      %broadcast_in_dim3A_1143 = arith.constant 1 : i32
      %broadcast_in_dim3A_1144 = vector.broadcast %broadcast_in_dim3A_1143 : i32 to vector<16xi32>
      %add3A_1145 = arith.constant 16 : i32
      %add3A_1146 = vector.broadcast %add3A_1145 : i32 to vector<16xi32>
      %add3A_1147 = arith.addi %iota3A, %add3A_1146 : vector<16xi32>
      %gather3A_1148 = tpu.vector_load_idx %arg6[%broadcast_in_dim3A_1144, %select_n3A_1032, %select_n3A_1054, %add3A_1147] : memref<2x25x8x128xf32, #tpu.memory_space<vmem>>[vector<16xi32>, vector<16xi32>, vector<16xi32>, vector<16xi32>], vector<16xf32>,
      %jit3A_1149 = arith.constant 0.000000e+00 : f32
      %broadcast_in_dim3A_1150 = vector.broadcast %jit3A_1149 : f32 to vector<16xf32>
      %select_n3A_1151 = arith.select %and3A_958, %gather3A_1148, %broadcast_in_dim3A_1150 : vector<16xi1>, vector<16xf32>
      %broadcast_in_dim3A_1152 = arith.constant 1 : i32
      %broadcast_in_dim3A_1153 = vector.broadcast %broadcast_in_dim3A_1152 : i32 to vector<16xi32>
      %add3A_1154 = arith.constant 32 : i32
      %add3A_1155 = vector.broadcast %add3A_1154 : i32 to vector<16xi32>
      %add3A_1156 = arith.addi %iota3A, %add3A_1155 : vector<16xi32>
      %gather3A_1157 = tpu.vector_load_idx %arg6[%broadcast_in_dim3A_1153, %select_n3A_1032, %select_n3A_1054, %add3A_1156] : memref<2x25x8x128xf32, #tpu.memory_space<vmem>>[vector<16xi32>, vector<16xi32>, vector<16xi32>, vector<16xi32>], vector<16xf32>,
      %jit3A_1158 = arith.constant 0.000000e+00 : f32
      %broadcast_in_dim3A_1159 = vector.broadcast %jit3A_1158 : f32 to vector<16xf32>
      %select_n3A_1160 = arith.select %and3A_958, %gather3A_1157, %broadcast_in_dim3A_1159 : vector<16xi1>, vector<16xf32>
      %broadcast_in_dim3A_1161 = arith.constant 1 : i32
      %broadcast_in_dim3A_1162 = vector.broadcast %broadcast_in_dim3A_1161 : i32 to vector<16xi32>
      %add3A_1163 = arith.constant 48 : i32
      %add3A_1164 = vector.broadcast %add3A_1163 : i32 to vector<16xi32>
      %add3A_1165 = arith.addi %iota3A, %add3A_1164 : vector<16xi32>
      %gather3A_1166 = tpu.vector_load_idx %arg6[%broadcast_in_dim3A_1162, %select_n3A_1032, %select_n3A_1054, %add3A_1165] : memref<2x25x8x128xf32, #tpu.memory_space<vmem>>[vector<16xi32>, vector<16xi32>, vector<16xi32>, vector<16xi32>], vector<16xf32>,
      %jit3A_1167 = arith.constant 0.000000e+00 : f32
      %broadcast_in_dim3A_1168 = vector.broadcast %jit3A_1167 : f32 to vector<16xf32>
      %select_n3A_1169 = arith.select %and3A_958, %gather3A_1166, %broadcast_in_dim3A_1168 : vector<16xi1>, vector<16xf32>
      %get3A_1170 = arith.constant 0 : i32
      %get3A_1171 = arith.index_cast %get3A_1170 : i32 to index
      %get3A_1172 = arith.index_cast %select_n3A_985 : i32 to index
      %get3A_1173 = arith.index_cast %select_n3A_1001 : i32 to index
      %get3A_1174 = arith.constant 0 : index
      %get3A_1175 = tpu.vector_load %arg5[%get3A_1171, %get3A_1172, %get3A_1173, %get3A_1174] {strides = array<i32>} : memref<3x25x8x128xf32, #tpu.memory_space<vmem>>, vector<16xf32>,
      %get3A_1176 = arith.constant 1 : i32
      %get3A_1177 = arith.index_cast %get3A_1176 : i32 to index
      %get3A_1178 = arith.index_cast %select_n3A_985 : i32 to index
      %get3A_1179 = arith.index_cast %select_n3A_1001 : i32 to index
      %get3A_1180 = arith.constant 64 : index
      %get3A_1181 = tpu.vector_load %arg5[%get3A_1177, %get3A_1178, %get3A_1179, %get3A_1180] {strides = array<i32>} : memref<3x25x8x128xf32, #tpu.memory_space<vmem>>, vector<16xf32>,
      %mul3A_1182 = arith.mulf %get3A_1181, %select_n3A_1070 : vector<16xf32>
      %add3A_1183 = arith.addf %mul3A_1182, %get3A_1175 : vector<16xf32>
      %swap3A_1184 = arith.constant 0 : i32
      %swap3A_1185 = arith.index_cast %swap3A_1184 : i32 to index
      %swap3A_1186 = arith.index_cast %select_n3A_985 : i32 to index
      %swap3A_1187 = arith.index_cast %select_n3A_1001 : i32 to index
      %swap3A_1188 = arith.constant 0 : index
      %swap3A_1189 = tpu.vector_load %arg6[%swap3A_1185, %swap3A_1186, %swap3A_1187, %swap3A_1188] {strides = array<i32>} : memref<2x25x8x128xf32, #tpu.memory_space<vmem>>, vector<16xf32>,
      tpu.vector_store %arg6[%swap3A_1185, %swap3A_1186, %swap3A_1187, %swap3A_1188], %add3A_1183 {strides = array<i32>} : memref<2x25x8x128xf32, #tpu.memory_space<vmem>>, vector<16xf32>,
      %get3A_1190 = arith.constant 0 : i32
      %get3A_1191 = arith.index_cast %get3A_1190 : i32 to index
      %get3A_1192 = arith.index_cast %select_n3A_985 : i32 to index
      %get3A_1193 = arith.index_cast %select_n3A_1001 : i32 to index
      %get3A_1194 = arith.constant 16 : index
      %get3A_1195 = tpu.vector_load %arg5[%get3A_1191, %get3A_1192, %get3A_1193, %get3A_1194] {strides = array<i32>} : memref<3x25x8x128xf32, #tpu.memory_space<vmem>>, vector<16xf32>,
      %get3A_1196 = arith.constant 1 : i32
      %get3A_1197 = arith.index_cast %get3A_1196 : i32 to index
      %get3A_1198 = arith.index_cast %select_n3A_985 : i32 to index
      %get3A_1199 = arith.index_cast %select_n3A_1001 : i32 to index
      %get3A_1200 = arith.constant 80 : index
      %get3A_1201 = tpu.vector_load %arg5[%get3A_1197, %get3A_1198, %get3A_1199, %get3A_1200] {strides = array<i32>} : memref<3x25x8x128xf32, #tpu.memory_space<vmem>>, vector<16xf32>,
      %mul3A_1202 = arith.mulf %get3A_1201, %select_n3A_1079 : vector<16xf32>
      %add3A_1203 = arith.addf %mul3A_1202, %get3A_1195 : vector<16xf32>
      %swap3A_1204 = arith.constant 0 : i32
      %swap3A_1205 = arith.index_cast %swap3A_1204 : i32 to index
      %swap3A_1206 = arith.index_cast %select_n3A_985 : i32 to index
      %swap3A_1207 = arith.index_cast %select_n3A_1001 : i32 to index
      %swap3A_1208 = arith.constant 16 : index
      %swap3A_1209 = tpu.vector_load %arg6[%swap3A_1205, %swap3A_1206, %swap3A_1207, %swap3A_1208] {strides = array<i32>} : memref<2x25x8x128xf32, #tpu.memory_space<vmem>>, vector<16xf32>,
      tpu.vector_store %arg6[%swap3A_1205, %swap3A_1206, %swap3A_1207, %swap3A_1208], %add3A_1203 {strides = array<i32>} : memref<2x25x8x128xf32, #tpu.memory_space<vmem>>, vector<16xf32>,
      %get3A_1210 = arith.constant 0 : i32
      %get3A_1211 = arith.index_cast %get3A_1210 : i32 to index
      %get3A_1212 = arith.index_cast %select_n3A_985 : i32 to index
      %get3A_1213 = arith.index_cast %select_n3A_1001 : i32 to index
      %get3A_1214 = arith.constant 32 : index
      %get3A_1215 = tpu.vector_load %arg5[%get3A_1211, %get3A_1212, %get3A_1213, %get3A_1214] {strides = array<i32>} : memref<3x25x8x128xf32, #tpu.memory_space<vmem>>, vector<16xf32>,
      %get3A_1216 = arith.constant 1 : i32
      %get3A_1217 = arith.index_cast %get3A_1216 : i32 to index
      %get3A_1218 = arith.index_cast %select_n3A_985 : i32 to index
      %get3A_1219 = arith.index_cast %select_n3A_1001 : i32 to index
      %get3A_1220 = arith.constant 96 : index
      %get3A_1221 = tpu.vector_load %arg5[%get3A_1217, %get3A_1218, %get3A_1219, %get3A_1220] {strides = array<i32>} : memref<3x25x8x128xf32, #tpu.memory_space<vmem>>, vector<16xf32>,
      %mul3A_1222 = arith.mulf %get3A_1221, %select_n3A_1088 : vector<16xf32>
      %add3A_1223 = arith.addf %mul3A_1222, %get3A_1215 : vector<16xf32>
      %swap3A_1224 = arith.constant 0 : i32
      %swap3A_1225 = arith.index_cast %swap3A_1224 : i32 to index
      %swap3A_1226 = arith.index_cast %select_n3A_985 : i32 to index
      %swap3A_1227 = arith.index_cast %select_n3A_1001 : i32 to index
      %swap3A_1228 = arith.constant 32 : index
      %swap3A_1229 = tpu.vector_load %arg6[%swap3A_1225, %swap3A_1226, %swap3A_1227, %swap3A_1228] {strides = array<i32>} : memref<2x25x8x128xf32, #tpu.memory_space<vmem>>, vector<16xf32>,
      tpu.vector_store %arg6[%swap3A_1225, %swap3A_1226, %swap3A_1227, %swap3A_1228], %add3A_1223 {strides = array<i32>} : memref<2x25x8x128xf32, #tpu.memory_space<vmem>>, vector<16xf32>,
      %get3A_1230 = arith.constant 0 : i32
      %get3A_1231 = arith.index_cast %get3A_1230 : i32 to index
      %get3A_1232 = arith.index_cast %select_n3A_985 : i32 to index
      %get3A_1233 = arith.index_cast %select_n3A_1001 : i32 to index
      %get3A_1234 = arith.constant 48 : index
      %get3A_1235 = tpu.vector_load %arg5[%get3A_1231, %get3A_1232, %get3A_1233, %get3A_1234] {strides = array<i32>} : memref<3x25x8x128xf32, #tpu.memory_space<vmem>>, vector<16xf32>,
      %get3A_1236 = arith.constant 1 : i32
      %get3A_1237 = arith.index_cast %get3A_1236 : i32 to index
      %get3A_1238 = arith.index_cast %select_n3A_985 : i32 to index
      %get3A_1239 = arith.index_cast %select_n3A_1001 : i32 to index
      %get3A_1240 = arith.constant 112 : index
      %get3A_1241 = tpu.vector_load %arg5[%get3A_1237, %get3A_1238, %get3A_1239, %get3A_1240] {strides = array<i32>} : memref<3x25x8x128xf32, #tpu.memory_space<vmem>>, vector<16xf32>,
      %mul3A_1242 = arith.mulf %get3A_1241, %select_n3A_1097 : vector<16xf32>
      %add3A_1243 = arith.addf %mul3A_1242, %get3A_1235 : vector<16xf32>
      %swap3A_1244 = arith.constant 0 : i32
      %swap3A_1245 = arith.index_cast %swap3A_1244 : i32 to index
      %swap3A_1246 = arith.index_cast %select_n3A_985 : i32 to index
      %swap3A_1247 = arith.index_cast %select_n3A_1001 : i32 to index
      %swap3A_1248 = arith.constant 48 : index
      %swap3A_1249 = tpu.vector_load %arg6[%swap3A_1245, %swap3A_1246, %swap3A_1247, %swap3A_1248] {strides = array<i32>} : memref<2x25x8x128xf32, #tpu.memory_space<vmem>>, vector<16xf32>,
      tpu.vector_store %arg6[%swap3A_1245, %swap3A_1246, %swap3A_1247, %swap3A_1248], %add3A_1243 {strides = array<i32>} : memref<2x25x8x128xf32, #tpu.memory_space<vmem>>, vector<16xf32>,
      %get3A_1250 = arith.constant 0 : i32
      %get3A_1251 = arith.index_cast %get3A_1250 : i32 to index
      %get3A_1252 = arith.index_cast %select_n3A_985 : i32 to index
      %get3A_1253 = arith.index_cast %select_n3A_1001 : i32 to index
      %get3A_1254 = arith.constant 64 : index
      %get3A_1255 = tpu.vector_load %arg5[%get3A_1251, %get3A_1252, %get3A_1253, %get3A_1254] {strides = array<i32>} : memref<3x25x8x128xf32, #tpu.memory_space<vmem>>, vector<16xf32>,
      %get3A_1256 = arith.constant 2 : i32
      %get3A_1257 = arith.index_cast %get3A_1256 : i32 to index
      %get3A_1258 = arith.index_cast %select_n3A_985 : i32 to index
      %get3A_1259 = arith.index_cast %select_n3A_1001 : i32 to index
      %get3A_1260 = arith.constant 0 : index
      %get3A_1261 = tpu.vector_load %arg5[%get3A_1257, %get3A_1258, %get3A_1259, %get3A_1260] {strides = array<i32>} : memref<3x25x8x128xf32, #tpu.memory_space<vmem>>, vector<16xf32>,
      %mul3A_1262 = arith.mulf %get3A_1261, %select_n3A_1106 : vector<16xf32>
      %add3A_1263 = arith.addf %mul3A_1262, %get3A_1255 : vector<16xf32>
      %swap3A_1264 = arith.constant 0 : i32
      %swap3A_1265 = arith.index_cast %swap3A_1264 : i32 to index
      %swap3A_1266 = arith.index_cast %select_n3A_985 : i32 to index
      %swap3A_1267 = arith.index_cast %select_n3A_1001 : i32 to index
      %swap3A_1268 = arith.constant 64 : index
      %swap3A_1269 = tpu.vector_load %arg6[%swap3A_1265, %swap3A_1266, %swap3A_1267, %swap3A_1268] {strides = array<i32>} : memref<2x25x8x128xf32, #tpu.memory_space<vmem>>, vector<16xf32>,
      tpu.vector_store %arg6[%swap3A_1265, %swap3A_1266, %swap3A_1267, %swap3A_1268], %add3A_1263 {strides = array<i32>} : memref<2x25x8x128xf32, #tpu.memory_space<vmem>>, vector<16xf32>,
      %get3A_1270 = arith.constant 0 : i32
      %get3A_1271 = arith.index_cast %get3A_1270 : i32 to index
      %get3A_1272 = arith.index_cast %select_n3A_985 : i32 to index
      %get3A_1273 = arith.index_cast %select_n3A_1001 : i32 to index
      %get3A_1274 = arith.constant 80 : index
      %get3A_1275 = tpu.vector_load %arg5[%get3A_1271, %get3A_1272, %get3A_1273, %get3A_1274] {strides = array<i32>} : memref<3x25x8x128xf32, #tpu.memory_space<vmem>>, vector<16xf32>,
      %get3A_1276 = arith.constant 2 : i32
      %get3A_1277 = arith.index_cast %get3A_1276 : i32 to index
      %get3A_1278 = arith.index_cast %select_n3A_985 : i32 to index
      %get3A_1279 = arith.index_cast %select_n3A_1001 : i32 to index
      %get3A_1280 = arith.constant 16 : index
      %get3A_1281 = tpu.vector_load %arg5[%get3A_1277, %get3A_1278, %get3A_1279, %get3A_1280] {strides = array<i32>} : memref<3x25x8x128xf32, #tpu.memory_space<vmem>>, vector<16xf32>,
      %mul3A_1282 = arith.mulf %get3A_1281, %select_n3A_1115 : vector<16xf32>
      %add3A_1283 = arith.addf %mul3A_1282, %get3A_1275 : vector<16xf32>
      %swap3A_1284 = arith.constant 0 : i32
      %swap3A_1285 = arith.index_cast %swap3A_1284 : i32 to index
      %swap3A_1286 = arith.index_cast %select_n3A_985 : i32 to index
      %swap3A_1287 = arith.index_cast %select_n3A_1001 : i32 to index
      %swap3A_1288 = arith.constant 80 : index
      %swap3A_1289 = tpu.vector_load %arg6[%swap3A_1285, %swap3A_1286, %swap3A_1287, %swap3A_1288] {strides = array<i32>} : memref<2x25x8x128xf32, #tpu.memory_space<vmem>>, vector<16xf32>,
      tpu.vector_store %arg6[%swap3A_1285, %swap3A_1286, %swap3A_1287, %swap3A_1288], %add3A_1283 {strides = array<i32>} : memref<2x25x8x128xf32, #tpu.memory_space<vmem>>, vector<16xf32>,
      %get3A_1290 = arith.constant 0 : i32
      %get3A_1291 = arith.index_cast %get3A_1290 : i32 to index
      %get3A_1292 = arith.index_cast %select_n3A_985 : i32 to index
      %get3A_1293 = arith.index_cast %select_n3A_1001 : i32 to index
      %get3A_1294 = arith.constant 96 : index
      %get3A_1295 = tpu.vector_load %arg5[%get3A_1291, %get3A_1292, %get3A_1293, %get3A_1294] {strides = array<i32>} : memref<3x25x8x128xf32, #tpu.memory_space<vmem>>, vector<16xf32>,
      %get3A_1296 = arith.constant 2 : i32
      %get3A_1297 = arith.index_cast %get3A_1296 : i32 to index
      %get3A_1298 = arith.index_cast %select_n3A_985 : i32 to index
      %get3A_1299 = arith.index_cast %select_n3A_1001 : i32 to index
      %get3A_1300 = arith.constant 32 : index
      %get3A_1301 = tpu.vector_load %arg5[%get3A_1297, %get3A_1298, %get3A_1299, %get3A_1300] {strides = array<i32>} : memref<3x25x8x128xf32, #tpu.memory_space<vmem>>, vector<16xf32>,
      %mul3A_1302 = arith.mulf %get3A_1301, %select_n3A_1124 : vector<16xf32>
      %add3A_1303 = arith.addf %mul3A_1302, %get3A_1295 : vector<16xf32>
      %swap3A_1304 = arith.constant 0 : i32
      %swap3A_1305 = arith.index_cast %swap3A_1304 : i32 to index
      %swap3A_1306 = arith.index_cast %select_n3A_985 : i32 to index
      %swap3A_1307 = arith.index_cast %select_n3A_1001 : i32 to index
      %swap3A_1308 = arith.constant 96 : index
      %swap3A_1309 = tpu.vector_load %arg6[%swap3A_1305, %swap3A_1306, %swap3A_1307, %swap3A_1308] {strides = array<i32>} : memref<2x25x8x128xf32, #tpu.memory_space<vmem>>, vector<16xf32>,
      tpu.vector_store %arg6[%swap3A_1305, %swap3A_1306, %swap3A_1307, %swap3A_1308], %add3A_1303 {strides = array<i32>} : memref<2x25x8x128xf32, #tpu.memory_space<vmem>>, vector<16xf32>,
      %get3A_1310 = arith.constant 0 : i32
      %get3A_1311 = arith.index_cast %get3A_1310 : i32 to index
      %get3A_1312 = arith.index_cast %select_n3A_985 : i32 to index
      %get3A_1313 = arith.index_cast %select_n3A_1001 : i32 to index
      %get3A_1314 = arith.constant 112 : index
      %get3A_1315 = tpu.vector_load %arg5[%get3A_1311, %get3A_1312, %get3A_1313, %get3A_1314] {strides = array<i32>} : memref<3x25x8x128xf32, #tpu.memory_space<vmem>>, vector<16xf32>,
      %get3A_1316 = arith.constant 2 : i32
      %get3A_1317 = arith.index_cast %get3A_1316 : i32 to index
      %get3A_1318 = arith.index_cast %select_n3A_985 : i32 to index
      %get3A_1319 = arith.index_cast %select_n3A_1001 : i32 to index
      %get3A_1320 = arith.constant 48 : index
      %get3A_1321 = tpu.vector_load %arg5[%get3A_1317, %get3A_1318, %get3A_1319, %get3A_1320] {strides = array<i32>} : memref<3x25x8x128xf32, #tpu.memory_space<vmem>>, vector<16xf32>,
      %mul3A_1322 = arith.mulf %get3A_1321, %select_n3A_1133 : vector<16xf32>
      %add3A_1323 = arith.addf %mul3A_1322, %get3A_1315 : vector<16xf32>
      %swap3A_1324 = arith.constant 0 : i32
      %swap3A_1325 = arith.index_cast %swap3A_1324 : i32 to index
      %swap3A_1326 = arith.index_cast %select_n3A_985 : i32 to index
      %swap3A_1327 = arith.index_cast %select_n3A_1001 : i32 to index
      %swap3A_1328 = arith.constant 112 : index
      %swap3A_1329 = tpu.vector_load %arg6[%swap3A_1325, %swap3A_1326, %swap3A_1327, %swap3A_1328] {strides = array<i32>} : memref<2x25x8x128xf32, #tpu.memory_space<vmem>>, vector<16xf32>,
      tpu.vector_store %arg6[%swap3A_1325, %swap3A_1326, %swap3A_1327, %swap3A_1328], %add3A_1323 {strides = array<i32>} : memref<2x25x8x128xf32, #tpu.memory_space<vmem>>, vector<16xf32>,
      %get3A_1330 = arith.constant 1 : i32
      %get3A_1331 = arith.index_cast %get3A_1330 : i32 to index
      %get3A_1332 = arith.index_cast %select_n3A_985 : i32 to index
      %get3A_1333 = arith.index_cast %select_n3A_1001 : i32 to index
      %get3A_1334 = arith.constant 0 : index
      %get3A_1335 = tpu.vector_load %arg5[%get3A_1331, %get3A_1332, %get3A_1333, %get3A_1334] {strides = array<i32>} : memref<3x25x8x128xf32, #tpu.memory_space<vmem>>, vector<16xf32>,
      %get3A_1336 = arith.constant 2 : i32
      %get3A_1337 = arith.index_cast %get3A_1336 : i32 to index
      %get3A_1338 = arith.index_cast %select_n3A_985 : i32 to index
      %get3A_1339 = arith.index_cast %select_n3A_1001 : i32 to index
      %get3A_1340 = arith.constant 64 : index
      %get3A_1341 = tpu.vector_load %arg5[%get3A_1337, %get3A_1338, %get3A_1339, %get3A_1340] {strides = array<i32>} : memref<3x25x8x128xf32, #tpu.memory_space<vmem>>, vector<16xf32>,
      %mul3A_1342 = arith.mulf %get3A_1341, %select_n3A_1142 : vector<16xf32>
      %add3A_1343 = arith.addf %mul3A_1342, %get3A_1335 : vector<16xf32>
      %swap3A_1344 = arith.constant 1 : i32
      %swap3A_1345 = arith.index_cast %swap3A_1344 : i32 to index
      %swap3A_1346 = arith.index_cast %select_n3A_985 : i32 to index
      %swap3A_1347 = arith.index_cast %select_n3A_1001 : i32 to index
      %swap3A_1348 = arith.constant 0 : index
      %swap3A_1349 = tpu.vector_load %arg6[%swap3A_1345, %swap3A_1346, %swap3A_1347, %swap3A_1348] {strides = array<i32>} : memref<2x25x8x128xf32, #tpu.memory_space<vmem>>, vector<16xf32>,
      tpu.vector_store %arg6[%swap3A_1345, %swap3A_1346, %swap3A_1347, %swap3A_1348], %add3A_1343 {strides = array<i32>} : memref<2x25x8x128xf32, #tpu.memory_space<vmem>>, vector<16xf32>,
      %get3A_1350 = arith.constant 1 : i32
      %get3A_1351 = arith.index_cast %get3A_1350 : i32 to index
      %get3A_1352 = arith.index_cast %select_n3A_985 : i32 to index
      %get3A_1353 = arith.index_cast %select_n3A_1001 : i32 to index
      %get3A_1354 = arith.constant 16 : index
      %get3A_1355 = tpu.vector_load %arg5[%get3A_1351, %get3A_1352, %get3A_1353, %get3A_1354] {strides = array<i32>} : memref<3x25x8x128xf32, #tpu.memory_space<vmem>>, vector<16xf32>,
      %get3A_1356 = arith.constant 2 : i32
      %get3A_1357 = arith.index_cast %get3A_1356 : i32 to index
      %get3A_1358 = arith.index_cast %select_n3A_985 : i32 to index
      %get3A_1359 = arith.index_cast %select_n3A_1001 : i32 to index
      %get3A_1360 = arith.constant 80 : index
      %get3A_1361 = tpu.vector_load %arg5[%get3A_1357, %get3A_1358, %get3A_1359, %get3A_1360] {strides = array<i32>} : memref<3x25x8x128xf32, #tpu.memory_space<vmem>>, vector<16xf32>,
      %mul3A_1362 = arith.mulf %get3A_1361, %select_n3A_1151 : vector<16xf32>
      %add3A_1363 = arith.addf %mul3A_1362, %get3A_1355 : vector<16xf32>
      %swap3A_1364 = arith.constant 1 : i32
      %swap3A_1365 = arith.index_cast %swap3A_1364 : i32 to index
      %swap3A_1366 = arith.index_cast %select_n3A_985 : i32 to index
      %swap3A_1367 = arith.index_cast %select_n3A_1001 : i32 to index
      %swap3A_1368 = arith.constant 16 : index
      %swap3A_1369 = tpu.vector_load %arg6[%swap3A_1365, %swap3A_1366, %swap3A_1367, %swap3A_1368] {strides = array<i32>} : memref<2x25x8x128xf32, #tpu.memory_space<vmem>>, vector<16xf32>,
      tpu.vector_store %arg6[%swap3A_1365, %swap3A_1366, %swap3A_1367, %swap3A_1368], %add3A_1363 {strides = array<i32>} : memref<2x25x8x128xf32, #tpu.memory_space<vmem>>, vector<16xf32>,
      %get3A_1370 = arith.constant 1 : i32
      %get3A_1371 = arith.index_cast %get3A_1370 : i32 to index
      %get3A_1372 = arith.index_cast %select_n3A_985 : i32 to index
      %get3A_1373 = arith.index_cast %select_n3A_1001 : i32 to index
      %get3A_1374 = arith.constant 32 : index
      %get3A_1375 = tpu.vector_load %arg5[%get3A_1371, %get3A_1372, %get3A_1373, %get3A_1374] {strides = array<i32>} : memref<3x25x8x128xf32, #tpu.memory_space<vmem>>, vector<16xf32>,
      %get3A_1376 = arith.constant 2 : i32
      %get3A_1377 = arith.index_cast %get3A_1376 : i32 to index
      %get3A_1378 = arith.index_cast %select_n3A_985 : i32 to index
      %get3A_1379 = arith.index_cast %select_n3A_1001 : i32 to index
      %get3A_1380 = arith.constant 96 : index
      %get3A_1381 = tpu.vector_load %arg5[%get3A_1377, %get3A_1378, %get3A_1379, %get3A_1380] {strides = array<i32>} : memref<3x25x8x128xf32, #tpu.memory_space<vmem>>, vector<16xf32>,
      %mul3A_1382 = arith.mulf %get3A_1381, %select_n3A_1160 : vector<16xf32>
      %add3A_1383 = arith.addf %mul3A_1382, %get3A_1375 : vector<16xf32>
      %swap3A_1384 = arith.constant 1 : i32
      %swap3A_1385 = arith.index_cast %swap3A_1384 : i32 to index
      %swap3A_1386 = arith.index_cast %select_n3A_985 : i32 to index
      %swap3A_1387 = arith.index_cast %select_n3A_1001 : i32 to index
      %swap3A_1388 = arith.constant 32 : index
      %swap3A_1389 = tpu.vector_load %arg6[%swap3A_1385, %swap3A_1386, %swap3A_1387, %swap3A_1388] {strides = array<i32>} : memref<2x25x8x128xf32, #tpu.memory_space<vmem>>, vector<16xf32>,
      tpu.vector_store %arg6[%swap3A_1385, %swap3A_1386, %swap3A_1387, %swap3A_1388], %add3A_1383 {strides = array<i32>} : memref<2x25x8x128xf32, #tpu.memory_space<vmem>>, vector<16xf32>,
      %get3A_1390 = arith.constant 1 : i32
      %get3A_1391 = arith.index_cast %get3A_1390 : i32 to index
      %get3A_1392 = arith.index_cast %select_n3A_985 : i32 to index
      %get3A_1393 = arith.index_cast %select_n3A_1001 : i32 to index
      %get3A_1394 = arith.constant 48 : index
      %get3A_1395 = tpu.vector_load %arg5[%get3A_1391, %get3A_1392, %get3A_1393, %get3A_1394] {strides = array<i32>} : memref<3x25x8x128xf32, #tpu.memory_space<vmem>>, vector<16xf32>,
      %get3A_1396 = arith.constant 2 : i32
      %get3A_1397 = arith.index_cast %get3A_1396 : i32 to index
      %get3A_1398 = arith.index_cast %select_n3A_985 : i32 to index
      %get3A_1399 = arith.index_cast %select_n3A_1001 : i32 to index
      %get3A_1400 = arith.constant 112 : index
      %get3A_1401 = tpu.vector_load %arg5[%get3A_1397, %get3A_1398, %get3A_1399, %get3A_1400] {strides = array<i32>} : memref<3x25x8x128xf32, #tpu.memory_space<vmem>>, vector<16xf32>,
      %mul3A_1402 = arith.mulf %get3A_1401, %select_n3A_1169 : vector<16xf32>
      %add3A_1403 = arith.addf %mul3A_1402, %get3A_1395 : vector<16xf32>
      %swap3A_1404 = arith.constant 1 : i32
      %swap3A_1405 = arith.index_cast %swap3A_1404 : i32 to index
      %swap3A_1406 = arith.index_cast %select_n3A_985 : i32 to index
      %swap3A_1407 = arith.index_cast %select_n3A_1001 : i32 to index
      %swap3A_1408 = arith.constant 48 : index
      %swap3A_1409 = tpu.vector_load %arg6[%swap3A_1405, %swap3A_1406, %swap3A_1407, %swap3A_1408] {strides = array<i32>} : memref<2x25x8x128xf32, #tpu.memory_space<vmem>>, vector<16xf32>,
      tpu.vector_store %arg6[%swap3A_1405, %swap3A_1406, %swap3A_1407, %swap3A_1408], %add3A_1403 {strides = array<i32>} : memref<2x25x8x128xf32, #tpu.memory_space<vmem>>, vector<16xf32>,
      %scan3A_1410 = arith.constant 3 : i32
      %scan3A_1411 = arith.addi %scan3A_38, %scan3A_1410 : i32
      %broadcast_in_dim3A_1412 = vector.broadcast %scan3A_1411 : i32 to vector<16xi32>
      %ge3A_1413 = arith.constant 0 : i32
      %ge3A_1414 = vector.broadcast %ge3A_1413 : i32 to vector<16xi32>
      %ge3A_1415 = arith.cmpi sge, %gather3A_1061, %ge3A_1414 : vector<16xi32>
      %lt3A_1416 = arith.cmpi slt, %gather3A_1061, %broadcast_in_dim3A_1412 : vector<16xi32>
      %and3A_1417 = arith.andi %ge3A_1415, %lt3A_1416 : vector<16xi1>
      %max3A_1418 = arith.constant 0 : i32
      %max3A_1419 = vector.broadcast %max3A_1418 : i32 to vector<16xi32>
      %max3A_1420 = arith.maxsi %gather3A_1061, %max3A_1419 : vector<16xi32>
      %jit3A_1421 = arith.constant 8 : i32
      %div3A_1422 = arith.divsi %scan3A_1411, %jit3A_1421 : i32
      %sign3A_1423 = arith.constant 0 : i32
      %sign3A_1424 = arith.cmpi sgt, %scan3A_1411, %sign3A_1423 : i32
      %sign3A_1425 = arith.extui %sign3A_1424 : i1 to i32
      %sign3A_1426 = arith.constant 0 : i32
      %sign3A_1427 = arith.cmpi slt, %scan3A_1411, %sign3A_1426 : i32
      %sign3A_1428 = arith.extui %sign3A_1427 : i1 to i32
      %sign3A_1429 = arith.subi %sign3A_1425, %sign3A_1428 : i32
      %sign3A_1430 = arith.constant 0 : i32
      %sign3A_1431 = arith.cmpi sgt, %jit3A_1421, %sign3A_1430 : i32
      %sign3A_1432 = arith.extui %sign3A_1431 : i1 to i32
      %sign3A_1433 = arith.constant 0 : i32
      %sign3A_1434 = arith.cmpi slt, %jit3A_1421, %sign3A_1433 : i32
      %sign3A_1435 = arith.extui %sign3A_1434 : i1 to i32
      %sign3A_1436 = arith.subi %sign3A_1432, %sign3A_1435 : i32
      %ne3A_1437 = arith.cmpi ne, %sign3A_1429, %sign3A_1436 : i32
      %rem3A_1438 = arith.remsi %scan3A_1411, %jit3A_1421 : i32
      %ne3A_1439 = arith.constant 0 : i32
      %ne3A_1440 = arith.cmpi ne, %rem3A_1438, %ne3A_1439 : i32
      %and3A_1441 = arith.andi %ne3A_1437, %ne3A_1440 : i1
      %sub3A_1442 = arith.constant 1 : i32
      %sub3A_1443 = arith.subi %div3A_1422, %sub3A_1442 : i32
      %select_n3A_1444 = arith.select %and3A_1441, %sub3A_1443, %div3A_1422 : i32
      %jit3A_1445 = arith.constant 8 : i32
      %eq3A_1446 = arith.constant 0 : i32
      %eq3A_1447 = arith.cmpi eq, %jit3A_1445, %eq3A_1446 : i32
      %jit3A_1448 = arith.constant 1 : i32
      %select_n3A_1449 = arith.select %eq3A_1447, %jit3A_1448, %jit3A_1445 : i32
      %rem3A_1450 = arith.remsi %scan3A_1411, %select_n3A_1449 : i32
      %ne3A_1451 = arith.constant 0 : i32
      %ne3A_1452 = arith.cmpi ne, %rem3A_1450, %ne3A_1451 : i32
      %lt3A_1453 = arith.constant 0 : i32
      %lt3A_1454 = arith.cmpi slt, %rem3A_1450, %lt3A_1453 : i32
      %lt3A_1455 = arith.constant 0 : i32
      %lt3A_1456 = arith.cmpi slt, %select_n3A_1449, %lt3A_1455 : i32
      %ne3A_1457 = arith.xori %lt3A_1454, %lt3A_1456 : i1
      %and3A_1458 = arith.andi %ne3A_1457, %ne3A_1452 : i1
      %add3A_1459 = arith.addi %rem3A_1450, %select_n3A_1449 : i32
      %select_n3A_1460 = arith.select %and3A_1458, %add3A_1459, %rem3A_1450 : i32
      %jit3A_1461 = arith.constant 8 : i32
      %div3A_1462 = vector.broadcast %jit3A_1461 : i32 to vector<16xi32>
      %div3A_1463 = arith.divsi %max3A_1420, %div3A_1462 : vector<16xi32>
      %sign3A_1464 = arith.constant 0 : i32
      %sign3A_1465 = vector.broadcast %sign3A_1464 : i32 to vector<16xi32>
      %sign3A_1466 = arith.cmpi sgt, %max3A_1420, %sign3A_1465 : vector<16xi32>
      %sign3A_1467 = arith.extui %sign3A_1466 : vector<16xi1> to vector<16xi32>
      %sign3A_1468 = arith.constant 0 : i32
      %sign3A_1469 = vector.broadcast %sign3A_1468 : i32 to vector<16xi32>
      %sign3A_1470 = arith.cmpi slt, %max3A_1420, %sign3A_1469 : vector<16xi32>
      %sign3A_1471 = arith.extui %sign3A_1470 : vector<16xi1> to vector<16xi32>
      %sign3A_1472 = arith.subi %sign3A_1467, %sign3A_1471 : vector<16xi32>
      %sign3A_1473 = arith.constant 0 : i32
      %sign3A_1474 = arith.cmpi sgt, %jit3A_1461, %sign3A_1473 : i32
      %sign3A_1475 = arith.extui %sign3A_1474 : i1 to i32
      %sign3A_1476 = arith.constant 0 : i32
      %sign3A_1477 = arith.cmpi slt, %jit3A_1461, %sign3A_1476 : i32
      %sign3A_1478 = arith.extui %sign3A_1477 : i1 to i32
      %sign3A_1479 = arith.subi %sign3A_1475, %sign3A_1478 : i32
      %ne3A_1480 = vector.broadcast %sign3A_1479 : i32 to vector<16xi32>
      %ne3A_1481 = arith.cmpi ne, %sign3A_1472, %ne3A_1480 : vector<16xi32>
      %rem3A_1482 = vector.broadcast %jit3A_1461 : i32 to vector<16xi32>
      %rem3A_1483 = arith.remsi %max3A_1420, %rem3A_1482 : vector<16xi32>
      %ne3A_1484 = arith.constant 0 : i32
      %ne3A_1485 = vector.broadcast %ne3A_1484 : i32 to vector<16xi32>
      %ne3A_1486 = arith.cmpi ne, %rem3A_1483, %ne3A_1485 : vector<16xi32>
      %and3A_1487 = arith.andi %ne3A_1481, %ne3A_1486 : vector<16xi1>
      %sub3A_1488 = arith.constant 1 : i32
      %sub3A_1489 = vector.broadcast %sub3A_1488 : i32 to vector<16xi32>
      %sub3A_1490 = arith.subi %div3A_1463, %sub3A_1489 : vector<16xi32>
      %select_n3A_1491 = arith.select %and3A_1487, %sub3A_1490, %div3A_1463 : vector<16xi1>, vector<16xi32>
      %jit3A_1492 = arith.constant 8 : i32
      %eq3A_1493 = arith.constant 0 : i32
      %eq3A_1494 = arith.cmpi eq, %jit3A_1492, %eq3A_1493 : i32
      %jit3A_1495 = arith.constant 1 : i32
      %select_n3A_1496 = arith.select %eq3A_1494, %jit3A_1495, %jit3A_1492 : i32
      %rem3A_1497 = vector.broadcast %select_n3A_1496 : i32 to vector<16xi32>
      %rem3A_1498 = arith.remsi %max3A_1420, %rem3A_1497 : vector<16xi32>
      %ne3A_1499 = arith.constant 0 : i32
      %ne3A_1500 = vector.broadcast %ne3A_1499 : i32 to vector<16xi32>
      %ne3A_1501 = arith.cmpi ne, %rem3A_1498, %ne3A_1500 : vector<16xi32>
      %lt3A_1502 = arith.constant 0 : i32
      %lt3A_1503 = vector.broadcast %lt3A_1502 : i32 to vector<16xi32>
      %lt3A_1504 = arith.cmpi slt, %rem3A_1498, %lt3A_1503 : vector<16xi32>
      %lt3A_1505 = arith.constant 0 : i32
      %lt3A_1506 = arith.cmpi slt, %select_n3A_1496, %lt3A_1505 : i32
      %ne3A_1507 = vector.broadcast %lt3A_1506 : i1 to vector<16xi1>
      %ne3A_1508 = vector.broadcast %ne3A_1507 : vector<16xi1> to vector<16xi1>
      %ne3A_1509 = arith.xori %lt3A_1504, %ne3A_1508 : vector<16xi1>
      %and3A_1510 = arith.andi %ne3A_1509, %ne3A_1501 : vector<16xi1>
      %add3A_1511 = vector.broadcast %select_n3A_1496 : i32 to vector<16xi32>
      %add3A_1512 = arith.addi %rem3A_1498, %add3A_1511 : vector<16xi32>
      %select_n3A_1513 = arith.select %and3A_1510, %add3A_1512, %rem3A_1498 : vector<16xi1>, vector<16xi32>
      %add3A_1514 = arith.addi %mul3A_32, %scan3A_1411 : i32
      %add3A_1515 = arith.constant 1 : i32
      %add3A_1516 = arith.addi %add3A_1514, %add3A_1515 : i32
      %min3A_1517 = arith.constant 1567 : i32
      %min3A_1518 = arith.minsi %add3A_1516, %min3A_1517 : i32
      %broadcast_in_dim3A_1519 = vector.broadcast %min3A_1518 : i32 to vector<16xi32>
      %gather3A_1520 = tpu.vector_load_idx %arg7[%broadcast_in_dim3A_1519] : memref<1568xi32, #tpu.memory_space<vmem>>[vector<16xi32>], vector<16xi32>,
      %broadcast_in_dim3A_1521 = arith.constant 0 : i32
      %broadcast_in_dim3A_1522 = vector.broadcast %broadcast_in_dim3A_1521 : i32 to vector<16xi32>
      %add3A_1523 = arith.constant 0 : i32
      %add3A_1524 = vector.broadcast %add3A_1523 : i32 to vector<16xi32>
      %add3A_1525 = arith.addi %iota3A, %add3A_1524 : vector<16xi32>
      %gather3A_1526 = tpu.vector_load_idx %arg6[%broadcast_in_dim3A_1522, %select_n3A_1491, %select_n3A_1513, %add3A_1525] : memref<2x25x8x128xf32, #tpu.memory_space<vmem>>[vector<16xi32>, vector<16xi32>, vector<16xi32>, vector<16xi32>], vector<16xf32>,
      %jit3A_1527 = arith.constant 0.000000e+00 : f32
      %broadcast_in_dim3A_1528 = vector.broadcast %jit3A_1527 : f32 to vector<16xf32>
      %select_n3A_1529 = arith.select %and3A_1417, %gather3A_1526, %broadcast_in_dim3A_1528 : vector<16xi1>, vector<16xf32>
      %broadcast_in_dim3A_1530 = arith.constant 0 : i32
      %broadcast_in_dim3A_1531 = vector.broadcast %broadcast_in_dim3A_1530 : i32 to vector<16xi32>
      %add3A_1532 = arith.constant 16 : i32
      %add3A_1533 = vector.broadcast %add3A_1532 : i32 to vector<16xi32>
      %add3A_1534 = arith.addi %iota3A, %add3A_1533 : vector<16xi32>
      %gather3A_1535 = tpu.vector_load_idx %arg6[%broadcast_in_dim3A_1531, %select_n3A_1491, %select_n3A_1513, %add3A_1534] : memref<2x25x8x128xf32, #tpu.memory_space<vmem>>[vector<16xi32>, vector<16xi32>, vector<16xi32>, vector<16xi32>], vector<16xf32>,
      %jit3A_1536 = arith.constant 0.000000e+00 : f32
      %broadcast_in_dim3A_1537 = vector.broadcast %jit3A_1536 : f32 to vector<16xf32>
      %select_n3A_1538 = arith.select %and3A_1417, %gather3A_1535, %broadcast_in_dim3A_1537 : vector<16xi1>, vector<16xf32>
      %broadcast_in_dim3A_1539 = arith.constant 0 : i32
      %broadcast_in_dim3A_1540 = vector.broadcast %broadcast_in_dim3A_1539 : i32 to vector<16xi32>
      %add3A_1541 = arith.constant 32 : i32
      %add3A_1542 = vector.broadcast %add3A_1541 : i32 to vector<16xi32>
      %add3A_1543 = arith.addi %iota3A, %add3A_1542 : vector<16xi32>
      %gather3A_1544 = tpu.vector_load_idx %arg6[%broadcast_in_dim3A_1540, %select_n3A_1491, %select_n3A_1513, %add3A_1543] : memref<2x25x8x128xf32, #tpu.memory_space<vmem>>[vector<16xi32>, vector<16xi32>, vector<16xi32>, vector<16xi32>], vector<16xf32>,
      %jit3A_1545 = arith.constant 0.000000e+00 : f32
      %broadcast_in_dim3A_1546 = vector.broadcast %jit3A_1545 : f32 to vector<16xf32>
      %select_n3A_1547 = arith.select %and3A_1417, %gather3A_1544, %broadcast_in_dim3A_1546 : vector<16xi1>, vector<16xf32>
      %broadcast_in_dim3A_1548 = arith.constant 0 : i32
      %broadcast_in_dim3A_1549 = vector.broadcast %broadcast_in_dim3A_1548 : i32 to vector<16xi32>
      %add3A_1550 = arith.constant 48 : i32
      %add3A_1551 = vector.broadcast %add3A_1550 : i32 to vector<16xi32>
      %add3A_1552 = arith.addi %iota3A, %add3A_1551 : vector<16xi32>
      %gather3A_1553 = tpu.vector_load_idx %arg6[%broadcast_in_dim3A_1549, %select_n3A_1491, %select_n3A_1513, %add3A_1552] : memref<2x25x8x128xf32, #tpu.memory_space<vmem>>[vector<16xi32>, vector<16xi32>, vector<16xi32>, vector<16xi32>], vector<16xf32>,
      %jit3A_1554 = arith.constant 0.000000e+00 : f32
      %broadcast_in_dim3A_1555 = vector.broadcast %jit3A_1554 : f32 to vector<16xf32>
      %select_n3A_1556 = arith.select %and3A_1417, %gather3A_1553, %broadcast_in_dim3A_1555 : vector<16xi1>, vector<16xf32>
      %broadcast_in_dim3A_1557 = arith.constant 0 : i32
      %broadcast_in_dim3A_1558 = vector.broadcast %broadcast_in_dim3A_1557 : i32 to vector<16xi32>
      %add3A_1559 = arith.constant 64 : i32
      %add3A_1560 = vector.broadcast %add3A_1559 : i32 to vector<16xi32>
      %add3A_1561 = arith.addi %iota3A, %add3A_1560 : vector<16xi32>
      %gather3A_1562 = tpu.vector_load_idx %arg6[%broadcast_in_dim3A_1558, %select_n3A_1491, %select_n3A_1513, %add3A_1561] : memref<2x25x8x128xf32, #tpu.memory_space<vmem>>[vector<16xi32>, vector<16xi32>, vector<16xi32>, vector<16xi32>], vector<16xf32>,
      %jit3A_1563 = arith.constant 0.000000e+00 : f32
      %broadcast_in_dim3A_1564 = vector.broadcast %jit3A_1563 : f32 to vector<16xf32>
      %select_n3A_1565 = arith.select %and3A_1417, %gather3A_1562, %broadcast_in_dim3A_1564 : vector<16xi1>, vector<16xf32>
      %broadcast_in_dim3A_1566 = arith.constant 0 : i32
      %broadcast_in_dim3A_1567 = vector.broadcast %broadcast_in_dim3A_1566 : i32 to vector<16xi32>
      %add3A_1568 = arith.constant 80 : i32
      %add3A_1569 = vector.broadcast %add3A_1568 : i32 to vector<16xi32>
      %add3A_1570 = arith.addi %iota3A, %add3A_1569 : vector<16xi32>
      %gather3A_1571 = tpu.vector_load_idx %arg6[%broadcast_in_dim3A_1567, %select_n3A_1491, %select_n3A_1513, %add3A_1570] : memref<2x25x8x128xf32, #tpu.memory_space<vmem>>[vector<16xi32>, vector<16xi32>, vector<16xi32>, vector<16xi32>], vector<16xf32>,
      %jit3A_1572 = arith.constant 0.000000e+00 : f32
      %broadcast_in_dim3A_1573 = vector.broadcast %jit3A_1572 : f32 to vector<16xf32>
      %select_n3A_1574 = arith.select %and3A_1417, %gather3A_1571, %broadcast_in_dim3A_1573 : vector<16xi1>, vector<16xf32>
      %broadcast_in_dim3A_1575 = arith.constant 0 : i32
      %broadcast_in_dim3A_1576 = vector.broadcast %broadcast_in_dim3A_1575 : i32 to vector<16xi32>
      %add3A_1577 = arith.constant 96 : i32
      %add3A_1578 = vector.broadcast %add3A_1577 : i32 to vector<16xi32>
      %add3A_1579 = arith.addi %iota3A, %add3A_1578 : vector<16xi32>
      %gather3A_1580 = tpu.vector_load_idx %arg6[%broadcast_in_dim3A_1576, %select_n3A_1491, %select_n3A_1513, %add3A_1579] : memref<2x25x8x128xf32, #tpu.memory_space<vmem>>[vector<16xi32>, vector<16xi32>, vector<16xi32>, vector<16xi32>], vector<16xf32>,
      %jit3A_1581 = arith.constant 0.000000e+00 : f32
      %broadcast_in_dim3A_1582 = vector.broadcast %jit3A_1581 : f32 to vector<16xf32>
      %select_n3A_1583 = arith.select %and3A_1417, %gather3A_1580, %broadcast_in_dim3A_1582 : vector<16xi1>, vector<16xf32>
      %broadcast_in_dim3A_1584 = arith.constant 0 : i32
      %broadcast_in_dim3A_1585 = vector.broadcast %broadcast_in_dim3A_1584 : i32 to vector<16xi32>
      %add3A_1586 = arith.constant 112 : i32
      %add3A_1587 = vector.broadcast %add3A_1586 : i32 to vector<16xi32>
      %add3A_1588 = arith.addi %iota3A, %add3A_1587 : vector<16xi32>
      %gather3A_1589 = tpu.vector_load_idx %arg6[%broadcast_in_dim3A_1585, %select_n3A_1491, %select_n3A_1513, %add3A_1588] : memref<2x25x8x128xf32, #tpu.memory_space<vmem>>[vector<16xi32>, vector<16xi32>, vector<16xi32>, vector<16xi32>], vector<16xf32>,
      %jit3A_1590 = arith.constant 0.000000e+00 : f32
      %broadcast_in_dim3A_1591 = vector.broadcast %jit3A_1590 : f32 to vector<16xf32>
      %select_n3A_1592 = arith.select %and3A_1417, %gather3A_1589, %broadcast_in_dim3A_1591 : vector<16xi1>, vector<16xf32>
      %broadcast_in_dim3A_1593 = arith.constant 1 : i32
      %broadcast_in_dim3A_1594 = vector.broadcast %broadcast_in_dim3A_1593 : i32 to vector<16xi32>
      %add3A_1595 = arith.constant 0 : i32
      %add3A_1596 = vector.broadcast %add3A_1595 : i32 to vector<16xi32>
      %add3A_1597 = arith.addi %iota3A, %add3A_1596 : vector<16xi32>
      %gather3A_1598 = tpu.vector_load_idx %arg6[%broadcast_in_dim3A_1594, %select_n3A_1491, %select_n3A_1513, %add3A_1597] : memref<2x25x8x128xf32, #tpu.memory_space<vmem>>[vector<16xi32>, vector<16xi32>, vector<16xi32>, vector<16xi32>], vector<16xf32>,
      %jit3A_1599 = arith.constant 0.000000e+00 : f32
      %broadcast_in_dim3A_1600 = vector.broadcast %jit3A_1599 : f32 to vector<16xf32>
      %select_n3A_1601 = arith.select %and3A_1417, %gather3A_1598, %broadcast_in_dim3A_1600 : vector<16xi1>, vector<16xf32>
      %broadcast_in_dim3A_1602 = arith.constant 1 : i32
      %broadcast_in_dim3A_1603 = vector.broadcast %broadcast_in_dim3A_1602 : i32 to vector<16xi32>
      %add3A_1604 = arith.constant 16 : i32
      %add3A_1605 = vector.broadcast %add3A_1604 : i32 to vector<16xi32>
      %add3A_1606 = arith.addi %iota3A, %add3A_1605 : vector<16xi32>
      %gather3A_1607 = tpu.vector_load_idx %arg6[%broadcast_in_dim3A_1603, %select_n3A_1491, %select_n3A_1513, %add3A_1606] : memref<2x25x8x128xf32, #tpu.memory_space<vmem>>[vector<16xi32>, vector<16xi32>, vector<16xi32>, vector<16xi32>], vector<16xf32>,
      %jit3A_1608 = arith.constant 0.000000e+00 : f32
      %broadcast_in_dim3A_1609 = vector.broadcast %jit3A_1608 : f32 to vector<16xf32>
      %select_n3A_1610 = arith.select %and3A_1417, %gather3A_1607, %broadcast_in_dim3A_1609 : vector<16xi1>, vector<16xf32>
      %broadcast_in_dim3A_1611 = arith.constant 1 : i32
      %broadcast_in_dim3A_1612 = vector.broadcast %broadcast_in_dim3A_1611 : i32 to vector<16xi32>
      %add3A_1613 = arith.constant 32 : i32
      %add3A_1614 = vector.broadcast %add3A_1613 : i32 to vector<16xi32>
      %add3A_1615 = arith.addi %iota3A, %add3A_1614 : vector<16xi32>
      %gather3A_1616 = tpu.vector_load_idx %arg6[%broadcast_in_dim3A_1612, %select_n3A_1491, %select_n3A_1513, %add3A_1615] : memref<2x25x8x128xf32, #tpu.memory_space<vmem>>[vector<16xi32>, vector<16xi32>, vector<16xi32>, vector<16xi32>], vector<16xf32>,
      %jit3A_1617 = arith.constant 0.000000e+00 : f32
      %broadcast_in_dim3A_1618 = vector.broadcast %jit3A_1617 : f32 to vector<16xf32>
      %select_n3A_1619 = arith.select %and3A_1417, %gather3A_1616, %broadcast_in_dim3A_1618 : vector<16xi1>, vector<16xf32>
      %broadcast_in_dim3A_1620 = arith.constant 1 : i32
      %broadcast_in_dim3A_1621 = vector.broadcast %broadcast_in_dim3A_1620 : i32 to vector<16xi32>
      %add3A_1622 = arith.constant 48 : i32
      %add3A_1623 = vector.broadcast %add3A_1622 : i32 to vector<16xi32>
      %add3A_1624 = arith.addi %iota3A, %add3A_1623 : vector<16xi32>
      %gather3A_1625 = tpu.vector_load_idx %arg6[%broadcast_in_dim3A_1621, %select_n3A_1491, %select_n3A_1513, %add3A_1624] : memref<2x25x8x128xf32, #tpu.memory_space<vmem>>[vector<16xi32>, vector<16xi32>, vector<16xi32>, vector<16xi32>], vector<16xf32>,
      %jit3A_1626 = arith.constant 0.000000e+00 : f32
      %broadcast_in_dim3A_1627 = vector.broadcast %jit3A_1626 : f32 to vector<16xf32>
      %select_n3A_1628 = arith.select %and3A_1417, %gather3A_1625, %broadcast_in_dim3A_1627 : vector<16xi1>, vector<16xf32>
      %get3A_1629 = arith.constant 0 : i32
      %get3A_1630 = arith.index_cast %get3A_1629 : i32 to index
      %get3A_1631 = arith.index_cast %select_n3A_1444 : i32 to index
      %get3A_1632 = arith.index_cast %select_n3A_1460 : i32 to index
      %get3A_1633 = arith.constant 0 : index
      %get3A_1634 = tpu.vector_load %arg5[%get3A_1630, %get3A_1631, %get3A_1632, %get3A_1633] {strides = array<i32>} : memref<3x25x8x128xf32, #tpu.memory_space<vmem>>, vector<16xf32>,
      %get3A_1635 = arith.constant 1 : i32
      %get3A_1636 = arith.index_cast %get3A_1635 : i32 to index
      %get3A_1637 = arith.index_cast %select_n3A_1444 : i32 to index
      %get3A_1638 = arith.index_cast %select_n3A_1460 : i32 to index
      %get3A_1639 = arith.constant 64 : index
      %get3A_1640 = tpu.vector_load %arg5[%get3A_1636, %get3A_1637, %get3A_1638, %get3A_1639] {strides = array<i32>} : memref<3x25x8x128xf32, #tpu.memory_space<vmem>>, vector<16xf32>,
      %mul3A_1641 = arith.mulf %get3A_1640, %select_n3A_1529 : vector<16xf32>
      %add3A_1642 = arith.addf %mul3A_1641, %get3A_1634 : vector<16xf32>
      %swap3A_1643 = arith.constant 0 : i32
      %swap3A_1644 = arith.index_cast %swap3A_1643 : i32 to index
      %swap3A_1645 = arith.index_cast %select_n3A_1444 : i32 to index
      %swap3A_1646 = arith.index_cast %select_n3A_1460 : i32 to index
      %swap3A_1647 = arith.constant 0 : index
      %swap3A_1648 = tpu.vector_load %arg6[%swap3A_1644, %swap3A_1645, %swap3A_1646, %swap3A_1647] {strides = array<i32>} : memref<2x25x8x128xf32, #tpu.memory_space<vmem>>, vector<16xf32>,
      tpu.vector_store %arg6[%swap3A_1644, %swap3A_1645, %swap3A_1646, %swap3A_1647], %add3A_1642 {strides = array<i32>} : memref<2x25x8x128xf32, #tpu.memory_space<vmem>>, vector<16xf32>,
      %get3A_1649 = arith.constant 0 : i32
      %get3A_1650 = arith.index_cast %get3A_1649 : i32 to index
      %get3A_1651 = arith.index_cast %select_n3A_1444 : i32 to index
      %get3A_1652 = arith.index_cast %select_n3A_1460 : i32 to index
      %get3A_1653 = arith.constant 16 : index
      %get3A_1654 = tpu.vector_load %arg5[%get3A_1650, %get3A_1651, %get3A_1652, %get3A_1653] {strides = array<i32>} : memref<3x25x8x128xf32, #tpu.memory_space<vmem>>, vector<16xf32>,
      %get3A_1655 = arith.constant 1 : i32
      %get3A_1656 = arith.index_cast %get3A_1655 : i32 to index
      %get3A_1657 = arith.index_cast %select_n3A_1444 : i32 to index
      %get3A_1658 = arith.index_cast %select_n3A_1460 : i32 to index
      %get3A_1659 = arith.constant 80 : index
      %get3A_1660 = tpu.vector_load %arg5[%get3A_1656, %get3A_1657, %get3A_1658, %get3A_1659] {strides = array<i32>} : memref<3x25x8x128xf32, #tpu.memory_space<vmem>>, vector<16xf32>,
      %mul3A_1661 = arith.mulf %get3A_1660, %select_n3A_1538 : vector<16xf32>
      %add3A_1662 = arith.addf %mul3A_1661, %get3A_1654 : vector<16xf32>
      %swap3A_1663 = arith.constant 0 : i32
      %swap3A_1664 = arith.index_cast %swap3A_1663 : i32 to index
      %swap3A_1665 = arith.index_cast %select_n3A_1444 : i32 to index
      %swap3A_1666 = arith.index_cast %select_n3A_1460 : i32 to index
      %swap3A_1667 = arith.constant 16 : index
      %swap3A_1668 = tpu.vector_load %arg6[%swap3A_1664, %swap3A_1665, %swap3A_1666, %swap3A_1667] {strides = array<i32>} : memref<2x25x8x128xf32, #tpu.memory_space<vmem>>, vector<16xf32>,
      tpu.vector_store %arg6[%swap3A_1664, %swap3A_1665, %swap3A_1666, %swap3A_1667], %add3A_1662 {strides = array<i32>} : memref<2x25x8x128xf32, #tpu.memory_space<vmem>>, vector<16xf32>,
      %get3A_1669 = arith.constant 0 : i32
      %get3A_1670 = arith.index_cast %get3A_1669 : i32 to index
      %get3A_1671 = arith.index_cast %select_n3A_1444 : i32 to index
      %get3A_1672 = arith.index_cast %select_n3A_1460 : i32 to index
      %get3A_1673 = arith.constant 32 : index
      %get3A_1674 = tpu.vector_load %arg5[%get3A_1670, %get3A_1671, %get3A_1672, %get3A_1673] {strides = array<i32>} : memref<3x25x8x128xf32, #tpu.memory_space<vmem>>, vector<16xf32>,
      %get3A_1675 = arith.constant 1 : i32
      %get3A_1676 = arith.index_cast %get3A_1675 : i32 to index
      %get3A_1677 = arith.index_cast %select_n3A_1444 : i32 to index
      %get3A_1678 = arith.index_cast %select_n3A_1460 : i32 to index
      %get3A_1679 = arith.constant 96 : index
      %get3A_1680 = tpu.vector_load %arg5[%get3A_1676, %get3A_1677, %get3A_1678, %get3A_1679] {strides = array<i32>} : memref<3x25x8x128xf32, #tpu.memory_space<vmem>>, vector<16xf32>,
      %mul3A_1681 = arith.mulf %get3A_1680, %select_n3A_1547 : vector<16xf32>
      %add3A_1682 = arith.addf %mul3A_1681, %get3A_1674 : vector<16xf32>
      %swap3A_1683 = arith.constant 0 : i32
      %swap3A_1684 = arith.index_cast %swap3A_1683 : i32 to index
      %swap3A_1685 = arith.index_cast %select_n3A_1444 : i32 to index
      %swap3A_1686 = arith.index_cast %select_n3A_1460 : i32 to index
      %swap3A_1687 = arith.constant 32 : index
      %swap3A_1688 = tpu.vector_load %arg6[%swap3A_1684, %swap3A_1685, %swap3A_1686, %swap3A_1687] {strides = array<i32>} : memref<2x25x8x128xf32, #tpu.memory_space<vmem>>, vector<16xf32>,
      tpu.vector_store %arg6[%swap3A_1684, %swap3A_1685, %swap3A_1686, %swap3A_1687], %add3A_1682 {strides = array<i32>} : memref<2x25x8x128xf32, #tpu.memory_space<vmem>>, vector<16xf32>,
      %get3A_1689 = arith.constant 0 : i32
      %get3A_1690 = arith.index_cast %get3A_1689 : i32 to index
      %get3A_1691 = arith.index_cast %select_n3A_1444 : i32 to index
      %get3A_1692 = arith.index_cast %select_n3A_1460 : i32 to index
      %get3A_1693 = arith.constant 48 : index
      %get3A_1694 = tpu.vector_load %arg5[%get3A_1690, %get3A_1691, %get3A_1692, %get3A_1693] {strides = array<i32>} : memref<3x25x8x128xf32, #tpu.memory_space<vmem>>, vector<16xf32>,
      %get3A_1695 = arith.constant 1 : i32
      %get3A_1696 = arith.index_cast %get3A_1695 : i32 to index
      %get3A_1697 = arith.index_cast %select_n3A_1444 : i32 to index
      %get3A_1698 = arith.index_cast %select_n3A_1460 : i32 to index
      %get3A_1699 = arith.constant 112 : index
      %get3A_1700 = tpu.vector_load %arg5[%get3A_1696, %get3A_1697, %get3A_1698, %get3A_1699] {strides = array<i32>} : memref<3x25x8x128xf32, #tpu.memory_space<vmem>>, vector<16xf32>,
      %mul3A_1701 = arith.mulf %get3A_1700, %select_n3A_1556 : vector<16xf32>
      %add3A_1702 = arith.addf %mul3A_1701, %get3A_1694 : vector<16xf32>
      %swap3A_1703 = arith.constant 0 : i32
      %swap3A_1704 = arith.index_cast %swap3A_1703 : i32 to index
      %swap3A_1705 = arith.index_cast %select_n3A_1444 : i32 to index
      %swap3A_1706 = arith.index_cast %select_n3A_1460 : i32 to index
      %swap3A_1707 = arith.constant 48 : index
      %swap3A_1708 = tpu.vector_load %arg6[%swap3A_1704, %swap3A_1705, %swap3A_1706, %swap3A_1707] {strides = array<i32>} : memref<2x25x8x128xf32, #tpu.memory_space<vmem>>, vector<16xf32>,
      tpu.vector_store %arg6[%swap3A_1704, %swap3A_1705, %swap3A_1706, %swap3A_1707], %add3A_1702 {strides = array<i32>} : memref<2x25x8x128xf32, #tpu.memory_space<vmem>>, vector<16xf32>,
      %get3A_1709 = arith.constant 0 : i32
      %get3A_1710 = arith.index_cast %get3A_1709 : i32 to index
      %get3A_1711 = arith.index_cast %select_n3A_1444 : i32 to index
      %get3A_1712 = arith.index_cast %select_n3A_1460 : i32 to index
      %get3A_1713 = arith.constant 64 : index
      %get3A_1714 = tpu.vector_load %arg5[%get3A_1710, %get3A_1711, %get3A_1712, %get3A_1713] {strides = array<i32>} : memref<3x25x8x128xf32, #tpu.memory_space<vmem>>, vector<16xf32>,
      %get3A_1715 = arith.constant 2 : i32
      %get3A_1716 = arith.index_cast %get3A_1715 : i32 to index
      %get3A_1717 = arith.index_cast %select_n3A_1444 : i32 to index
      %get3A_1718 = arith.index_cast %select_n3A_1460 : i32 to index
      %get3A_1719 = arith.constant 0 : index
      %get3A_1720 = tpu.vector_load %arg5[%get3A_1716, %get3A_1717, %get3A_1718, %get3A_1719] {strides = array<i32>} : memref<3x25x8x128xf32, #tpu.memory_space<vmem>>, vector<16xf32>,
      %mul3A_1721 = arith.mulf %get3A_1720, %select_n3A_1565 : vector<16xf32>
      %add3A_1722 = arith.addf %mul3A_1721, %get3A_1714 : vector<16xf32>
      %swap3A_1723 = arith.constant 0 : i32
      %swap3A_1724 = arith.index_cast %swap3A_1723 : i32 to index
      %swap3A_1725 = arith.index_cast %select_n3A_1444 : i32 to index
      %swap3A_1726 = arith.index_cast %select_n3A_1460 : i32 to index
      %swap3A_1727 = arith.constant 64 : index
      %swap3A_1728 = tpu.vector_load %arg6[%swap3A_1724, %swap3A_1725, %swap3A_1726, %swap3A_1727] {strides = array<i32>} : memref<2x25x8x128xf32, #tpu.memory_space<vmem>>, vector<16xf32>,
      tpu.vector_store %arg6[%swap3A_1724, %swap3A_1725, %swap3A_1726, %swap3A_1727], %add3A_1722 {strides = array<i32>} : memref<2x25x8x128xf32, #tpu.memory_space<vmem>>, vector<16xf32>,
      %get3A_1729 = arith.constant 0 : i32
      %get3A_1730 = arith.index_cast %get3A_1729 : i32 to index
      %get3A_1731 = arith.index_cast %select_n3A_1444 : i32 to index
      %get3A_1732 = arith.index_cast %select_n3A_1460 : i32 to index
      %get3A_1733 = arith.constant 80 : index
      %get3A_1734 = tpu.vector_load %arg5[%get3A_1730, %get3A_1731, %get3A_1732, %get3A_1733] {strides = array<i32>} : memref<3x25x8x128xf32, #tpu.memory_space<vmem>>, vector<16xf32>,
      %get3A_1735 = arith.constant 2 : i32
      %get3A_1736 = arith.index_cast %get3A_1735 : i32 to index
      %get3A_1737 = arith.index_cast %select_n3A_1444 : i32 to index
      %get3A_1738 = arith.index_cast %select_n3A_1460 : i32 to index
      %get3A_1739 = arith.constant 16 : index
      %get3A_1740 = tpu.vector_load %arg5[%get3A_1736, %get3A_1737, %get3A_1738, %get3A_1739] {strides = array<i32>} : memref<3x25x8x128xf32, #tpu.memory_space<vmem>>, vector<16xf32>,
      %mul3A_1741 = arith.mulf %get3A_1740, %select_n3A_1574 : vector<16xf32>
      %add3A_1742 = arith.addf %mul3A_1741, %get3A_1734 : vector<16xf32>
      %swap3A_1743 = arith.constant 0 : i32
      %swap3A_1744 = arith.index_cast %swap3A_1743 : i32 to index
      %swap3A_1745 = arith.index_cast %select_n3A_1444 : i32 to index
      %swap3A_1746 = arith.index_cast %select_n3A_1460 : i32 to index
      %swap3A_1747 = arith.constant 80 : index
      %swap3A_1748 = tpu.vector_load %arg6[%swap3A_1744, %swap3A_1745, %swap3A_1746, %swap3A_1747] {strides = array<i32>} : memref<2x25x8x128xf32, #tpu.memory_space<vmem>>, vector<16xf32>,
      tpu.vector_store %arg6[%swap3A_1744, %swap3A_1745, %swap3A_1746, %swap3A_1747], %add3A_1742 {strides = array<i32>} : memref<2x25x8x128xf32, #tpu.memory_space<vmem>>, vector<16xf32>,
      %get3A_1749 = arith.constant 0 : i32
      %get3A_1750 = arith.index_cast %get3A_1749 : i32 to index
      %get3A_1751 = arith.index_cast %select_n3A_1444 : i32 to index
      %get3A_1752 = arith.index_cast %select_n3A_1460 : i32 to index
      %get3A_1753 = arith.constant 96 : index
      %get3A_1754 = tpu.vector_load %arg5[%get3A_1750, %get3A_1751, %get3A_1752, %get3A_1753] {strides = array<i32>} : memref<3x25x8x128xf32, #tpu.memory_space<vmem>>, vector<16xf32>,
      %get3A_1755 = arith.constant 2 : i32
      %get3A_1756 = arith.index_cast %get3A_1755 : i32 to index
      %get3A_1757 = arith.index_cast %select_n3A_1444 : i32 to index
      %get3A_1758 = arith.index_cast %select_n3A_1460 : i32 to index
      %get3A_1759 = arith.constant 32 : index
      %get3A_1760 = tpu.vector_load %arg5[%get3A_1756, %get3A_1757, %get3A_1758, %get3A_1759] {strides = array<i32>} : memref<3x25x8x128xf32, #tpu.memory_space<vmem>>, vector<16xf32>,
      %mul3A_1761 = arith.mulf %get3A_1760, %select_n3A_1583 : vector<16xf32>
      %add3A_1762 = arith.addf %mul3A_1761, %get3A_1754 : vector<16xf32>
      %swap3A_1763 = arith.constant 0 : i32
      %swap3A_1764 = arith.index_cast %swap3A_1763 : i32 to index
      %swap3A_1765 = arith.index_cast %select_n3A_1444 : i32 to index
      %swap3A_1766 = arith.index_cast %select_n3A_1460 : i32 to index
      %swap3A_1767 = arith.constant 96 : index
      %swap3A_1768 = tpu.vector_load %arg6[%swap3A_1764, %swap3A_1765, %swap3A_1766, %swap3A_1767] {strides = array<i32>} : memref<2x25x8x128xf32, #tpu.memory_space<vmem>>, vector<16xf32>,
      tpu.vector_store %arg6[%swap3A_1764, %swap3A_1765, %swap3A_1766, %swap3A_1767], %add3A_1762 {strides = array<i32>} : memref<2x25x8x128xf32, #tpu.memory_space<vmem>>, vector<16xf32>,
      %get3A_1769 = arith.constant 0 : i32
      %get3A_1770 = arith.index_cast %get3A_1769 : i32 to index
      %get3A_1771 = arith.index_cast %select_n3A_1444 : i32 to index
      %get3A_1772 = arith.index_cast %select_n3A_1460 : i32 to index
      %get3A_1773 = arith.constant 112 : index
      %get3A_1774 = tpu.vector_load %arg5[%get3A_1770, %get3A_1771, %get3A_1772, %get3A_1773] {strides = array<i32>} : memref<3x25x8x128xf32, #tpu.memory_space<vmem>>, vector<16xf32>,
      %get3A_1775 = arith.constant 2 : i32
      %get3A_1776 = arith.index_cast %get3A_1775 : i32 to index
      %get3A_1777 = arith.index_cast %select_n3A_1444 : i32 to index
      %get3A_1778 = arith.index_cast %select_n3A_1460 : i32 to index
      %get3A_1779 = arith.constant 48 : index
      %get3A_1780 = tpu.vector_load %arg5[%get3A_1776, %get3A_1777, %get3A_1778, %get3A_1779] {strides = array<i32>} : memref<3x25x8x128xf32, #tpu.memory_space<vmem>>, vector<16xf32>,
      %mul3A_1781 = arith.mulf %get3A_1780, %select_n3A_1592 : vector<16xf32>
      %add3A_1782 = arith.addf %mul3A_1781, %get3A_1774 : vector<16xf32>
      %swap3A_1783 = arith.constant 0 : i32
      %swap3A_1784 = arith.index_cast %swap3A_1783 : i32 to index
      %swap3A_1785 = arith.index_cast %select_n3A_1444 : i32 to index
      %swap3A_1786 = arith.index_cast %select_n3A_1460 : i32 to index
      %swap3A_1787 = arith.constant 112 : index
      %swap3A_1788 = tpu.vector_load %arg6[%swap3A_1784, %swap3A_1785, %swap3A_1786, %swap3A_1787] {strides = array<i32>} : memref<2x25x8x128xf32, #tpu.memory_space<vmem>>, vector<16xf32>,
      tpu.vector_store %arg6[%swap3A_1784, %swap3A_1785, %swap3A_1786, %swap3A_1787], %add3A_1782 {strides = array<i32>} : memref<2x25x8x128xf32, #tpu.memory_space<vmem>>, vector<16xf32>,
      %get3A_1789 = arith.constant 1 : i32
      %get3A_1790 = arith.index_cast %get3A_1789 : i32 to index
      %get3A_1791 = arith.index_cast %select_n3A_1444 : i32 to index
      %get3A_1792 = arith.index_cast %select_n3A_1460 : i32 to index
      %get3A_1793 = arith.constant 0 : index
      %get3A_1794 = tpu.vector_load %arg5[%get3A_1790, %get3A_1791, %get3A_1792, %get3A_1793] {strides = array<i32>} : memref<3x25x8x128xf32, #tpu.memory_space<vmem>>, vector<16xf32>,
      %get3A_1795 = arith.constant 2 : i32
      %get3A_1796 = arith.index_cast %get3A_1795 : i32 to index
      %get3A_1797 = arith.index_cast %select_n3A_1444 : i32 to index
      %get3A_1798 = arith.index_cast %select_n3A_1460 : i32 to index
      %get3A_1799 = arith.constant 64 : index
      %get3A_1800 = tpu.vector_load %arg5[%get3A_1796, %get3A_1797, %get3A_1798, %get3A_1799] {strides = array<i32>} : memref<3x25x8x128xf32, #tpu.memory_space<vmem>>, vector<16xf32>,
      %mul3A_1801 = arith.mulf %get3A_1800, %select_n3A_1601 : vector<16xf32>
      %add3A_1802 = arith.addf %mul3A_1801, %get3A_1794 : vector<16xf32>
      %swap3A_1803 = arith.constant 1 : i32
      %swap3A_1804 = arith.index_cast %swap3A_1803 : i32 to index
      %swap3A_1805 = arith.index_cast %select_n3A_1444 : i32 to index
      %swap3A_1806 = arith.index_cast %select_n3A_1460 : i32 to index
      %swap3A_1807 = arith.constant 0 : index
      %swap3A_1808 = tpu.vector_load %arg6[%swap3A_1804, %swap3A_1805, %swap3A_1806, %swap3A_1807] {strides = array<i32>} : memref<2x25x8x128xf32, #tpu.memory_space<vmem>>, vector<16xf32>,
      tpu.vector_store %arg6[%swap3A_1804, %swap3A_1805, %swap3A_1806, %swap3A_1807], %add3A_1802 {strides = array<i32>} : memref<2x25x8x128xf32, #tpu.memory_space<vmem>>, vector<16xf32>,
      %get3A_1809 = arith.constant 1 : i32
      %get3A_1810 = arith.index_cast %get3A_1809 : i32 to index
      %get3A_1811 = arith.index_cast %select_n3A_1444 : i32 to index
      %get3A_1812 = arith.index_cast %select_n3A_1460 : i32 to index
      %get3A_1813 = arith.constant 16 : index
      %get3A_1814 = tpu.vector_load %arg5[%get3A_1810, %get3A_1811, %get3A_1812, %get3A_1813] {strides = array<i32>} : memref<3x25x8x128xf32, #tpu.memory_space<vmem>>, vector<16xf32>,
      %get3A_1815 = arith.constant 2 : i32
      %get3A_1816 = arith.index_cast %get3A_1815 : i32 to index
      %get3A_1817 = arith.index_cast %select_n3A_1444 : i32 to index
      %get3A_1818 = arith.index_cast %select_n3A_1460 : i32 to index
      %get3A_1819 = arith.constant 80 : index
      %get3A_1820 = tpu.vector_load %arg5[%get3A_1816, %get3A_1817, %get3A_1818, %get3A_1819] {strides = array<i32>} : memref<3x25x8x128xf32, #tpu.memory_space<vmem>>, vector<16xf32>,
      %mul3A_1821 = arith.mulf %get3A_1820, %select_n3A_1610 : vector<16xf32>
      %add3A_1822 = arith.addf %mul3A_1821, %get3A_1814 : vector<16xf32>
      %swap3A_1823 = arith.constant 1 : i32
      %swap3A_1824 = arith.index_cast %swap3A_1823 : i32 to index
      %swap3A_1825 = arith.index_cast %select_n3A_1444 : i32 to index
      %swap3A_1826 = arith.index_cast %select_n3A_1460 : i32 to index
      %swap3A_1827 = arith.constant 16 : index
      %swap3A_1828 = tpu.vector_load %arg6[%swap3A_1824, %swap3A_1825, %swap3A_1826, %swap3A_1827] {strides = array<i32>} : memref<2x25x8x128xf32, #tpu.memory_space<vmem>>, vector<16xf32>,
      tpu.vector_store %arg6[%swap3A_1824, %swap3A_1825, %swap3A_1826, %swap3A_1827], %add3A_1822 {strides = array<i32>} : memref<2x25x8x128xf32, #tpu.memory_space<vmem>>, vector<16xf32>,
      %get3A_1829 = arith.constant 1 : i32
      %get3A_1830 = arith.index_cast %get3A_1829 : i32 to index
      %get3A_1831 = arith.index_cast %select_n3A_1444 : i32 to index
      %get3A_1832 = arith.index_cast %select_n3A_1460 : i32 to index
      %get3A_1833 = arith.constant 32 : index
      %get3A_1834 = tpu.vector_load %arg5[%get3A_1830, %get3A_1831, %get3A_1832, %get3A_1833] {strides = array<i32>} : memref<3x25x8x128xf32, #tpu.memory_space<vmem>>, vector<16xf32>,
      %get3A_1835 = arith.constant 2 : i32
      %get3A_1836 = arith.index_cast %get3A_1835 : i32 to index
      %get3A_1837 = arith.index_cast %select_n3A_1444 : i32 to index
      %get3A_1838 = arith.index_cast %select_n3A_1460 : i32 to index
      %get3A_1839 = arith.constant 96 : index
      %get3A_1840 = tpu.vector_load %arg5[%get3A_1836, %get3A_1837, %get3A_1838, %get3A_1839] {strides = array<i32>} : memref<3x25x8x128xf32, #tpu.memory_space<vmem>>, vector<16xf32>,
      %mul3A_1841 = arith.mulf %get3A_1840, %select_n3A_1619 : vector<16xf32>
      %add3A_1842 = arith.addf %mul3A_1841, %get3A_1834 : vector<16xf32>
      %swap3A_1843 = arith.constant 1 : i32
      %swap3A_1844 = arith.index_cast %swap3A_1843 : i32 to index
      %swap3A_1845 = arith.index_cast %select_n3A_1444 : i32 to index
      %swap3A_1846 = arith.index_cast %select_n3A_1460 : i32 to index
      %swap3A_1847 = arith.constant 32 : index
      %swap3A_1848 = tpu.vector_load %arg6[%swap3A_1844, %swap3A_1845, %swap3A_1846, %swap3A_1847] {strides = array<i32>} : memref<2x25x8x128xf32, #tpu.memory_space<vmem>>, vector<16xf32>,
      tpu.vector_store %arg6[%swap3A_1844, %swap3A_1845, %swap3A_1846, %swap3A_1847], %add3A_1842 {strides = array<i32>} : memref<2x25x8x128xf32, #tpu.memory_space<vmem>>, vector<16xf32>,
      %get3A_1849 = arith.constant 1 : i32
      %get3A_1850 = arith.index_cast %get3A_1849 : i32 to index
      %get3A_1851 = arith.index_cast %select_n3A_1444 : i32 to index
      %get3A_1852 = arith.index_cast %select_n3A_1460 : i32 to index
      %get3A_1853 = arith.constant 48 : index
      %get3A_1854 = tpu.vector_load %arg5[%get3A_1850, %get3A_1851, %get3A_1852, %get3A_1853] {strides = array<i32>} : memref<3x25x8x128xf32, #tpu.memory_space<vmem>>, vector<16xf32>,
      %get3A_1855 = arith.constant 2 : i32
      %get3A_1856 = arith.index_cast %get3A_1855 : i32 to index
      %get3A_1857 = arith.index_cast %select_n3A_1444 : i32 to index
      %get3A_1858 = arith.index_cast %select_n3A_1460 : i32 to index
      %get3A_1859 = arith.constant 112 : index
      %get3A_1860 = tpu.vector_load %arg5[%get3A_1856, %get3A_1857, %get3A_1858, %get3A_1859] {strides = array<i32>} : memref<3x25x8x128xf32, #tpu.memory_space<vmem>>, vector<16xf32>,
      %mul3A_1861 = arith.mulf %get3A_1860, %select_n3A_1628 : vector<16xf32>
      %add3A_1862 = arith.addf %mul3A_1861, %get3A_1854 : vector<16xf32>
      %swap3A_1863 = arith.constant 1 : i32
      %swap3A_1864 = arith.index_cast %swap3A_1863 : i32 to index
      %swap3A_1865 = arith.index_cast %select_n3A_1444 : i32 to index
      %swap3A_1866 = arith.index_cast %select_n3A_1460 : i32 to index
      %swap3A_1867 = arith.constant 48 : index
      %swap3A_1868 = tpu.vector_load %arg6[%swap3A_1864, %swap3A_1865, %swap3A_1866, %swap3A_1867] {strides = array<i32>} : memref<2x25x8x128xf32, #tpu.memory_space<vmem>>, vector<16xf32>,
      tpu.vector_store %arg6[%swap3A_1864, %swap3A_1865, %swap3A_1866, %swap3A_1867], %add3A_1862 {strides = array<i32>} : memref<2x25x8x128xf32, #tpu.memory_space<vmem>>, vector<16xf32>,
      scf.yield %gather3A_1520 : vector<16xi32>
    }
    %scan3A_37 = arith.constant 196 : i32
    "tpu.region"() ({
      %run_scoped3A = tpu.sem_alloc : memref<!tpu.dma_semaphore, #tpu.memory_space<semaphore_mem>>
      %dma_start3A = arith.constant 0 : i32
      %dma_start3A_38 = arith.constant 0 : i32
      %dma_start3A_39 = arith.constant 0 : i32
      %dma_start3A_40 = arith.constant 0 : i32
      %dma_start3A_41 = tpu.memref_slice %arg4[%select_n3A_9, %select_n3A_30, %dma_start3A, %dma_start3A_38, %dma_start3A_39, %dma_start3A_40] : memref<8x4x2x25x8x128xf32, #tpu.memory_space<hbm>> -> memref<1x1x2x25x8x128xf32, #tpu.memory_space<hbm>>
      %dma_start3A_42 = tpu.memref_squeeze %dma_start3A_41 : memref<1x1x2x25x8x128xf32, #tpu.memory_space<hbm>> -> memref<2x25x8x128xf32, #tpu.memory_space<hbm>>
      %dma_start3A_43 = arith.constant 0 : i32
      %dma_start3A_44 = arith.constant 0 : i32
      %dma_start3A_45 = arith.constant 0 : i32
      %dma_start3A_46 = arith.constant 0 : i32
      %dma_start3A_47 = tpu.memref_slice %arg4[%select_n3A_9, %select_n3A_30, %dma_start3A_43, %dma_start3A_44, %dma_start3A_45, %dma_start3A_46] : memref<8x4x2x25x8x128xf32, #tpu.memory_space<hbm>> -> memref<1x1x2x25x8x128xf32, #tpu.memory_space<hbm>>
      %dma_start3A_48 = tpu.memref_squeeze %dma_start3A_47 : memref<1x1x2x25x8x128xf32, #tpu.memory_space<hbm>> -> memref<2x25x8x128xf32, #tpu.memory_space<hbm>>
      tpu.enqueue_dma source(%arg6 : memref<2x25x8x128xf32, #tpu.memory_space<vmem>>) target(%dma_start3A_48 : memref<2x25x8x128xf32, #tpu.memory_space<hbm>>) target_semaphore(%run_scoped3A : memref<!tpu.dma_semaphore, #tpu.memory_space<semaphore_mem>>)
      %dma_wait3A = arith.constant 0 : i32
      %dma_wait3A_49 = arith.constant 0 : i32
      %dma_wait3A_50 = arith.constant 0 : i32
      %dma_wait3A_51 = arith.constant 0 : i32
      %dma_wait3A_52 = tpu.memref_slice %arg4[%select_n3A_9, %select_n3A_30, %dma_wait3A, %dma_wait3A_49, %dma_wait3A_50, %dma_wait3A_51] : memref<8x4x2x25x8x128xf32, #tpu.memory_space<hbm>> -> memref<1x1x2x25x8x128xf32, #tpu.memory_space<hbm>>
      %dma_wait3A_53 = tpu.memref_squeeze %dma_wait3A_52 : memref<1x1x2x25x8x128xf32, #tpu.memory_space<hbm>> -> memref<2x25x8x128xf32, #tpu.memory_space<hbm>>
      %dma_wait3A_54 = arith.constant 0 : i32
      %dma_wait3A_55 = arith.constant 0 : i32
      %dma_wait3A_56 = arith.constant 0 : i32
      %dma_wait3A_57 = arith.constant 0 : i32
      %dma_wait3A_58 = tpu.memref_slice %arg4[%select_n3A_9, %select_n3A_30, %dma_wait3A_54, %dma_wait3A_55, %dma_wait3A_56, %dma_wait3A_57] : memref<8x4x2x25x8x128xf32, #tpu.memory_space<hbm>> -> memref<1x1x2x25x8x128xf32, #tpu.memory_space<hbm>>
      %dma_wait3A_59 = tpu.memref_squeeze %dma_wait3A_58 : memref<1x1x2x25x8x128xf32, #tpu.memory_space<hbm>> -> memref<2x25x8x128xf32, #tpu.memory_space<hbm>>
      tpu.wait_dma2 semaphore(%run_scoped3A : memref<!tpu.dma_semaphore, #tpu.memory_space<semaphore_mem>>) src(%arg6 : memref<2x25x8x128xf32, #tpu.memory_space<vmem>>) dst(%dma_wait3A_59 : memref<2x25x8x128xf32, #tpu.memory_space<hbm>>)
      tpu.yield
    }) : () -> ()
    return
  }
}

module attributes {stable_mosaic.version = 14 : i64} {
  func.func @_pre_body(%arg0: i32, %arg1: memref<2x14x14x384xf32, #tpu.memory_space<vmem>>, %arg2: memref<2x196x1xi32, #tpu.memory_space<vmem>>, %arg3: memref<1536x384xf32, #tpu.memory_space<vmem>>, %arg4: memref<768x9xf32, #tpu.memory_space<vmem>>, %arg5: memref<1x768xf32, #tpu.memory_space<vmem>>, %arg6: memref<26x768xf32, #tpu.memory_space<vmem>>, %arg7: memref<768x24xf32, #tpu.memory_space<vmem>>, %arg8: memref<1x768xf32, #tpu.memory_space<vmem>>, %arg9: memref<1x768xf32, #tpu.memory_space<vmem>>, %arg10: memref<2x4x3x25x8x128xf32, #tpu.memory_space<vmem>>, %arg11: memref<2x196x768xbf16, #tpu.memory_space<vmem>>, %arg12: memref<2x196x1xf32, #tpu.memory_space<vmem>>, %arg13: memref<2x196x768xbf16, #tpu.memory_space<vmem>>) attributes {dimension_semantics = [#tpu.dimension_semantics<arbitrary>], iteration_bounds = array<i64: 4>, scalar_prefetch = 0 : i64, scratch_operands = 0 : i64, tpu.core_type = #tpu.core_type<tc>, window_params = [{transform_indices = @transform_0, window_bounds = array<i64: 2, 14, 14, 384>}, {transform_indices = @transform_1, window_bounds = array<i64: 2, 196, 1>}, {pipeline_mode = #tpu.pipeline_mode<synchronous>, transform_indices = @transform_2, window_bounds = array<i64: 1536, 384>}, {pipeline_mode = #tpu.pipeline_mode<synchronous>, transform_indices = @transform_3, window_bounds = array<i64: 768, 9>}, {pipeline_mode = #tpu.pipeline_mode<synchronous>, transform_indices = @transform_4, window_bounds = array<i64: 1, 768>}, {pipeline_mode = #tpu.pipeline_mode<synchronous>, transform_indices = @transform_5, window_bounds = array<i64: 26, 768>}, {pipeline_mode = #tpu.pipeline_mode<synchronous>, transform_indices = @transform_6, window_bounds = array<i64: 768, 24>}, {pipeline_mode = #tpu.pipeline_mode<synchronous>, transform_indices = @transform_7, window_bounds = array<i64: 1, 768>}, {pipeline_mode = #tpu.pipeline_mode<synchronous>, transform_indices = @transform_8, window_bounds = array<i64: 1, 768>}, {transform_indices = @transform_9, window_bounds = array<i64: 2, 4, 3, 25, 8, 128>}, {transform_indices = @transform_10, window_bounds = array<i64: 2, 196, 768>}, {transform_indices = @transform_11, window_bounds = array<i64: 2, 196, 1>}, {transform_indices = @transform_12, window_bounds = array<i64: 2, 196, 768>}]} {
    %iota3A = tpu.iota {dimensions = array<i32: 0>} : vector<196x1xi32>
    %jit3A = arith.constant 14 : i32
    %eq3A = arith.constant 0 : i32
    %eq3A_0 = arith.cmpi eq, %jit3A, %eq3A : i32
    %jit3A_1 = arith.constant 1 : i32
    %select_n3A = arith.select %eq3A_0, %jit3A_1, %jit3A : i32
    %rem3A = vector.broadcast %select_n3A : i32 to vector<196x1xi32>
    %rem3A_2 = arith.remsi %iota3A, %rem3A : vector<196x1xi32>
    %ne3A = arith.constant 0 : i32
    %ne3A_3 = vector.broadcast %ne3A : i32 to vector<196x1xi32>
    %ne3A_4 = arith.cmpi ne, %rem3A_2, %ne3A_3 : vector<196x1xi32>
    %lt3A = arith.constant 0 : i32
    %lt3A_5 = vector.broadcast %lt3A : i32 to vector<196x1xi32>
    %lt3A_6 = arith.cmpi slt, %rem3A_2, %lt3A_5 : vector<196x1xi32>
    %lt3A_7 = arith.constant 0 : i32
    %lt3A_8 = arith.cmpi slt, %select_n3A, %lt3A_7 : i32
    %ne3A_9 = vector.broadcast %lt3A_8 : i1 to vector<196x1xi1>
    %ne3A_10 = vector.broadcast %ne3A_9 : vector<196x1xi1> to vector<196x1xi1>
    %ne3A_11 = arith.xori %lt3A_6, %ne3A_10 : vector<196x1xi1>
    %and3A = arith.andi %ne3A_11, %ne3A_4 : vector<196x1xi1>
    %add3A = vector.broadcast %select_n3A : i32 to vector<196x1xi32>
    %add3A_12 = arith.addi %rem3A_2, %add3A : vector<196x1xi32>
    %select_n3A_13 = arith.select %and3A, %add3A_12, %rem3A_2 : vector<196x1xi1>, vector<196x1xi32>
    %iota3A_14 = tpu.iota {dimensions = array<i32: 1>} : vector<1x196xi32>
    %get3A = arith.constant 0 : index
    %get3A_15 = arith.constant 0 : index
    %get3A_16 = vector.load %arg4[%get3A, %get3A_15] : memref<768x9xf32, #tpu.memory_space<vmem>>, vector<768x9xf32>
    %transpose3A = tpu.transpose %get3A_16, [1, 0] : vector<768x9xf32> -> vector<9x768xf32>
    %broadcast_in_dim3A = arith.constant 0.000000e+00 : f32
    %broadcast_in_dim3A_17 = vector.broadcast %broadcast_in_dim3A : f32 to vector<15x768xf32>
    %broadcast_in_dim3A_18 = arith.constant 0.000000e+00 : f32
    %broadcast_in_dim3A_19 = vector.broadcast %broadcast_in_dim3A_18 : f32 to vector<4x1536xf32>
    %get3A_20 = arith.constant 0 : index
    %get3A_21 = arith.constant 0 : index
    %get3A_22 = arith.constant 0 : index
    %get3A_23 = arith.constant 0 : index
    %get3A_24 = vector.load %arg1[%get3A_20, %get3A_21, %get3A_22, %get3A_23] : memref<2x14x14x384xf32, #tpu.memory_space<vmem>>, vector<1x14x14x384xf32>
    %get3A_25 = vector.shape_cast %get3A_24 : vector<1x14x14x384xf32> to vector<14x14x384xf32>
    %reshape3A = vector.shape_cast %get3A_25 : vector<14x14x384xf32> to vector<196x384xf32>
    %get3A_26 = arith.constant 0 : index
    %get3A_27 = arith.constant 0 : index
    %get3A_28 = vector.load %arg3[%get3A_26, %get3A_27] : memref<1536x384xf32, #tpu.memory_space<vmem>>, vector<1536x384xf32>
    %dot_general3A = arith.constant dense<0.000000e+00> : vector<196x1536xf32>
    %dot_general3A_29 = tpu.matmul %reshape3A, %get3A_28, %dot_general3A {dimension_numbers = #tpu.dot_dimension_numbers<[1], [1], [0], [0], [0, 0, 1, 0], [], []>, transpose_lhs_hint = false} : vector<196x384xf32>, vector<1536x384xf32>, vector<196x1536xf32> -> vector<196x1536xf32>
    %slice3A = vector.extract_strided_slice %dot_general3A_29 {offsets = [0, 0], sizes = [196, 768], strides = [1, 1]} : vector<196x1536xf32> to vector<196x768xf32>
    %slice3A_30 = vector.extract_strided_slice %dot_general3A_29 {offsets = [0, 768], sizes = [196, 768], strides = [1, 1]} : vector<196x1536xf32> to vector<196x768xf32>
    %convert_element_type3A = arith.truncf %slice3A_30 : vector<196x768xf32> to vector<196x768xbf16>
    %swap3A = arith.constant 0 : index
    %swap3A_31 = arith.constant 0 : index
    %swap3A_32 = arith.constant 0 : index
    %swap3A_33 = vector.load %arg13[%swap3A, %swap3A_31, %swap3A_32] : memref<2x196x768xbf16, #tpu.memory_space<vmem>>, vector<1x196x768xbf16>
    %swap3A_34 = vector.shape_cast %swap3A_33 : vector<1x196x768xbf16> to vector<196x768xbf16>
    %swap3A_35 = vector.shape_cast %convert_element_type3A : vector<196x768xbf16> to vector<1x196x768xbf16>
    tpu.vector_store %arg13[%swap3A, %swap3A_31, %swap3A_32], %swap3A_35 {strides = array<i32>} : memref<2x196x768xbf16, #tpu.memory_space<vmem>>, vector<1x196x768xbf16>,
    %concatenate3A = tpu.concatenate %broadcast_in_dim3A_17, %slice3A, %broadcast_in_dim3A_17 in 0 : vector<15x768xf32>, vector<196x768xf32>, vector<15x768xf32> -> vector<226x768xf32>
    %broadcast_in_dim3A_36 = arith.constant 0 : i32
    %broadcast_in_dim3A_37 = vector.broadcast %broadcast_in_dim3A_36 : i32 to vector<15x1xi32>
    %broadcast_in_dim3A_38 = arith.constant 0 : i32
    %broadcast_in_dim3A_39 = vector.broadcast %broadcast_in_dim3A_38 : i32 to vector<15x1xi32>
    %concatenate3A_40 = tpu.concatenate %broadcast_in_dim3A_37, %select_n3A_13, %broadcast_in_dim3A_39 in 0 : vector<15x1xi32>, vector<196x1xi32>, vector<15x1xi32> -> vector<226x1xi32>
    %ne3A_41 = arith.constant 0 : i32
    %ne3A_42 = vector.broadcast %ne3A_41 : i32 to vector<226x1xi32>
    %ne3A_43 = arith.cmpi ne, %concatenate3A_40, %ne3A_42 : vector<226x1xi32>
    %jit3A_44 = arith.constant 0.000000e+00 : f32
    %broadcast_in_dim3A_45 = vector.shape_cast %ne3A_43 : vector<226x1xi1> to vector<226x1xi1>
    %broadcast_in_dim3A_46 = vector.broadcast %broadcast_in_dim3A_45 : vector<226x1xi1> to vector<226x768xi1>
    %broadcast_in_dim3A_47 = vector.broadcast %jit3A_44 : f32 to vector<226x768xf32>
    %select_n3A_48 = arith.select %broadcast_in_dim3A_46, %concatenate3A, %broadcast_in_dim3A_47 : vector<226x768xi1>, vector<226x768xf32>
    %ne3A_49 = arith.constant 13 : i32
    %ne3A_50 = vector.broadcast %ne3A_49 : i32 to vector<226x1xi32>
    %ne3A_51 = arith.cmpi ne, %concatenate3A_40, %ne3A_50 : vector<226x1xi32>
    %jit3A_52 = arith.constant 0.000000e+00 : f32
    %broadcast_in_dim3A_53 = vector.shape_cast %ne3A_51 : vector<226x1xi1> to vector<226x1xi1>
    %broadcast_in_dim3A_54 = vector.broadcast %broadcast_in_dim3A_53 : vector<226x1xi1> to vector<226x768xi1>
    %broadcast_in_dim3A_55 = vector.broadcast %jit3A_52 : f32 to vector<226x768xf32>
    %select_n3A_56 = arith.select %broadcast_in_dim3A_54, %concatenate3A, %broadcast_in_dim3A_55 : vector<226x768xi1>, vector<226x768xf32>
    %broadcast_in_dim3A_57 = arith.constant 0.000000e+00 : f32
    %broadcast_in_dim3A_58 = vector.broadcast %broadcast_in_dim3A_57 : f32 to vector<196x768xf32>
    %slice3A_59 = vector.extract_strided_slice %select_n3A_56 {offsets = [0, 0], sizes = [196, 768], strides = [1, 1]} : vector<226x768xf32> to vector<196x768xf32>
    %slice3A_60 = vector.extract_strided_slice %transpose3A {offsets = [0, 0], sizes = [1, 768], strides = [1, 1]} : vector<9x768xf32> to vector<1x768xf32>
    %mul3A = vector.broadcast %slice3A_60 : vector<1x768xf32> to vector<196x768xf32>
    %mul3A_61 = arith.mulf %slice3A_59, %mul3A : vector<196x768xf32>
    %add3A_62 = arith.addf %broadcast_in_dim3A_58, %mul3A_61 : vector<196x768xf32>
    %slice3A_63 = vector.extract_strided_slice %concatenate3A {offsets = [1, 0], sizes = [196, 768], strides = [1, 1]} : vector<226x768xf32> to vector<196x768xf32>
    %slice3A_64 = vector.extract_strided_slice %transpose3A {offsets = [1, 0], sizes = [1, 768], strides = [1, 1]} : vector<9x768xf32> to vector<1x768xf32>
    %mul3A_65 = vector.broadcast %slice3A_64 : vector<1x768xf32> to vector<196x768xf32>
    %mul3A_66 = arith.mulf %slice3A_63, %mul3A_65 : vector<196x768xf32>
    %add3A_67 = arith.addf %add3A_62, %mul3A_66 : vector<196x768xf32>
    %slice3A_68 = vector.extract_strided_slice %select_n3A_48 {offsets = [2, 0], sizes = [196, 768], strides = [1, 1]} : vector<226x768xf32> to vector<196x768xf32>
    %slice3A_69 = vector.extract_strided_slice %transpose3A {offsets = [2, 0], sizes = [1, 768], strides = [1, 1]} : vector<9x768xf32> to vector<1x768xf32>
    %mul3A_70 = vector.broadcast %slice3A_69 : vector<1x768xf32> to vector<196x768xf32>
    %mul3A_71 = arith.mulf %slice3A_68, %mul3A_70 : vector<196x768xf32>
    %add3A_72 = arith.addf %add3A_67, %mul3A_71 : vector<196x768xf32>
    %slice3A_73 = vector.extract_strided_slice %select_n3A_56 {offsets = [14, 0], sizes = [196, 768], strides = [1, 1]} : vector<226x768xf32> to vector<196x768xf32>
    %slice3A_74 = vector.extract_strided_slice %transpose3A {offsets = [3, 0], sizes = [1, 768], strides = [1, 1]} : vector<9x768xf32> to vector<1x768xf32>
    %mul3A_75 = vector.broadcast %slice3A_74 : vector<1x768xf32> to vector<196x768xf32>
    %mul3A_76 = arith.mulf %slice3A_73, %mul3A_75 : vector<196x768xf32>
    %add3A_77 = arith.addf %add3A_72, %mul3A_76 : vector<196x768xf32>
    %slice3A_78 = vector.extract_strided_slice %concatenate3A {offsets = [15, 0], sizes = [196, 768], strides = [1, 1]} : vector<226x768xf32> to vector<196x768xf32>
    %slice3A_79 = vector.extract_strided_slice %transpose3A {offsets = [4, 0], sizes = [1, 768], strides = [1, 1]} : vector<9x768xf32> to vector<1x768xf32>
    %mul3A_80 = vector.broadcast %slice3A_79 : vector<1x768xf32> to vector<196x768xf32>
    %mul3A_81 = arith.mulf %slice3A_78, %mul3A_80 : vector<196x768xf32>
    %add3A_82 = arith.addf %add3A_77, %mul3A_81 : vector<196x768xf32>
    %slice3A_83 = vector.extract_strided_slice %select_n3A_48 {offsets = [16, 0], sizes = [196, 768], strides = [1, 1]} : vector<226x768xf32> to vector<196x768xf32>
    %slice3A_84 = vector.extract_strided_slice %transpose3A {offsets = [5, 0], sizes = [1, 768], strides = [1, 1]} : vector<9x768xf32> to vector<1x768xf32>
    %mul3A_85 = vector.broadcast %slice3A_84 : vector<1x768xf32> to vector<196x768xf32>
    %mul3A_86 = arith.mulf %slice3A_83, %mul3A_85 : vector<196x768xf32>
    %add3A_87 = arith.addf %add3A_82, %mul3A_86 : vector<196x768xf32>
    %slice3A_88 = vector.extract_strided_slice %select_n3A_56 {offsets = [28, 0], sizes = [196, 768], strides = [1, 1]} : vector<226x768xf32> to vector<196x768xf32>
    %slice3A_89 = vector.extract_strided_slice %transpose3A {offsets = [6, 0], sizes = [1, 768], strides = [1, 1]} : vector<9x768xf32> to vector<1x768xf32>
    %mul3A_90 = vector.broadcast %slice3A_89 : vector<1x768xf32> to vector<196x768xf32>
    %mul3A_91 = arith.mulf %slice3A_88, %mul3A_90 : vector<196x768xf32>
    %add3A_92 = arith.addf %add3A_87, %mul3A_91 : vector<196x768xf32>
    %slice3A_93 = vector.extract_strided_slice %concatenate3A {offsets = [29, 0], sizes = [196, 768], strides = [1, 1]} : vector<226x768xf32> to vector<196x768xf32>
    %slice3A_94 = vector.extract_strided_slice %transpose3A {offsets = [7, 0], sizes = [1, 768], strides = [1, 1]} : vector<9x768xf32> to vector<1x768xf32>
    %mul3A_95 = vector.broadcast %slice3A_94 : vector<1x768xf32> to vector<196x768xf32>
    %mul3A_96 = arith.mulf %slice3A_93, %mul3A_95 : vector<196x768xf32>
    %add3A_97 = arith.addf %add3A_92, %mul3A_96 : vector<196x768xf32>
    %slice3A_98 = vector.extract_strided_slice %select_n3A_48 {offsets = [30, 0], sizes = [196, 768], strides = [1, 1]} : vector<226x768xf32> to vector<196x768xf32>
    %slice3A_99 = vector.extract_strided_slice %transpose3A {offsets = [8, 0], sizes = [1, 768], strides = [1, 1]} : vector<9x768xf32> to vector<1x768xf32>
    %mul3A_100 = vector.broadcast %slice3A_99 : vector<1x768xf32> to vector<196x768xf32>
    %mul3A_101 = arith.mulf %slice3A_98, %mul3A_100 : vector<196x768xf32>
    %add3A_102 = arith.addf %add3A_97, %mul3A_101 : vector<196x768xf32>
    %get3A_103 = arith.constant 0 : index
    %get3A_104 = arith.constant 0 : index
    %get3A_105 = vector.load %arg5[%get3A_103, %get3A_104] : memref<1x768xf32, #tpu.memory_space<vmem>>, vector<1x768xf32>
    %add3A_106 = vector.broadcast %get3A_105 : vector<1x768xf32> to vector<196x768xf32>
    %add3A_107 = arith.addf %add3A_102, %add3A_106 : vector<196x768xf32>
    %logistic3A = arith.negf %add3A_107 : vector<196x768xf32>
    %logistic3A_108 = math.exp %logistic3A : vector<196x768xf32>
    %logistic3A_109 = arith.constant 1.000000e+00 : f32
    %logistic3A_110 = vector.broadcast %logistic3A_109 : f32 to vector<196x768xf32>
    %logistic3A_111 = arith.addf %logistic3A_110, %logistic3A_108 : vector<196x768xf32>
    %logistic3A_112 = arith.divf %logistic3A_110, %logistic3A_111 : vector<196x768xf32>
    %mul3A_113 = arith.mulf %add3A_107, %logistic3A_112 : vector<196x768xf32>
    %convert_element_type3A_114 = arith.truncf %mul3A_113 : vector<196x768xf32> to vector<196x768xbf16>
    %swap3A_115 = arith.constant 0 : index
    %swap3A_116 = arith.constant 0 : index
    %swap3A_117 = arith.constant 0 : index
    %swap3A_118 = vector.load %arg11[%swap3A_115, %swap3A_116, %swap3A_117] : memref<2x196x768xbf16, #tpu.memory_space<vmem>>, vector<1x196x768xbf16>
    %swap3A_119 = vector.shape_cast %swap3A_118 : vector<1x196x768xbf16> to vector<196x768xbf16>
    %swap3A_120 = vector.shape_cast %convert_element_type3A_114 : vector<196x768xbf16> to vector<1x196x768xbf16>
    tpu.vector_store %arg11[%swap3A_115, %swap3A_116, %swap3A_117], %swap3A_120 {strides = array<i32>} : memref<2x196x768xbf16, #tpu.memory_space<vmem>>, vector<1x196x768xbf16>,
    %get3A_121 = arith.constant 0 : index
    %get3A_122 = arith.constant 0 : index
    %get3A_123 = vector.load %arg6[%get3A_121, %get3A_122] : memref<26x768xf32, #tpu.memory_space<vmem>>, vector<26x768xf32>
    %dot_general3A_124 = arith.constant dense<0.000000e+00> : vector<196x26xf32>
    %dot_general3A_125 = tpu.matmul %mul3A_113, %get3A_123, %dot_general3A_124 {dimension_numbers = #tpu.dot_dimension_numbers<[1], [1], [0], [0], [0, 0, 1, 0], [], []>, transpose_lhs_hint = false} : vector<196x768xf32>, vector<26x768xf32>, vector<196x26xf32> -> vector<196x26xf32>
    %slice3A_126 = vector.extract_strided_slice %dot_general3A_125 {offsets = [0, 24], sizes = [196, 1], strides = [1, 1]} : vector<196x26xf32> to vector<196x1xf32>
    %slice3A_127 = vector.extract_strided_slice %dot_general3A_125 {offsets = [0, 25], sizes = [196, 1], strides = [1, 1]} : vector<196x26xf32> to vector<196x1xf32>
    %swap3A_128 = arith.constant 0 : index
    %swap3A_129 = arith.constant 0 : index
    %swap3A_130 = arith.constant 0 : index
    %swap3A_131 = vector.load %arg12[%swap3A_128, %swap3A_129, %swap3A_130] : memref<2x196x1xf32, #tpu.memory_space<vmem>>, vector<1x196x1xf32>
    %swap3A_132 = vector.shape_cast %swap3A_131 : vector<1x196x1xf32> to vector<196x1xf32>
    %swap3A_133 = vector.shape_cast %slice3A_127 : vector<196x1xf32> to vector<1x196x1xf32>
    tpu.vector_store %arg12[%swap3A_128, %swap3A_129, %swap3A_130], %swap3A_133 {strides = array<i32>} : memref<2x196x1xf32, #tpu.memory_space<vmem>>, vector<1x196x1xf32>,
    %slice3A_134 = vector.extract_strided_slice %dot_general3A_125 {offsets = [0, 0], sizes = [196, 24], strides = [1, 1]} : vector<196x26xf32> to vector<196x24xf32>
    %get3A_135 = arith.constant 0 : index
    %get3A_136 = arith.constant 0 : index
    %get3A_137 = vector.load %arg7[%get3A_135, %get3A_136] : memref<768x24xf32, #tpu.memory_space<vmem>>, vector<768x24xf32>
    %dot_general3A_138 = arith.constant dense<0.000000e+00> : vector<196x768xf32>
    %dot_general3A_139 = tpu.matmul %slice3A_134, %get3A_137, %dot_general3A_138 {dimension_numbers = #tpu.dot_dimension_numbers<[1], [1], [0], [0], [0, 0, 1, 0], [], []>, transpose_lhs_hint = false} : vector<196x24xf32>, vector<768x24xf32>, vector<196x768xf32> -> vector<196x768xf32>
    %get3A_140 = arith.constant 0 : index
    %get3A_141 = arith.constant 0 : index
    %get3A_142 = vector.load %arg8[%get3A_140, %get3A_141] : memref<1x768xf32, #tpu.memory_space<vmem>>, vector<1x768xf32>
    %add3A_143 = vector.broadcast %get3A_142 : vector<1x768xf32> to vector<196x768xf32>
    %add3A_144 = arith.addf %dot_general3A_139, %add3A_143 : vector<196x768xf32>
    %max3A = arith.constant 0.000000e+00 : f32
    %max3A_145 = vector.broadcast %max3A : f32 to vector<196x768xf32>
    %max3A_146 = arith.maximumf %add3A_144, %max3A_145 : vector<196x768xf32>
    %abs3A = math.absf %add3A_144 : vector<196x768xf32>
    %neg3A = arith.constant 0.000000e+00 : f32
    %neg3A_147 = vector.broadcast %neg3A : f32 to vector<196x768xf32>
    %neg3A_148 = arith.subf %neg3A_147, %abs3A : vector<196x768xf32>
    %exp3A = math.exp %neg3A_148 : vector<196x768xf32>
    %log1p3A = math.log1p %exp3A : vector<196x768xf32>
    %add3A_149 = arith.addf %max3A_146, %log1p3A : vector<196x768xf32>
    %get3A_150 = arith.constant 0 : index
    %get3A_151 = arith.constant 0 : index
    %get3A_152 = vector.load %arg9[%get3A_150, %get3A_151] : memref<1x768xf32, #tpu.memory_space<vmem>>, vector<1x768xf32>
    %exp3A_153 = math.exp %get3A_152 : vector<1x768xf32>
    %mul3A_154 = vector.broadcast %exp3A_153 : vector<1x768xf32> to vector<196x768xf32>
    %mul3A_155 = arith.mulf %add3A_149, %mul3A_154 : vector<196x768xf32>
    %exp3A_156 = math.exp %mul3A_155 : vector<196x768xf32>
    %mul3A_157 = vector.broadcast %slice3A_126 : vector<196x1xf32> to vector<196x768xf32>
    %mul3A_158 = arith.mulf %add3A_149, %mul3A_157 : vector<196x768xf32>
    %mul3A_159 = arith.mulf %mul3A_158, %mul3A_113 : vector<196x768xf32>
    %get3A_160 = arith.constant 0 : index
    %get3A_161 = arith.constant 0 : index
    %get3A_162 = arith.constant 0 : index
    %get3A_163 = vector.load %arg2[%get3A_160, %get3A_161, %get3A_162] : memref<2x196x1xi32, #tpu.memory_space<vmem>>, vector<1x196x1xi32>
    %get3A_164 = vector.shape_cast %get3A_163 : vector<1x196x1xi32> to vector<196x1xi32>
    %eq3A_165 = vector.broadcast %get3A_164 : vector<196x1xi32> to vector<196x196xi32>
    %eq3A_166 = vector.broadcast %iota3A_14 : vector<1x196xi32> to vector<196x196xi32>
    %eq3A_167 = arith.cmpi eq, %eq3A_165, %eq3A_166 : vector<196x196xi32>
    %convert_element_type3A_168 = arith.extui %eq3A_167 : vector<196x196xi1> to vector<196x196xi32>
    %convert_element_type3A_169 = arith.sitofp %convert_element_type3A_168 : vector<196x196xi32> to vector<196x196xf32>
    %concatenate3A_170 = tpu.concatenate %mul3A_159, %exp3A_156 in 1 : vector<196x768xf32>, vector<196x768xf32> -> vector<196x1536xf32>
    %dot_general3A_171 = arith.constant dense<0.000000e+00> : vector<196x1536xf32>
    %dot_general3A_172 = tpu.matmul %convert_element_type3A_169, %concatenate3A_170, %dot_general3A_171 {dimension_numbers = #tpu.dot_dimension_numbers<[1], [0], [0], [1], [0, 0, 1, 1], [], []>, transpose_lhs_hint = false} : vector<196x196xf32>, vector<196x1536xf32>, vector<196x1536xf32> -> vector<196x1536xf32>
    %concatenate3A_173 = tpu.concatenate %dot_general3A_172, %broadcast_in_dim3A_19 in 0 : vector<196x1536xf32>, vector<4x1536xf32> -> vector<200x1536xf32>
    %slice3A_174 = vector.extract_strided_slice %concatenate3A_173 {offsets = [0, 0], sizes = [200, 192], strides = [1, 1]} : vector<200x1536xf32> to vector<200x192xf32>
    %slice3A_175 = vector.extract_strided_slice %concatenate3A_173 {offsets = [0, 768], sizes = [200, 192], strides = [1, 1]} : vector<200x1536xf32> to vector<200x192xf32>
    %concatenate3A_176 = tpu.concatenate %slice3A_174, %slice3A_175 in 1 : vector<200x192xf32>, vector<200x192xf32> -> vector<200x384xf32>
    %slice3A_177 = vector.extract_strided_slice %concatenate3A_176 {offsets = [0, 0], sizes = [200, 128], strides = [1, 1]} : vector<200x384xf32> to vector<200x128xf32>
    %reshape3A_178 = vector.shape_cast %slice3A_177 : vector<200x128xf32> to vector<25x8x128xf32>
    %swap3A_179 = arith.constant 0 : index
    %swap3A_180 = arith.constant 0 : index
    %swap3A_181 = arith.constant 0 : index
    %swap3A_182 = arith.constant 0 : index
    %swap3A_183 = arith.constant 0 : index
    %swap3A_184 = arith.constant 0 : index
    %swap3A_185 = vector.load %arg10[%swap3A_179, %swap3A_180, %swap3A_181, %swap3A_182, %swap3A_183, %swap3A_184] : memref<2x4x3x25x8x128xf32, #tpu.memory_space<vmem>>, vector<1x1x1x25x8x128xf32>
    %swap3A_186 = vector.shape_cast %swap3A_185 : vector<1x1x1x25x8x128xf32> to vector<25x8x128xf32>
    %swap3A_187 = vector.shape_cast %reshape3A_178 : vector<25x8x128xf32> to vector<1x1x1x25x8x128xf32>
    tpu.vector_store %arg10[%swap3A_179, %swap3A_180, %swap3A_181, %swap3A_182, %swap3A_183, %swap3A_184], %swap3A_187 {strides = array<i32>} : memref<2x4x3x25x8x128xf32, #tpu.memory_space<vmem>>, vector<1x1x1x25x8x128xf32>,
    %slice3A_188 = vector.extract_strided_slice %concatenate3A_176 {offsets = [0, 128], sizes = [200, 128], strides = [1, 1]} : vector<200x384xf32> to vector<200x128xf32>
    %reshape3A_189 = vector.shape_cast %slice3A_188 : vector<200x128xf32> to vector<25x8x128xf32>
    %swap3A_190 = arith.constant 0 : index
    %swap3A_191 = arith.constant 0 : index
    %swap3A_192 = arith.constant 1 : index
    %swap3A_193 = arith.constant 0 : index
    %swap3A_194 = arith.constant 0 : index
    %swap3A_195 = arith.constant 0 : index
    %swap3A_196 = vector.load %arg10[%swap3A_190, %swap3A_191, %swap3A_192, %swap3A_193, %swap3A_194, %swap3A_195] : memref<2x4x3x25x8x128xf32, #tpu.memory_space<vmem>>, vector<1x1x1x25x8x128xf32>
    %swap3A_197 = vector.shape_cast %swap3A_196 : vector<1x1x1x25x8x128xf32> to vector<25x8x128xf32>
    %swap3A_198 = vector.shape_cast %reshape3A_189 : vector<25x8x128xf32> to vector<1x1x1x25x8x128xf32>
    tpu.vector_store %arg10[%swap3A_190, %swap3A_191, %swap3A_192, %swap3A_193, %swap3A_194, %swap3A_195], %swap3A_198 {strides = array<i32>} : memref<2x4x3x25x8x128xf32, #tpu.memory_space<vmem>>, vector<1x1x1x25x8x128xf32>,
    %slice3A_199 = vector.extract_strided_slice %concatenate3A_176 {offsets = [0, 256], sizes = [200, 128], strides = [1, 1]} : vector<200x384xf32> to vector<200x128xf32>
    %reshape3A_200 = vector.shape_cast %slice3A_199 : vector<200x128xf32> to vector<25x8x128xf32>
    %swap3A_201 = arith.constant 0 : index
    %swap3A_202 = arith.constant 0 : index
    %swap3A_203 = arith.constant 2 : index
    %swap3A_204 = arith.constant 0 : index
    %swap3A_205 = arith.constant 0 : index
    %swap3A_206 = arith.constant 0 : index
    %swap3A_207 = vector.load %arg10[%swap3A_201, %swap3A_202, %swap3A_203, %swap3A_204, %swap3A_205, %swap3A_206] : memref<2x4x3x25x8x128xf32, #tpu.memory_space<vmem>>, vector<1x1x1x25x8x128xf32>
    %swap3A_208 = vector.shape_cast %swap3A_207 : vector<1x1x1x25x8x128xf32> to vector<25x8x128xf32>
    %swap3A_209 = vector.shape_cast %reshape3A_200 : vector<25x8x128xf32> to vector<1x1x1x25x8x128xf32>
    tpu.vector_store %arg10[%swap3A_201, %swap3A_202, %swap3A_203, %swap3A_204, %swap3A_205, %swap3A_206], %swap3A_209 {strides = array<i32>} : memref<2x4x3x25x8x128xf32, #tpu.memory_space<vmem>>, vector<1x1x1x25x8x128xf32>,
    %slice3A_210 = vector.extract_strided_slice %concatenate3A_173 {offsets = [0, 192], sizes = [200, 192], strides = [1, 1]} : vector<200x1536xf32> to vector<200x192xf32>
    %slice3A_211 = vector.extract_strided_slice %concatenate3A_173 {offsets = [0, 960], sizes = [200, 192], strides = [1, 1]} : vector<200x1536xf32> to vector<200x192xf32>
    %concatenate3A_212 = tpu.concatenate %slice3A_210, %slice3A_211 in 1 : vector<200x192xf32>, vector<200x192xf32> -> vector<200x384xf32>
    %slice3A_213 = vector.extract_strided_slice %concatenate3A_212 {offsets = [0, 0], sizes = [200, 128], strides = [1, 1]} : vector<200x384xf32> to vector<200x128xf32>
    %reshape3A_214 = vector.shape_cast %slice3A_213 : vector<200x128xf32> to vector<25x8x128xf32>
    %swap3A_215 = arith.constant 0 : index
    %swap3A_216 = arith.constant 1 : index
    %swap3A_217 = arith.constant 0 : index
    %swap3A_218 = arith.constant 0 : index
    %swap3A_219 = arith.constant 0 : index
    %swap3A_220 = arith.constant 0 : index
    %swap3A_221 = vector.load %arg10[%swap3A_215, %swap3A_216, %swap3A_217, %swap3A_218, %swap3A_219, %swap3A_220] : memref<2x4x3x25x8x128xf32, #tpu.memory_space<vmem>>, vector<1x1x1x25x8x128xf32>
    %swap3A_222 = vector.shape_cast %swap3A_221 : vector<1x1x1x25x8x128xf32> to vector<25x8x128xf32>
    %swap3A_223 = vector.shape_cast %reshape3A_214 : vector<25x8x128xf32> to vector<1x1x1x25x8x128xf32>
    tpu.vector_store %arg10[%swap3A_215, %swap3A_216, %swap3A_217, %swap3A_218, %swap3A_219, %swap3A_220], %swap3A_223 {strides = array<i32>} : memref<2x4x3x25x8x128xf32, #tpu.memory_space<vmem>>, vector<1x1x1x25x8x128xf32>,
    %slice3A_224 = vector.extract_strided_slice %concatenate3A_212 {offsets = [0, 128], sizes = [200, 128], strides = [1, 1]} : vector<200x384xf32> to vector<200x128xf32>
    %reshape3A_225 = vector.shape_cast %slice3A_224 : vector<200x128xf32> to vector<25x8x128xf32>
    %swap3A_226 = arith.constant 0 : index
    %swap3A_227 = arith.constant 1 : index
    %swap3A_228 = arith.constant 1 : index
    %swap3A_229 = arith.constant 0 : index
    %swap3A_230 = arith.constant 0 : index
    %swap3A_231 = arith.constant 0 : index
    %swap3A_232 = vector.load %arg10[%swap3A_226, %swap3A_227, %swap3A_228, %swap3A_229, %swap3A_230, %swap3A_231] : memref<2x4x3x25x8x128xf32, #tpu.memory_space<vmem>>, vector<1x1x1x25x8x128xf32>
    %swap3A_233 = vector.shape_cast %swap3A_232 : vector<1x1x1x25x8x128xf32> to vector<25x8x128xf32>
    %swap3A_234 = vector.shape_cast %reshape3A_225 : vector<25x8x128xf32> to vector<1x1x1x25x8x128xf32>
    tpu.vector_store %arg10[%swap3A_226, %swap3A_227, %swap3A_228, %swap3A_229, %swap3A_230, %swap3A_231], %swap3A_234 {strides = array<i32>} : memref<2x4x3x25x8x128xf32, #tpu.memory_space<vmem>>, vector<1x1x1x25x8x128xf32>,
    %slice3A_235 = vector.extract_strided_slice %concatenate3A_212 {offsets = [0, 256], sizes = [200, 128], strides = [1, 1]} : vector<200x384xf32> to vector<200x128xf32>
    %reshape3A_236 = vector.shape_cast %slice3A_235 : vector<200x128xf32> to vector<25x8x128xf32>
    %swap3A_237 = arith.constant 0 : index
    %swap3A_238 = arith.constant 1 : index
    %swap3A_239 = arith.constant 2 : index
    %swap3A_240 = arith.constant 0 : index
    %swap3A_241 = arith.constant 0 : index
    %swap3A_242 = arith.constant 0 : index
    %swap3A_243 = vector.load %arg10[%swap3A_237, %swap3A_238, %swap3A_239, %swap3A_240, %swap3A_241, %swap3A_242] : memref<2x4x3x25x8x128xf32, #tpu.memory_space<vmem>>, vector<1x1x1x25x8x128xf32>
    %swap3A_244 = vector.shape_cast %swap3A_243 : vector<1x1x1x25x8x128xf32> to vector<25x8x128xf32>
    %swap3A_245 = vector.shape_cast %reshape3A_236 : vector<25x8x128xf32> to vector<1x1x1x25x8x128xf32>
    tpu.vector_store %arg10[%swap3A_237, %swap3A_238, %swap3A_239, %swap3A_240, %swap3A_241, %swap3A_242], %swap3A_245 {strides = array<i32>} : memref<2x4x3x25x8x128xf32, #tpu.memory_space<vmem>>, vector<1x1x1x25x8x128xf32>,
    %slice3A_246 = vector.extract_strided_slice %concatenate3A_173 {offsets = [0, 384], sizes = [200, 192], strides = [1, 1]} : vector<200x1536xf32> to vector<200x192xf32>
    %slice3A_247 = vector.extract_strided_slice %concatenate3A_173 {offsets = [0, 1152], sizes = [200, 192], strides = [1, 1]} : vector<200x1536xf32> to vector<200x192xf32>
    %concatenate3A_248 = tpu.concatenate %slice3A_246, %slice3A_247 in 1 : vector<200x192xf32>, vector<200x192xf32> -> vector<200x384xf32>
    %slice3A_249 = vector.extract_strided_slice %concatenate3A_248 {offsets = [0, 0], sizes = [200, 128], strides = [1, 1]} : vector<200x384xf32> to vector<200x128xf32>
    %reshape3A_250 = vector.shape_cast %slice3A_249 : vector<200x128xf32> to vector<25x8x128xf32>
    %swap3A_251 = arith.constant 0 : index
    %swap3A_252 = arith.constant 2 : index
    %swap3A_253 = arith.constant 0 : index
    %swap3A_254 = arith.constant 0 : index
    %swap3A_255 = arith.constant 0 : index
    %swap3A_256 = arith.constant 0 : index
    %swap3A_257 = vector.load %arg10[%swap3A_251, %swap3A_252, %swap3A_253, %swap3A_254, %swap3A_255, %swap3A_256] : memref<2x4x3x25x8x128xf32, #tpu.memory_space<vmem>>, vector<1x1x1x25x8x128xf32>
    %swap3A_258 = vector.shape_cast %swap3A_257 : vector<1x1x1x25x8x128xf32> to vector<25x8x128xf32>
    %swap3A_259 = vector.shape_cast %reshape3A_250 : vector<25x8x128xf32> to vector<1x1x1x25x8x128xf32>
    tpu.vector_store %arg10[%swap3A_251, %swap3A_252, %swap3A_253, %swap3A_254, %swap3A_255, %swap3A_256], %swap3A_259 {strides = array<i32>} : memref<2x4x3x25x8x128xf32, #tpu.memory_space<vmem>>, vector<1x1x1x25x8x128xf32>,
    %slice3A_260 = vector.extract_strided_slice %concatenate3A_248 {offsets = [0, 128], sizes = [200, 128], strides = [1, 1]} : vector<200x384xf32> to vector<200x128xf32>
    %reshape3A_261 = vector.shape_cast %slice3A_260 : vector<200x128xf32> to vector<25x8x128xf32>
    %swap3A_262 = arith.constant 0 : index
    %swap3A_263 = arith.constant 2 : index
    %swap3A_264 = arith.constant 1 : index
    %swap3A_265 = arith.constant 0 : index
    %swap3A_266 = arith.constant 0 : index
    %swap3A_267 = arith.constant 0 : index
    %swap3A_268 = vector.load %arg10[%swap3A_262, %swap3A_263, %swap3A_264, %swap3A_265, %swap3A_266, %swap3A_267] : memref<2x4x3x25x8x128xf32, #tpu.memory_space<vmem>>, vector<1x1x1x25x8x128xf32>
    %swap3A_269 = vector.shape_cast %swap3A_268 : vector<1x1x1x25x8x128xf32> to vector<25x8x128xf32>
    %swap3A_270 = vector.shape_cast %reshape3A_261 : vector<25x8x128xf32> to vector<1x1x1x25x8x128xf32>
    tpu.vector_store %arg10[%swap3A_262, %swap3A_263, %swap3A_264, %swap3A_265, %swap3A_266, %swap3A_267], %swap3A_270 {strides = array<i32>} : memref<2x4x3x25x8x128xf32, #tpu.memory_space<vmem>>, vector<1x1x1x25x8x128xf32>,
    %slice3A_271 = vector.extract_strided_slice %concatenate3A_248 {offsets = [0, 256], sizes = [200, 128], strides = [1, 1]} : vector<200x384xf32> to vector<200x128xf32>
    %reshape3A_272 = vector.shape_cast %slice3A_271 : vector<200x128xf32> to vector<25x8x128xf32>
    %swap3A_273 = arith.constant 0 : index
    %swap3A_274 = arith.constant 2 : index
    %swap3A_275 = arith.constant 2 : index
    %swap3A_276 = arith.constant 0 : index
    %swap3A_277 = arith.constant 0 : index
    %swap3A_278 = arith.constant 0 : index
    %swap3A_279 = vector.load %arg10[%swap3A_273, %swap3A_274, %swap3A_275, %swap3A_276, %swap3A_277, %swap3A_278] : memref<2x4x3x25x8x128xf32, #tpu.memory_space<vmem>>, vector<1x1x1x25x8x128xf32>
    %swap3A_280 = vector.shape_cast %swap3A_279 : vector<1x1x1x25x8x128xf32> to vector<25x8x128xf32>
    %swap3A_281 = vector.shape_cast %reshape3A_272 : vector<25x8x128xf32> to vector<1x1x1x25x8x128xf32>
    tpu.vector_store %arg10[%swap3A_273, %swap3A_274, %swap3A_275, %swap3A_276, %swap3A_277, %swap3A_278], %swap3A_281 {strides = array<i32>} : memref<2x4x3x25x8x128xf32, #tpu.memory_space<vmem>>, vector<1x1x1x25x8x128xf32>,
    %slice3A_282 = vector.extract_strided_slice %concatenate3A_173 {offsets = [0, 576], sizes = [200, 192], strides = [1, 1]} : vector<200x1536xf32> to vector<200x192xf32>
    %slice3A_283 = vector.extract_strided_slice %concatenate3A_173 {offsets = [0, 1344], sizes = [200, 192], strides = [1, 1]} : vector<200x1536xf32> to vector<200x192xf32>
    %concatenate3A_284 = tpu.concatenate %slice3A_282, %slice3A_283 in 1 : vector<200x192xf32>, vector<200x192xf32> -> vector<200x384xf32>
    %slice3A_285 = vector.extract_strided_slice %concatenate3A_284 {offsets = [0, 0], sizes = [200, 128], strides = [1, 1]} : vector<200x384xf32> to vector<200x128xf32>
    %reshape3A_286 = vector.shape_cast %slice3A_285 : vector<200x128xf32> to vector<25x8x128xf32>
    %swap3A_287 = arith.constant 0 : index
    %swap3A_288 = arith.constant 3 : index
    %swap3A_289 = arith.constant 0 : index
    %swap3A_290 = arith.constant 0 : index
    %swap3A_291 = arith.constant 0 : index
    %swap3A_292 = arith.constant 0 : index
    %swap3A_293 = vector.load %arg10[%swap3A_287, %swap3A_288, %swap3A_289, %swap3A_290, %swap3A_291, %swap3A_292] : memref<2x4x3x25x8x128xf32, #tpu.memory_space<vmem>>, vector<1x1x1x25x8x128xf32>
    %swap3A_294 = vector.shape_cast %swap3A_293 : vector<1x1x1x25x8x128xf32> to vector<25x8x128xf32>
    %swap3A_295 = vector.shape_cast %reshape3A_286 : vector<25x8x128xf32> to vector<1x1x1x25x8x128xf32>
    tpu.vector_store %arg10[%swap3A_287, %swap3A_288, %swap3A_289, %swap3A_290, %swap3A_291, %swap3A_292], %swap3A_295 {strides = array<i32>} : memref<2x4x3x25x8x128xf32, #tpu.memory_space<vmem>>, vector<1x1x1x25x8x128xf32>,
    %slice3A_296 = vector.extract_strided_slice %concatenate3A_284 {offsets = [0, 128], sizes = [200, 128], strides = [1, 1]} : vector<200x384xf32> to vector<200x128xf32>
    %reshape3A_297 = vector.shape_cast %slice3A_296 : vector<200x128xf32> to vector<25x8x128xf32>
    %swap3A_298 = arith.constant 0 : index
    %swap3A_299 = arith.constant 3 : index
    %swap3A_300 = arith.constant 1 : index
    %swap3A_301 = arith.constant 0 : index
    %swap3A_302 = arith.constant 0 : index
    %swap3A_303 = arith.constant 0 : index
    %swap3A_304 = vector.load %arg10[%swap3A_298, %swap3A_299, %swap3A_300, %swap3A_301, %swap3A_302, %swap3A_303] : memref<2x4x3x25x8x128xf32, #tpu.memory_space<vmem>>, vector<1x1x1x25x8x128xf32>
    %swap3A_305 = vector.shape_cast %swap3A_304 : vector<1x1x1x25x8x128xf32> to vector<25x8x128xf32>
    %swap3A_306 = vector.shape_cast %reshape3A_297 : vector<25x8x128xf32> to vector<1x1x1x25x8x128xf32>
    tpu.vector_store %arg10[%swap3A_298, %swap3A_299, %swap3A_300, %swap3A_301, %swap3A_302, %swap3A_303], %swap3A_306 {strides = array<i32>} : memref<2x4x3x25x8x128xf32, #tpu.memory_space<vmem>>, vector<1x1x1x25x8x128xf32>,
    %slice3A_307 = vector.extract_strided_slice %concatenate3A_284 {offsets = [0, 256], sizes = [200, 128], strides = [1, 1]} : vector<200x384xf32> to vector<200x128xf32>
    %reshape3A_308 = vector.shape_cast %slice3A_307 : vector<200x128xf32> to vector<25x8x128xf32>
    %swap3A_309 = arith.constant 0 : index
    %swap3A_310 = arith.constant 3 : index
    %swap3A_311 = arith.constant 2 : index
    %swap3A_312 = arith.constant 0 : index
    %swap3A_313 = arith.constant 0 : index
    %swap3A_314 = arith.constant 0 : index
    %swap3A_315 = vector.load %arg10[%swap3A_309, %swap3A_310, %swap3A_311, %swap3A_312, %swap3A_313, %swap3A_314] : memref<2x4x3x25x8x128xf32, #tpu.memory_space<vmem>>, vector<1x1x1x25x8x128xf32>
    %swap3A_316 = vector.shape_cast %swap3A_315 : vector<1x1x1x25x8x128xf32> to vector<25x8x128xf32>
    %swap3A_317 = vector.shape_cast %reshape3A_308 : vector<25x8x128xf32> to vector<1x1x1x25x8x128xf32>
    tpu.vector_store %arg10[%swap3A_309, %swap3A_310, %swap3A_311, %swap3A_312, %swap3A_313, %swap3A_314], %swap3A_317 {strides = array<i32>} : memref<2x4x3x25x8x128xf32, #tpu.memory_space<vmem>>, vector<1x1x1x25x8x128xf32>,
    %get3A_318 = arith.constant 1 : index
    %get3A_319 = arith.constant 0 : index
    %get3A_320 = arith.constant 0 : index
    %get3A_321 = arith.constant 0 : index
    %get3A_322 = vector.load %arg1[%get3A_318, %get3A_319, %get3A_320, %get3A_321] : memref<2x14x14x384xf32, #tpu.memory_space<vmem>>, vector<1x14x14x384xf32>
    %get3A_323 = vector.shape_cast %get3A_322 : vector<1x14x14x384xf32> to vector<14x14x384xf32>
    %reshape3A_324 = vector.shape_cast %get3A_323 : vector<14x14x384xf32> to vector<196x384xf32>
    %get3A_325 = arith.constant 0 : index
    %get3A_326 = arith.constant 0 : index
    %get3A_327 = vector.load %arg3[%get3A_325, %get3A_326] : memref<1536x384xf32, #tpu.memory_space<vmem>>, vector<1536x384xf32>
    %dot_general3A_328 = arith.constant dense<0.000000e+00> : vector<196x1536xf32>
    %dot_general3A_329 = tpu.matmul %reshape3A_324, %get3A_327, %dot_general3A_328 {dimension_numbers = #tpu.dot_dimension_numbers<[1], [1], [0], [0], [0, 0, 1, 0], [], []>, transpose_lhs_hint = false} : vector<196x384xf32>, vector<1536x384xf32>, vector<196x1536xf32> -> vector<196x1536xf32>
    %slice3A_330 = vector.extract_strided_slice %dot_general3A_329 {offsets = [0, 0], sizes = [196, 768], strides = [1, 1]} : vector<196x1536xf32> to vector<196x768xf32>
    %slice3A_331 = vector.extract_strided_slice %dot_general3A_329 {offsets = [0, 768], sizes = [196, 768], strides = [1, 1]} : vector<196x1536xf32> to vector<196x768xf32>
    %convert_element_type3A_332 = arith.truncf %slice3A_331 : vector<196x768xf32> to vector<196x768xbf16>
    %swap3A_333 = arith.constant 1 : index
    %swap3A_334 = arith.constant 0 : index
    %swap3A_335 = arith.constant 0 : index
    %swap3A_336 = vector.load %arg13[%swap3A_333, %swap3A_334, %swap3A_335] : memref<2x196x768xbf16, #tpu.memory_space<vmem>>, vector<1x196x768xbf16>
    %swap3A_337 = vector.shape_cast %swap3A_336 : vector<1x196x768xbf16> to vector<196x768xbf16>
    %swap3A_338 = vector.shape_cast %convert_element_type3A_332 : vector<196x768xbf16> to vector<1x196x768xbf16>
    tpu.vector_store %arg13[%swap3A_333, %swap3A_334, %swap3A_335], %swap3A_338 {strides = array<i32>} : memref<2x196x768xbf16, #tpu.memory_space<vmem>>, vector<1x196x768xbf16>,
    %concatenate3A_339 = tpu.concatenate %broadcast_in_dim3A_17, %slice3A_330, %broadcast_in_dim3A_17 in 0 : vector<15x768xf32>, vector<196x768xf32>, vector<15x768xf32> -> vector<226x768xf32>
    %broadcast_in_dim3A_340 = arith.constant 0 : i32
    %broadcast_in_dim3A_341 = vector.broadcast %broadcast_in_dim3A_340 : i32 to vector<15x1xi32>
    %broadcast_in_dim3A_342 = arith.constant 0 : i32
    %broadcast_in_dim3A_343 = vector.broadcast %broadcast_in_dim3A_342 : i32 to vector<15x1xi32>
    %concatenate3A_344 = tpu.concatenate %broadcast_in_dim3A_341, %select_n3A_13, %broadcast_in_dim3A_343 in 0 : vector<15x1xi32>, vector<196x1xi32>, vector<15x1xi32> -> vector<226x1xi32>
    %ne3A_345 = arith.constant 0 : i32
    %ne3A_346 = vector.broadcast %ne3A_345 : i32 to vector<226x1xi32>
    %ne3A_347 = arith.cmpi ne, %concatenate3A_344, %ne3A_346 : vector<226x1xi32>
    %jit3A_348 = arith.constant 0.000000e+00 : f32
    %broadcast_in_dim3A_349 = vector.shape_cast %ne3A_347 : vector<226x1xi1> to vector<226x1xi1>
    %broadcast_in_dim3A_350 = vector.broadcast %broadcast_in_dim3A_349 : vector<226x1xi1> to vector<226x768xi1>
    %broadcast_in_dim3A_351 = vector.broadcast %jit3A_348 : f32 to vector<226x768xf32>
    %select_n3A_352 = arith.select %broadcast_in_dim3A_350, %concatenate3A_339, %broadcast_in_dim3A_351 : vector<226x768xi1>, vector<226x768xf32>
    %ne3A_353 = arith.constant 13 : i32
    %ne3A_354 = vector.broadcast %ne3A_353 : i32 to vector<226x1xi32>
    %ne3A_355 = arith.cmpi ne, %concatenate3A_344, %ne3A_354 : vector<226x1xi32>
    %jit3A_356 = arith.constant 0.000000e+00 : f32
    %broadcast_in_dim3A_357 = vector.shape_cast %ne3A_355 : vector<226x1xi1> to vector<226x1xi1>
    %broadcast_in_dim3A_358 = vector.broadcast %broadcast_in_dim3A_357 : vector<226x1xi1> to vector<226x768xi1>
    %broadcast_in_dim3A_359 = vector.broadcast %jit3A_356 : f32 to vector<226x768xf32>
    %select_n3A_360 = arith.select %broadcast_in_dim3A_358, %concatenate3A_339, %broadcast_in_dim3A_359 : vector<226x768xi1>, vector<226x768xf32>
    %broadcast_in_dim3A_361 = arith.constant 0.000000e+00 : f32
    %broadcast_in_dim3A_362 = vector.broadcast %broadcast_in_dim3A_361 : f32 to vector<196x768xf32>
    %slice3A_363 = vector.extract_strided_slice %select_n3A_360 {offsets = [0, 0], sizes = [196, 768], strides = [1, 1]} : vector<226x768xf32> to vector<196x768xf32>
    %slice3A_364 = vector.extract_strided_slice %transpose3A {offsets = [0, 0], sizes = [1, 768], strides = [1, 1]} : vector<9x768xf32> to vector<1x768xf32>
    %mul3A_365 = vector.broadcast %slice3A_364 : vector<1x768xf32> to vector<196x768xf32>
    %mul3A_366 = arith.mulf %slice3A_363, %mul3A_365 : vector<196x768xf32>
    %add3A_367 = arith.addf %broadcast_in_dim3A_362, %mul3A_366 : vector<196x768xf32>
    %slice3A_368 = vector.extract_strided_slice %concatenate3A_339 {offsets = [1, 0], sizes = [196, 768], strides = [1, 1]} : vector<226x768xf32> to vector<196x768xf32>
    %slice3A_369 = vector.extract_strided_slice %transpose3A {offsets = [1, 0], sizes = [1, 768], strides = [1, 1]} : vector<9x768xf32> to vector<1x768xf32>
    %mul3A_370 = vector.broadcast %slice3A_369 : vector<1x768xf32> to vector<196x768xf32>
    %mul3A_371 = arith.mulf %slice3A_368, %mul3A_370 : vector<196x768xf32>
    %add3A_372 = arith.addf %add3A_367, %mul3A_371 : vector<196x768xf32>
    %slice3A_373 = vector.extract_strided_slice %select_n3A_352 {offsets = [2, 0], sizes = [196, 768], strides = [1, 1]} : vector<226x768xf32> to vector<196x768xf32>
    %slice3A_374 = vector.extract_strided_slice %transpose3A {offsets = [2, 0], sizes = [1, 768], strides = [1, 1]} : vector<9x768xf32> to vector<1x768xf32>
    %mul3A_375 = vector.broadcast %slice3A_374 : vector<1x768xf32> to vector<196x768xf32>
    %mul3A_376 = arith.mulf %slice3A_373, %mul3A_375 : vector<196x768xf32>
    %add3A_377 = arith.addf %add3A_372, %mul3A_376 : vector<196x768xf32>
    %slice3A_378 = vector.extract_strided_slice %select_n3A_360 {offsets = [14, 0], sizes = [196, 768], strides = [1, 1]} : vector<226x768xf32> to vector<196x768xf32>
    %slice3A_379 = vector.extract_strided_slice %transpose3A {offsets = [3, 0], sizes = [1, 768], strides = [1, 1]} : vector<9x768xf32> to vector<1x768xf32>
    %mul3A_380 = vector.broadcast %slice3A_379 : vector<1x768xf32> to vector<196x768xf32>
    %mul3A_381 = arith.mulf %slice3A_378, %mul3A_380 : vector<196x768xf32>
    %add3A_382 = arith.addf %add3A_377, %mul3A_381 : vector<196x768xf32>
    %slice3A_383 = vector.extract_strided_slice %concatenate3A_339 {offsets = [15, 0], sizes = [196, 768], strides = [1, 1]} : vector<226x768xf32> to vector<196x768xf32>
    %slice3A_384 = vector.extract_strided_slice %transpose3A {offsets = [4, 0], sizes = [1, 768], strides = [1, 1]} : vector<9x768xf32> to vector<1x768xf32>
    %mul3A_385 = vector.broadcast %slice3A_384 : vector<1x768xf32> to vector<196x768xf32>
    %mul3A_386 = arith.mulf %slice3A_383, %mul3A_385 : vector<196x768xf32>
    %add3A_387 = arith.addf %add3A_382, %mul3A_386 : vector<196x768xf32>
    %slice3A_388 = vector.extract_strided_slice %select_n3A_352 {offsets = [16, 0], sizes = [196, 768], strides = [1, 1]} : vector<226x768xf32> to vector<196x768xf32>
    %slice3A_389 = vector.extract_strided_slice %transpose3A {offsets = [5, 0], sizes = [1, 768], strides = [1, 1]} : vector<9x768xf32> to vector<1x768xf32>
    %mul3A_390 = vector.broadcast %slice3A_389 : vector<1x768xf32> to vector<196x768xf32>
    %mul3A_391 = arith.mulf %slice3A_388, %mul3A_390 : vector<196x768xf32>
    %add3A_392 = arith.addf %add3A_387, %mul3A_391 : vector<196x768xf32>
    %slice3A_393 = vector.extract_strided_slice %select_n3A_360 {offsets = [28, 0], sizes = [196, 768], strides = [1, 1]} : vector<226x768xf32> to vector<196x768xf32>
    %slice3A_394 = vector.extract_strided_slice %transpose3A {offsets = [6, 0], sizes = [1, 768], strides = [1, 1]} : vector<9x768xf32> to vector<1x768xf32>
    %mul3A_395 = vector.broadcast %slice3A_394 : vector<1x768xf32> to vector<196x768xf32>
    %mul3A_396 = arith.mulf %slice3A_393, %mul3A_395 : vector<196x768xf32>
    %add3A_397 = arith.addf %add3A_392, %mul3A_396 : vector<196x768xf32>
    %slice3A_398 = vector.extract_strided_slice %concatenate3A_339 {offsets = [29, 0], sizes = [196, 768], strides = [1, 1]} : vector<226x768xf32> to vector<196x768xf32>
    %slice3A_399 = vector.extract_strided_slice %transpose3A {offsets = [7, 0], sizes = [1, 768], strides = [1, 1]} : vector<9x768xf32> to vector<1x768xf32>
    %mul3A_400 = vector.broadcast %slice3A_399 : vector<1x768xf32> to vector<196x768xf32>
    %mul3A_401 = arith.mulf %slice3A_398, %mul3A_400 : vector<196x768xf32>
    %add3A_402 = arith.addf %add3A_397, %mul3A_401 : vector<196x768xf32>
    %slice3A_403 = vector.extract_strided_slice %select_n3A_352 {offsets = [30, 0], sizes = [196, 768], strides = [1, 1]} : vector<226x768xf32> to vector<196x768xf32>
    %slice3A_404 = vector.extract_strided_slice %transpose3A {offsets = [8, 0], sizes = [1, 768], strides = [1, 1]} : vector<9x768xf32> to vector<1x768xf32>
    %mul3A_405 = vector.broadcast %slice3A_404 : vector<1x768xf32> to vector<196x768xf32>
    %mul3A_406 = arith.mulf %slice3A_403, %mul3A_405 : vector<196x768xf32>
    %add3A_407 = arith.addf %add3A_402, %mul3A_406 : vector<196x768xf32>
    %get3A_408 = arith.constant 0 : index
    %get3A_409 = arith.constant 0 : index
    %get3A_410 = vector.load %arg5[%get3A_408, %get3A_409] : memref<1x768xf32, #tpu.memory_space<vmem>>, vector<1x768xf32>
    %add3A_411 = vector.broadcast %get3A_410 : vector<1x768xf32> to vector<196x768xf32>
    %add3A_412 = arith.addf %add3A_407, %add3A_411 : vector<196x768xf32>
    %logistic3A_413 = arith.negf %add3A_412 : vector<196x768xf32>
    %logistic3A_414 = math.exp %logistic3A_413 : vector<196x768xf32>
    %logistic3A_415 = arith.constant 1.000000e+00 : f32
    %logistic3A_416 = vector.broadcast %logistic3A_415 : f32 to vector<196x768xf32>
    %logistic3A_417 = arith.addf %logistic3A_416, %logistic3A_414 : vector<196x768xf32>
    %logistic3A_418 = arith.divf %logistic3A_416, %logistic3A_417 : vector<196x768xf32>
    %mul3A_419 = arith.mulf %add3A_412, %logistic3A_418 : vector<196x768xf32>
    %convert_element_type3A_420 = arith.truncf %mul3A_419 : vector<196x768xf32> to vector<196x768xbf16>
    %swap3A_421 = arith.constant 1 : index
    %swap3A_422 = arith.constant 0 : index
    %swap3A_423 = arith.constant 0 : index
    %swap3A_424 = vector.load %arg11[%swap3A_421, %swap3A_422, %swap3A_423] : memref<2x196x768xbf16, #tpu.memory_space<vmem>>, vector<1x196x768xbf16>
    %swap3A_425 = vector.shape_cast %swap3A_424 : vector<1x196x768xbf16> to vector<196x768xbf16>
    %swap3A_426 = vector.shape_cast %convert_element_type3A_420 : vector<196x768xbf16> to vector<1x196x768xbf16>
    tpu.vector_store %arg11[%swap3A_421, %swap3A_422, %swap3A_423], %swap3A_426 {strides = array<i32>} : memref<2x196x768xbf16, #tpu.memory_space<vmem>>, vector<1x196x768xbf16>,
    %get3A_427 = arith.constant 0 : index
    %get3A_428 = arith.constant 0 : index
    %get3A_429 = vector.load %arg6[%get3A_427, %get3A_428] : memref<26x768xf32, #tpu.memory_space<vmem>>, vector<26x768xf32>
    %dot_general3A_430 = arith.constant dense<0.000000e+00> : vector<196x26xf32>
    %dot_general3A_431 = tpu.matmul %mul3A_419, %get3A_429, %dot_general3A_430 {dimension_numbers = #tpu.dot_dimension_numbers<[1], [1], [0], [0], [0, 0, 1, 0], [], []>, transpose_lhs_hint = false} : vector<196x768xf32>, vector<26x768xf32>, vector<196x26xf32> -> vector<196x26xf32>
    %slice3A_432 = vector.extract_strided_slice %dot_general3A_431 {offsets = [0, 24], sizes = [196, 1], strides = [1, 1]} : vector<196x26xf32> to vector<196x1xf32>
    %slice3A_433 = vector.extract_strided_slice %dot_general3A_431 {offsets = [0, 25], sizes = [196, 1], strides = [1, 1]} : vector<196x26xf32> to vector<196x1xf32>
    %swap3A_434 = arith.constant 1 : index
    %swap3A_435 = arith.constant 0 : index
    %swap3A_436 = arith.constant 0 : index
    %swap3A_437 = vector.load %arg12[%swap3A_434, %swap3A_435, %swap3A_436] : memref<2x196x1xf32, #tpu.memory_space<vmem>>, vector<1x196x1xf32>
    %swap3A_438 = vector.shape_cast %swap3A_437 : vector<1x196x1xf32> to vector<196x1xf32>
    %swap3A_439 = vector.shape_cast %slice3A_433 : vector<196x1xf32> to vector<1x196x1xf32>
    tpu.vector_store %arg12[%swap3A_434, %swap3A_435, %swap3A_436], %swap3A_439 {strides = array<i32>} : memref<2x196x1xf32, #tpu.memory_space<vmem>>, vector<1x196x1xf32>,
    %slice3A_440 = vector.extract_strided_slice %dot_general3A_431 {offsets = [0, 0], sizes = [196, 24], strides = [1, 1]} : vector<196x26xf32> to vector<196x24xf32>
    %get3A_441 = arith.constant 0 : index
    %get3A_442 = arith.constant 0 : index
    %get3A_443 = vector.load %arg7[%get3A_441, %get3A_442] : memref<768x24xf32, #tpu.memory_space<vmem>>, vector<768x24xf32>
    %dot_general3A_444 = arith.constant dense<0.000000e+00> : vector<196x768xf32>
    %dot_general3A_445 = tpu.matmul %slice3A_440, %get3A_443, %dot_general3A_444 {dimension_numbers = #tpu.dot_dimension_numbers<[1], [1], [0], [0], [0, 0, 1, 0], [], []>, transpose_lhs_hint = false} : vector<196x24xf32>, vector<768x24xf32>, vector<196x768xf32> -> vector<196x768xf32>
    %get3A_446 = arith.constant 0 : index
    %get3A_447 = arith.constant 0 : index
    %get3A_448 = vector.load %arg8[%get3A_446, %get3A_447] : memref<1x768xf32, #tpu.memory_space<vmem>>, vector<1x768xf32>
    %add3A_449 = vector.broadcast %get3A_448 : vector<1x768xf32> to vector<196x768xf32>
    %add3A_450 = arith.addf %dot_general3A_445, %add3A_449 : vector<196x768xf32>
    %max3A_451 = arith.constant 0.000000e+00 : f32
    %max3A_452 = vector.broadcast %max3A_451 : f32 to vector<196x768xf32>
    %max3A_453 = arith.maximumf %add3A_450, %max3A_452 : vector<196x768xf32>
    %abs3A_454 = math.absf %add3A_450 : vector<196x768xf32>
    %neg3A_455 = arith.constant 0.000000e+00 : f32
    %neg3A_456 = vector.broadcast %neg3A_455 : f32 to vector<196x768xf32>
    %neg3A_457 = arith.subf %neg3A_456, %abs3A_454 : vector<196x768xf32>
    %exp3A_458 = math.exp %neg3A_457 : vector<196x768xf32>
    %log1p3A_459 = math.log1p %exp3A_458 : vector<196x768xf32>
    %add3A_460 = arith.addf %max3A_453, %log1p3A_459 : vector<196x768xf32>
    %get3A_461 = arith.constant 0 : index
    %get3A_462 = arith.constant 0 : index
    %get3A_463 = vector.load %arg9[%get3A_461, %get3A_462] : memref<1x768xf32, #tpu.memory_space<vmem>>, vector<1x768xf32>
    %exp3A_464 = math.exp %get3A_463 : vector<1x768xf32>
    %mul3A_465 = vector.broadcast %exp3A_464 : vector<1x768xf32> to vector<196x768xf32>
    %mul3A_466 = arith.mulf %add3A_460, %mul3A_465 : vector<196x768xf32>
    %exp3A_467 = math.exp %mul3A_466 : vector<196x768xf32>
    %mul3A_468 = vector.broadcast %slice3A_432 : vector<196x1xf32> to vector<196x768xf32>
    %mul3A_469 = arith.mulf %add3A_460, %mul3A_468 : vector<196x768xf32>
    %mul3A_470 = arith.mulf %mul3A_469, %mul3A_419 : vector<196x768xf32>
    %get3A_471 = arith.constant 1 : index
    %get3A_472 = arith.constant 0 : index
    %get3A_473 = arith.constant 0 : index
    %get3A_474 = vector.load %arg2[%get3A_471, %get3A_472, %get3A_473] : memref<2x196x1xi32, #tpu.memory_space<vmem>>, vector<1x196x1xi32>
    %get3A_475 = vector.shape_cast %get3A_474 : vector<1x196x1xi32> to vector<196x1xi32>
    %eq3A_476 = vector.broadcast %get3A_475 : vector<196x1xi32> to vector<196x196xi32>
    %eq3A_477 = vector.broadcast %iota3A_14 : vector<1x196xi32> to vector<196x196xi32>
    %eq3A_478 = arith.cmpi eq, %eq3A_476, %eq3A_477 : vector<196x196xi32>
    %convert_element_type3A_479 = arith.extui %eq3A_478 : vector<196x196xi1> to vector<196x196xi32>
    %convert_element_type3A_480 = arith.sitofp %convert_element_type3A_479 : vector<196x196xi32> to vector<196x196xf32>
    %concatenate3A_481 = tpu.concatenate %mul3A_470, %exp3A_467 in 1 : vector<196x768xf32>, vector<196x768xf32> -> vector<196x1536xf32>
    %dot_general3A_482 = arith.constant dense<0.000000e+00> : vector<196x1536xf32>
    %dot_general3A_483 = tpu.matmul %convert_element_type3A_480, %concatenate3A_481, %dot_general3A_482 {dimension_numbers = #tpu.dot_dimension_numbers<[1], [0], [0], [1], [0, 0, 1, 1], [], []>, transpose_lhs_hint = false} : vector<196x196xf32>, vector<196x1536xf32>, vector<196x1536xf32> -> vector<196x1536xf32>
    %concatenate3A_484 = tpu.concatenate %dot_general3A_483, %broadcast_in_dim3A_19 in 0 : vector<196x1536xf32>, vector<4x1536xf32> -> vector<200x1536xf32>
    %slice3A_485 = vector.extract_strided_slice %concatenate3A_484 {offsets = [0, 0], sizes = [200, 192], strides = [1, 1]} : vector<200x1536xf32> to vector<200x192xf32>
    %slice3A_486 = vector.extract_strided_slice %concatenate3A_484 {offsets = [0, 768], sizes = [200, 192], strides = [1, 1]} : vector<200x1536xf32> to vector<200x192xf32>
    %concatenate3A_487 = tpu.concatenate %slice3A_485, %slice3A_486 in 1 : vector<200x192xf32>, vector<200x192xf32> -> vector<200x384xf32>
    %slice3A_488 = vector.extract_strided_slice %concatenate3A_487 {offsets = [0, 0], sizes = [200, 128], strides = [1, 1]} : vector<200x384xf32> to vector<200x128xf32>
    %reshape3A_489 = vector.shape_cast %slice3A_488 : vector<200x128xf32> to vector<25x8x128xf32>
    %swap3A_490 = arith.constant 1 : index
    %swap3A_491 = arith.constant 0 : index
    %swap3A_492 = arith.constant 0 : index
    %swap3A_493 = arith.constant 0 : index
    %swap3A_494 = arith.constant 0 : index
    %swap3A_495 = arith.constant 0 : index
    %swap3A_496 = vector.load %arg10[%swap3A_490, %swap3A_491, %swap3A_492, %swap3A_493, %swap3A_494, %swap3A_495] : memref<2x4x3x25x8x128xf32, #tpu.memory_space<vmem>>, vector<1x1x1x25x8x128xf32>
    %swap3A_497 = vector.shape_cast %swap3A_496 : vector<1x1x1x25x8x128xf32> to vector<25x8x128xf32>
    %swap3A_498 = vector.shape_cast %reshape3A_489 : vector<25x8x128xf32> to vector<1x1x1x25x8x128xf32>
    tpu.vector_store %arg10[%swap3A_490, %swap3A_491, %swap3A_492, %swap3A_493, %swap3A_494, %swap3A_495], %swap3A_498 {strides = array<i32>} : memref<2x4x3x25x8x128xf32, #tpu.memory_space<vmem>>, vector<1x1x1x25x8x128xf32>,
    %slice3A_499 = vector.extract_strided_slice %concatenate3A_487 {offsets = [0, 128], sizes = [200, 128], strides = [1, 1]} : vector<200x384xf32> to vector<200x128xf32>
    %reshape3A_500 = vector.shape_cast %slice3A_499 : vector<200x128xf32> to vector<25x8x128xf32>
    %swap3A_501 = arith.constant 1 : index
    %swap3A_502 = arith.constant 0 : index
    %swap3A_503 = arith.constant 1 : index
    %swap3A_504 = arith.constant 0 : index
    %swap3A_505 = arith.constant 0 : index
    %swap3A_506 = arith.constant 0 : index
    %swap3A_507 = vector.load %arg10[%swap3A_501, %swap3A_502, %swap3A_503, %swap3A_504, %swap3A_505, %swap3A_506] : memref<2x4x3x25x8x128xf32, #tpu.memory_space<vmem>>, vector<1x1x1x25x8x128xf32>
    %swap3A_508 = vector.shape_cast %swap3A_507 : vector<1x1x1x25x8x128xf32> to vector<25x8x128xf32>
    %swap3A_509 = vector.shape_cast %reshape3A_500 : vector<25x8x128xf32> to vector<1x1x1x25x8x128xf32>
    tpu.vector_store %arg10[%swap3A_501, %swap3A_502, %swap3A_503, %swap3A_504, %swap3A_505, %swap3A_506], %swap3A_509 {strides = array<i32>} : memref<2x4x3x25x8x128xf32, #tpu.memory_space<vmem>>, vector<1x1x1x25x8x128xf32>,
    %slice3A_510 = vector.extract_strided_slice %concatenate3A_487 {offsets = [0, 256], sizes = [200, 128], strides = [1, 1]} : vector<200x384xf32> to vector<200x128xf32>
    %reshape3A_511 = vector.shape_cast %slice3A_510 : vector<200x128xf32> to vector<25x8x128xf32>
    %swap3A_512 = arith.constant 1 : index
    %swap3A_513 = arith.constant 0 : index
    %swap3A_514 = arith.constant 2 : index
    %swap3A_515 = arith.constant 0 : index
    %swap3A_516 = arith.constant 0 : index
    %swap3A_517 = arith.constant 0 : index
    %swap3A_518 = vector.load %arg10[%swap3A_512, %swap3A_513, %swap3A_514, %swap3A_515, %swap3A_516, %swap3A_517] : memref<2x4x3x25x8x128xf32, #tpu.memory_space<vmem>>, vector<1x1x1x25x8x128xf32>
    %swap3A_519 = vector.shape_cast %swap3A_518 : vector<1x1x1x25x8x128xf32> to vector<25x8x128xf32>
    %swap3A_520 = vector.shape_cast %reshape3A_511 : vector<25x8x128xf32> to vector<1x1x1x25x8x128xf32>
    tpu.vector_store %arg10[%swap3A_512, %swap3A_513, %swap3A_514, %swap3A_515, %swap3A_516, %swap3A_517], %swap3A_520 {strides = array<i32>} : memref<2x4x3x25x8x128xf32, #tpu.memory_space<vmem>>, vector<1x1x1x25x8x128xf32>,
    %slice3A_521 = vector.extract_strided_slice %concatenate3A_484 {offsets = [0, 192], sizes = [200, 192], strides = [1, 1]} : vector<200x1536xf32> to vector<200x192xf32>
    %slice3A_522 = vector.extract_strided_slice %concatenate3A_484 {offsets = [0, 960], sizes = [200, 192], strides = [1, 1]} : vector<200x1536xf32> to vector<200x192xf32>
    %concatenate3A_523 = tpu.concatenate %slice3A_521, %slice3A_522 in 1 : vector<200x192xf32>, vector<200x192xf32> -> vector<200x384xf32>
    %slice3A_524 = vector.extract_strided_slice %concatenate3A_523 {offsets = [0, 0], sizes = [200, 128], strides = [1, 1]} : vector<200x384xf32> to vector<200x128xf32>
    %reshape3A_525 = vector.shape_cast %slice3A_524 : vector<200x128xf32> to vector<25x8x128xf32>
    %swap3A_526 = arith.constant 1 : index
    %swap3A_527 = arith.constant 1 : index
    %swap3A_528 = arith.constant 0 : index
    %swap3A_529 = arith.constant 0 : index
    %swap3A_530 = arith.constant 0 : index
    %swap3A_531 = arith.constant 0 : index
    %swap3A_532 = vector.load %arg10[%swap3A_526, %swap3A_527, %swap3A_528, %swap3A_529, %swap3A_530, %swap3A_531] : memref<2x4x3x25x8x128xf32, #tpu.memory_space<vmem>>, vector<1x1x1x25x8x128xf32>
    %swap3A_533 = vector.shape_cast %swap3A_532 : vector<1x1x1x25x8x128xf32> to vector<25x8x128xf32>
    %swap3A_534 = vector.shape_cast %reshape3A_525 : vector<25x8x128xf32> to vector<1x1x1x25x8x128xf32>
    tpu.vector_store %arg10[%swap3A_526, %swap3A_527, %swap3A_528, %swap3A_529, %swap3A_530, %swap3A_531], %swap3A_534 {strides = array<i32>} : memref<2x4x3x25x8x128xf32, #tpu.memory_space<vmem>>, vector<1x1x1x25x8x128xf32>,
    %slice3A_535 = vector.extract_strided_slice %concatenate3A_523 {offsets = [0, 128], sizes = [200, 128], strides = [1, 1]} : vector<200x384xf32> to vector<200x128xf32>
    %reshape3A_536 = vector.shape_cast %slice3A_535 : vector<200x128xf32> to vector<25x8x128xf32>
    %swap3A_537 = arith.constant 1 : index
    %swap3A_538 = arith.constant 1 : index
    %swap3A_539 = arith.constant 1 : index
    %swap3A_540 = arith.constant 0 : index
    %swap3A_541 = arith.constant 0 : index
    %swap3A_542 = arith.constant 0 : index
    %swap3A_543 = vector.load %arg10[%swap3A_537, %swap3A_538, %swap3A_539, %swap3A_540, %swap3A_541, %swap3A_542] : memref<2x4x3x25x8x128xf32, #tpu.memory_space<vmem>>, vector<1x1x1x25x8x128xf32>
    %swap3A_544 = vector.shape_cast %swap3A_543 : vector<1x1x1x25x8x128xf32> to vector<25x8x128xf32>
    %swap3A_545 = vector.shape_cast %reshape3A_536 : vector<25x8x128xf32> to vector<1x1x1x25x8x128xf32>
    tpu.vector_store %arg10[%swap3A_537, %swap3A_538, %swap3A_539, %swap3A_540, %swap3A_541, %swap3A_542], %swap3A_545 {strides = array<i32>} : memref<2x4x3x25x8x128xf32, #tpu.memory_space<vmem>>, vector<1x1x1x25x8x128xf32>,
    %slice3A_546 = vector.extract_strided_slice %concatenate3A_523 {offsets = [0, 256], sizes = [200, 128], strides = [1, 1]} : vector<200x384xf32> to vector<200x128xf32>
    %reshape3A_547 = vector.shape_cast %slice3A_546 : vector<200x128xf32> to vector<25x8x128xf32>
    %swap3A_548 = arith.constant 1 : index
    %swap3A_549 = arith.constant 1 : index
    %swap3A_550 = arith.constant 2 : index
    %swap3A_551 = arith.constant 0 : index
    %swap3A_552 = arith.constant 0 : index
    %swap3A_553 = arith.constant 0 : index
    %swap3A_554 = vector.load %arg10[%swap3A_548, %swap3A_549, %swap3A_550, %swap3A_551, %swap3A_552, %swap3A_553] : memref<2x4x3x25x8x128xf32, #tpu.memory_space<vmem>>, vector<1x1x1x25x8x128xf32>
    %swap3A_555 = vector.shape_cast %swap3A_554 : vector<1x1x1x25x8x128xf32> to vector<25x8x128xf32>
    %swap3A_556 = vector.shape_cast %reshape3A_547 : vector<25x8x128xf32> to vector<1x1x1x25x8x128xf32>
    tpu.vector_store %arg10[%swap3A_548, %swap3A_549, %swap3A_550, %swap3A_551, %swap3A_552, %swap3A_553], %swap3A_556 {strides = array<i32>} : memref<2x4x3x25x8x128xf32, #tpu.memory_space<vmem>>, vector<1x1x1x25x8x128xf32>,
    %slice3A_557 = vector.extract_strided_slice %concatenate3A_484 {offsets = [0, 384], sizes = [200, 192], strides = [1, 1]} : vector<200x1536xf32> to vector<200x192xf32>
    %slice3A_558 = vector.extract_strided_slice %concatenate3A_484 {offsets = [0, 1152], sizes = [200, 192], strides = [1, 1]} : vector<200x1536xf32> to vector<200x192xf32>
    %concatenate3A_559 = tpu.concatenate %slice3A_557, %slice3A_558 in 1 : vector<200x192xf32>, vector<200x192xf32> -> vector<200x384xf32>
    %slice3A_560 = vector.extract_strided_slice %concatenate3A_559 {offsets = [0, 0], sizes = [200, 128], strides = [1, 1]} : vector<200x384xf32> to vector<200x128xf32>
    %reshape3A_561 = vector.shape_cast %slice3A_560 : vector<200x128xf32> to vector<25x8x128xf32>
    %swap3A_562 = arith.constant 1 : index
    %swap3A_563 = arith.constant 2 : index
    %swap3A_564 = arith.constant 0 : index
    %swap3A_565 = arith.constant 0 : index
    %swap3A_566 = arith.constant 0 : index
    %swap3A_567 = arith.constant 0 : index
    %swap3A_568 = vector.load %arg10[%swap3A_562, %swap3A_563, %swap3A_564, %swap3A_565, %swap3A_566, %swap3A_567] : memref<2x4x3x25x8x128xf32, #tpu.memory_space<vmem>>, vector<1x1x1x25x8x128xf32>
    %swap3A_569 = vector.shape_cast %swap3A_568 : vector<1x1x1x25x8x128xf32> to vector<25x8x128xf32>
    %swap3A_570 = vector.shape_cast %reshape3A_561 : vector<25x8x128xf32> to vector<1x1x1x25x8x128xf32>
    tpu.vector_store %arg10[%swap3A_562, %swap3A_563, %swap3A_564, %swap3A_565, %swap3A_566, %swap3A_567], %swap3A_570 {strides = array<i32>} : memref<2x4x3x25x8x128xf32, #tpu.memory_space<vmem>>, vector<1x1x1x25x8x128xf32>,
    %slice3A_571 = vector.extract_strided_slice %concatenate3A_559 {offsets = [0, 128], sizes = [200, 128], strides = [1, 1]} : vector<200x384xf32> to vector<200x128xf32>
    %reshape3A_572 = vector.shape_cast %slice3A_571 : vector<200x128xf32> to vector<25x8x128xf32>
    %swap3A_573 = arith.constant 1 : index
    %swap3A_574 = arith.constant 2 : index
    %swap3A_575 = arith.constant 1 : index
    %swap3A_576 = arith.constant 0 : index
    %swap3A_577 = arith.constant 0 : index
    %swap3A_578 = arith.constant 0 : index
    %swap3A_579 = vector.load %arg10[%swap3A_573, %swap3A_574, %swap3A_575, %swap3A_576, %swap3A_577, %swap3A_578] : memref<2x4x3x25x8x128xf32, #tpu.memory_space<vmem>>, vector<1x1x1x25x8x128xf32>
    %swap3A_580 = vector.shape_cast %swap3A_579 : vector<1x1x1x25x8x128xf32> to vector<25x8x128xf32>
    %swap3A_581 = vector.shape_cast %reshape3A_572 : vector<25x8x128xf32> to vector<1x1x1x25x8x128xf32>
    tpu.vector_store %arg10[%swap3A_573, %swap3A_574, %swap3A_575, %swap3A_576, %swap3A_577, %swap3A_578], %swap3A_581 {strides = array<i32>} : memref<2x4x3x25x8x128xf32, #tpu.memory_space<vmem>>, vector<1x1x1x25x8x128xf32>,
    %slice3A_582 = vector.extract_strided_slice %concatenate3A_559 {offsets = [0, 256], sizes = [200, 128], strides = [1, 1]} : vector<200x384xf32> to vector<200x128xf32>
    %reshape3A_583 = vector.shape_cast %slice3A_582 : vector<200x128xf32> to vector<25x8x128xf32>
    %swap3A_584 = arith.constant 1 : index
    %swap3A_585 = arith.constant 2 : index
    %swap3A_586 = arith.constant 2 : index
    %swap3A_587 = arith.constant 0 : index
    %swap3A_588 = arith.constant 0 : index
    %swap3A_589 = arith.constant 0 : index
    %swap3A_590 = vector.load %arg10[%swap3A_584, %swap3A_585, %swap3A_586, %swap3A_587, %swap3A_588, %swap3A_589] : memref<2x4x3x25x8x128xf32, #tpu.memory_space<vmem>>, vector<1x1x1x25x8x128xf32>
    %swap3A_591 = vector.shape_cast %swap3A_590 : vector<1x1x1x25x8x128xf32> to vector<25x8x128xf32>
    %swap3A_592 = vector.shape_cast %reshape3A_583 : vector<25x8x128xf32> to vector<1x1x1x25x8x128xf32>
    tpu.vector_store %arg10[%swap3A_584, %swap3A_585, %swap3A_586, %swap3A_587, %swap3A_588, %swap3A_589], %swap3A_592 {strides = array<i32>} : memref<2x4x3x25x8x128xf32, #tpu.memory_space<vmem>>, vector<1x1x1x25x8x128xf32>,
    %slice3A_593 = vector.extract_strided_slice %concatenate3A_484 {offsets = [0, 576], sizes = [200, 192], strides = [1, 1]} : vector<200x1536xf32> to vector<200x192xf32>
    %slice3A_594 = vector.extract_strided_slice %concatenate3A_484 {offsets = [0, 1344], sizes = [200, 192], strides = [1, 1]} : vector<200x1536xf32> to vector<200x192xf32>
    %concatenate3A_595 = tpu.concatenate %slice3A_593, %slice3A_594 in 1 : vector<200x192xf32>, vector<200x192xf32> -> vector<200x384xf32>
    %slice3A_596 = vector.extract_strided_slice %concatenate3A_595 {offsets = [0, 0], sizes = [200, 128], strides = [1, 1]} : vector<200x384xf32> to vector<200x128xf32>
    %reshape3A_597 = vector.shape_cast %slice3A_596 : vector<200x128xf32> to vector<25x8x128xf32>
    %swap3A_598 = arith.constant 1 : index
    %swap3A_599 = arith.constant 3 : index
    %swap3A_600 = arith.constant 0 : index
    %swap3A_601 = arith.constant 0 : index
    %swap3A_602 = arith.constant 0 : index
    %swap3A_603 = arith.constant 0 : index
    %swap3A_604 = vector.load %arg10[%swap3A_598, %swap3A_599, %swap3A_600, %swap3A_601, %swap3A_602, %swap3A_603] : memref<2x4x3x25x8x128xf32, #tpu.memory_space<vmem>>, vector<1x1x1x25x8x128xf32>
    %swap3A_605 = vector.shape_cast %swap3A_604 : vector<1x1x1x25x8x128xf32> to vector<25x8x128xf32>
    %swap3A_606 = vector.shape_cast %reshape3A_597 : vector<25x8x128xf32> to vector<1x1x1x25x8x128xf32>
    tpu.vector_store %arg10[%swap3A_598, %swap3A_599, %swap3A_600, %swap3A_601, %swap3A_602, %swap3A_603], %swap3A_606 {strides = array<i32>} : memref<2x4x3x25x8x128xf32, #tpu.memory_space<vmem>>, vector<1x1x1x25x8x128xf32>,
    %slice3A_607 = vector.extract_strided_slice %concatenate3A_595 {offsets = [0, 128], sizes = [200, 128], strides = [1, 1]} : vector<200x384xf32> to vector<200x128xf32>
    %reshape3A_608 = vector.shape_cast %slice3A_607 : vector<200x128xf32> to vector<25x8x128xf32>
    %swap3A_609 = arith.constant 1 : index
    %swap3A_610 = arith.constant 3 : index
    %swap3A_611 = arith.constant 1 : index
    %swap3A_612 = arith.constant 0 : index
    %swap3A_613 = arith.constant 0 : index
    %swap3A_614 = arith.constant 0 : index
    %swap3A_615 = vector.load %arg10[%swap3A_609, %swap3A_610, %swap3A_611, %swap3A_612, %swap3A_613, %swap3A_614] : memref<2x4x3x25x8x128xf32, #tpu.memory_space<vmem>>, vector<1x1x1x25x8x128xf32>
    %swap3A_616 = vector.shape_cast %swap3A_615 : vector<1x1x1x25x8x128xf32> to vector<25x8x128xf32>
    %swap3A_617 = vector.shape_cast %reshape3A_608 : vector<25x8x128xf32> to vector<1x1x1x25x8x128xf32>
    tpu.vector_store %arg10[%swap3A_609, %swap3A_610, %swap3A_611, %swap3A_612, %swap3A_613, %swap3A_614], %swap3A_617 {strides = array<i32>} : memref<2x4x3x25x8x128xf32, #tpu.memory_space<vmem>>, vector<1x1x1x25x8x128xf32>,
    %slice3A_618 = vector.extract_strided_slice %concatenate3A_595 {offsets = [0, 256], sizes = [200, 128], strides = [1, 1]} : vector<200x384xf32> to vector<200x128xf32>
    %reshape3A_619 = vector.shape_cast %slice3A_618 : vector<200x128xf32> to vector<25x8x128xf32>
    %swap3A_620 = arith.constant 1 : index
    %swap3A_621 = arith.constant 3 : index
    %swap3A_622 = arith.constant 2 : index
    %swap3A_623 = arith.constant 0 : index
    %swap3A_624 = arith.constant 0 : index
    %swap3A_625 = arith.constant 0 : index
    %swap3A_626 = vector.load %arg10[%swap3A_620, %swap3A_621, %swap3A_622, %swap3A_623, %swap3A_624, %swap3A_625] : memref<2x4x3x25x8x128xf32, #tpu.memory_space<vmem>>, vector<1x1x1x25x8x128xf32>
    %swap3A_627 = vector.shape_cast %swap3A_626 : vector<1x1x1x25x8x128xf32> to vector<25x8x128xf32>
    %swap3A_628 = vector.shape_cast %reshape3A_619 : vector<25x8x128xf32> to vector<1x1x1x25x8x128xf32>
    tpu.vector_store %arg10[%swap3A_620, %swap3A_621, %swap3A_622, %swap3A_623, %swap3A_624, %swap3A_625], %swap3A_628 {strides = array<i32>} : memref<2x4x3x25x8x128xf32, #tpu.memory_space<vmem>>, vector<1x1x1x25x8x128xf32>,
    return
  }
  func.func @transform_0(%arg0: i32) -> (i32, i32, i32, i32) {
    %c0_i32 = arith.constant 0 : i32
    %c0_i32_0 = arith.constant 0 : i32
    %c0_i32_1 = arith.constant 0 : i32
    %c0_i32_2 = arith.constant 0 : i32
    return %arg0, %c0_i32, %c0_i32_0, %c0_i32_1 : i32, i32, i32, i32
  }
  func.func @transform_1(%arg0: i32) -> (i32, i32, i32) {
    %c0_i32 = arith.constant 0 : i32
    %c0_i32_0 = arith.constant 0 : i32
    %c0_i32_1 = arith.constant 0 : i32
    return %arg0, %c0_i32, %c0_i32_0 : i32, i32, i32
  }
  func.func @transform_2(%arg0: i32) -> (i32, i32) {
    %c0_i32 = arith.constant 0 : i32
    %c0_i32_0 = arith.constant 0 : i32
    %c0_i32_1 = arith.constant 0 : i32
    return %c0_i32, %c0_i32_0 : i32, i32
  }
  func.func @transform_3(%arg0: i32) -> (i32, i32) {
    %c0_i32 = arith.constant 0 : i32
    %c0_i32_0 = arith.constant 0 : i32
    %c0_i32_1 = arith.constant 0 : i32
    return %c0_i32, %c0_i32_0 : i32, i32
  }
  func.func @transform_4(%arg0: i32) -> (i32, i32) {
    %c0_i32 = arith.constant 0 : i32
    %c0_i32_0 = arith.constant 0 : i32
    %c0_i32_1 = arith.constant 0 : i32
    return %c0_i32, %c0_i32_0 : i32, i32
  }
  func.func @transform_5(%arg0: i32) -> (i32, i32) {
    %c0_i32 = arith.constant 0 : i32
    %c0_i32_0 = arith.constant 0 : i32
    %c0_i32_1 = arith.constant 0 : i32
    return %c0_i32, %c0_i32_0 : i32, i32
  }
  func.func @transform_6(%arg0: i32) -> (i32, i32) {
    %c0_i32 = arith.constant 0 : i32
    %c0_i32_0 = arith.constant 0 : i32
    %c0_i32_1 = arith.constant 0 : i32
    return %c0_i32, %c0_i32_0 : i32, i32
  }
  func.func @transform_7(%arg0: i32) -> (i32, i32) {
    %c0_i32 = arith.constant 0 : i32
    %c0_i32_0 = arith.constant 0 : i32
    %c0_i32_1 = arith.constant 0 : i32
    return %c0_i32, %c0_i32_0 : i32, i32
  }
  func.func @transform_8(%arg0: i32) -> (i32, i32) {
    %c0_i32 = arith.constant 0 : i32
    %c0_i32_0 = arith.constant 0 : i32
    %c0_i32_1 = arith.constant 0 : i32
    return %c0_i32, %c0_i32_0 : i32, i32
  }
  func.func @transform_9(%arg0: i32) -> (i32, i32, i32, i32, i32, i32) {
    %c0_i32 = arith.constant 0 : i32
    %c0_i32_0 = arith.constant 0 : i32
    %c0_i32_1 = arith.constant 0 : i32
    %c0_i32_2 = arith.constant 0 : i32
    %c0_i32_3 = arith.constant 0 : i32
    %c0_i32_4 = arith.constant 0 : i32
    return %arg0, %c0_i32, %c0_i32_0, %c0_i32_1, %c0_i32_2, %c0_i32_3 : i32, i32, i32, i32, i32, i32
  }
  func.func @transform_10(%arg0: i32) -> (i32, i32, i32) {
    %c0_i32 = arith.constant 0 : i32
    %c0_i32_0 = arith.constant 0 : i32
    %c0_i32_1 = arith.constant 0 : i32
    return %arg0, %c0_i32, %c0_i32_0 : i32, i32, i32
  }
  func.func @transform_11(%arg0: i32) -> (i32, i32, i32) {
    %c0_i32 = arith.constant 0 : i32
    %c0_i32_0 = arith.constant 0 : i32
    %c0_i32_1 = arith.constant 0 : i32
    return %arg0, %c0_i32, %c0_i32_0 : i32, i32, i32
  }
  func.func @transform_12(%arg0: i32) -> (i32, i32, i32) {
    %c0_i32 = arith.constant 0 : i32
    %c0_i32_0 = arith.constant 0 : i32
    %c0_i32_1 = arith.constant 0 : i32
    return %arg0, %c0_i32, %c0_i32_0 : i32, i32, i32
  }
}

module attributes {stable_mosaic.version = 14 : i64} {
  func.func @_post_body(%arg0: i32, %arg1: memref<2x4x2x25x8x128xf32, #tpu.memory_space<vmem>>, %arg2: memref<2x1x196xi32, #tpu.memory_space<vmem>>, %arg3: memref<2x196x1xf32, #tpu.memory_space<vmem>>, %arg4: memref<2x196x768xbf16, #tpu.memory_space<vmem>>, %arg5: memref<2x196x768xbf16, #tpu.memory_space<vmem>>, %arg6: memref<1x768xf32, #tpu.memory_space<vmem>>, %arg7: memref<1x768xf32, #tpu.memory_space<vmem>>, %arg8: memref<1x768xf32, #tpu.memory_space<vmem>>, %arg9: memref<1x768xf32, #tpu.memory_space<vmem>>, %arg10: memref<1x768xf32, #tpu.memory_space<vmem>>, %arg11: memref<384x768xf32, #tpu.memory_space<vmem>>, %arg12: memref<2x196x384xf32, #tpu.memory_space<vmem>>) attributes {dimension_semantics = [#tpu.dimension_semantics<arbitrary>], iteration_bounds = array<i64: 4>, scalar_prefetch = 0 : i64, scratch_operands = 0 : i64, tpu.core_type = #tpu.core_type<tc>, window_params = [{transform_indices = @transform_0, window_bounds = array<i64: 2, 4, 2, 25, 8, 128>}, {transform_indices = @transform_1, window_bounds = array<i64: 2, 1, 196>}, {transform_indices = @transform_2, window_bounds = array<i64: 2, 196, 1>}, {transform_indices = @transform_3, window_bounds = array<i64: 2, 196, 768>}, {transform_indices = @transform_4, window_bounds = array<i64: 2, 196, 768>}, {pipeline_mode = #tpu.pipeline_mode<synchronous>, transform_indices = @transform_5, window_bounds = array<i64: 1, 768>}, {pipeline_mode = #tpu.pipeline_mode<synchronous>, transform_indices = @transform_6, window_bounds = array<i64: 1, 768>}, {pipeline_mode = #tpu.pipeline_mode<synchronous>, transform_indices = @transform_7, window_bounds = array<i64: 1, 768>}, {pipeline_mode = #tpu.pipeline_mode<synchronous>, transform_indices = @transform_8, window_bounds = array<i64: 1, 768>}, {pipeline_mode = #tpu.pipeline_mode<synchronous>, transform_indices = @transform_9, window_bounds = array<i64: 1, 768>}, {pipeline_mode = #tpu.pipeline_mode<synchronous>, transform_indices = @transform_10, window_bounds = array<i64: 384, 768>}, {transform_indices = @transform_11, window_bounds = array<i64: 2, 196, 384>}]} {
    %iota3A = tpu.iota {dimensions = array<i32: 0>} : vector<196x1xi32>
    %iota3A_0 = tpu.iota {dimensions = array<i32: 1>} : vector<1x196xi32>
    %get3A = arith.constant 0 : index
    %get3A_1 = arith.constant 0 : index
    %get3A_2 = arith.constant 0 : index
    %get3A_3 = arith.constant 0 : index
    %get3A_4 = arith.constant 0 : index
    %get3A_5 = arith.constant 0 : index
    %get3A_6 = vector.load %arg1[%get3A, %get3A_1, %get3A_2, %get3A_3, %get3A_4, %get3A_5] : memref<2x4x2x25x8x128xf32, #tpu.memory_space<vmem>>, vector<1x1x1x25x8x128xf32>
    %get3A_7 = vector.shape_cast %get3A_6 : vector<1x1x1x25x8x128xf32> to vector<25x8x128xf32>
    %reshape3A = vector.shape_cast %get3A_7 : vector<25x8x128xf32> to vector<200x128xf32>
    %slice3A = vector.extract_strided_slice %reshape3A {offsets = [0, 0], sizes = [196, 128], strides = [1, 1]} : vector<200x128xf32> to vector<196x128xf32>
    %get3A_8 = arith.constant 0 : index
    %get3A_9 = arith.constant 0 : index
    %get3A_10 = arith.constant 1 : index
    %get3A_11 = arith.constant 0 : index
    %get3A_12 = arith.constant 0 : index
    %get3A_13 = arith.constant 0 : index
    %get3A_14 = vector.load %arg1[%get3A_8, %get3A_9, %get3A_10, %get3A_11, %get3A_12, %get3A_13] : memref<2x4x2x25x8x128xf32, #tpu.memory_space<vmem>>, vector<1x1x1x25x8x128xf32>
    %get3A_15 = vector.shape_cast %get3A_14 : vector<1x1x1x25x8x128xf32> to vector<25x8x128xf32>
    %reshape3A_16 = vector.shape_cast %get3A_15 : vector<25x8x128xf32> to vector<200x128xf32>
    %slice3A_17 = vector.extract_strided_slice %reshape3A_16 {offsets = [0, 0], sizes = [196, 64], strides = [1, 1]} : vector<200x128xf32> to vector<196x64xf32>
    %get3A_18 = arith.constant 0 : index
    %get3A_19 = arith.constant 1 : index
    %get3A_20 = arith.constant 0 : index
    %get3A_21 = arith.constant 0 : index
    %get3A_22 = arith.constant 0 : index
    %get3A_23 = arith.constant 0 : index
    %get3A_24 = vector.load %arg1[%get3A_18, %get3A_19, %get3A_20, %get3A_21, %get3A_22, %get3A_23] : memref<2x4x2x25x8x128xf32, #tpu.memory_space<vmem>>, vector<1x1x1x25x8x128xf32>
    %get3A_25 = vector.shape_cast %get3A_24 : vector<1x1x1x25x8x128xf32> to vector<25x8x128xf32>
    %reshape3A_26 = vector.shape_cast %get3A_25 : vector<25x8x128xf32> to vector<200x128xf32>
    %slice3A_27 = vector.extract_strided_slice %reshape3A_26 {offsets = [0, 0], sizes = [196, 128], strides = [1, 1]} : vector<200x128xf32> to vector<196x128xf32>
    %get3A_28 = arith.constant 0 : index
    %get3A_29 = arith.constant 1 : index
    %get3A_30 = arith.constant 1 : index
    %get3A_31 = arith.constant 0 : index
    %get3A_32 = arith.constant 0 : index
    %get3A_33 = arith.constant 0 : index
    %get3A_34 = vector.load %arg1[%get3A_28, %get3A_29, %get3A_30, %get3A_31, %get3A_32, %get3A_33] : memref<2x4x2x25x8x128xf32, #tpu.memory_space<vmem>>, vector<1x1x1x25x8x128xf32>
    %get3A_35 = vector.shape_cast %get3A_34 : vector<1x1x1x25x8x128xf32> to vector<25x8x128xf32>
    %reshape3A_36 = vector.shape_cast %get3A_35 : vector<25x8x128xf32> to vector<200x128xf32>
    %slice3A_37 = vector.extract_strided_slice %reshape3A_36 {offsets = [0, 0], sizes = [196, 64], strides = [1, 1]} : vector<200x128xf32> to vector<196x64xf32>
    %get3A_38 = arith.constant 0 : index
    %get3A_39 = arith.constant 2 : index
    %get3A_40 = arith.constant 0 : index
    %get3A_41 = arith.constant 0 : index
    %get3A_42 = arith.constant 0 : index
    %get3A_43 = arith.constant 0 : index
    %get3A_44 = vector.load %arg1[%get3A_38, %get3A_39, %get3A_40, %get3A_41, %get3A_42, %get3A_43] : memref<2x4x2x25x8x128xf32, #tpu.memory_space<vmem>>, vector<1x1x1x25x8x128xf32>
    %get3A_45 = vector.shape_cast %get3A_44 : vector<1x1x1x25x8x128xf32> to vector<25x8x128xf32>
    %reshape3A_46 = vector.shape_cast %get3A_45 : vector<25x8x128xf32> to vector<200x128xf32>
    %slice3A_47 = vector.extract_strided_slice %reshape3A_46 {offsets = [0, 0], sizes = [196, 128], strides = [1, 1]} : vector<200x128xf32> to vector<196x128xf32>
    %get3A_48 = arith.constant 0 : index
    %get3A_49 = arith.constant 2 : index
    %get3A_50 = arith.constant 1 : index
    %get3A_51 = arith.constant 0 : index
    %get3A_52 = arith.constant 0 : index
    %get3A_53 = arith.constant 0 : index
    %get3A_54 = vector.load %arg1[%get3A_48, %get3A_49, %get3A_50, %get3A_51, %get3A_52, %get3A_53] : memref<2x4x2x25x8x128xf32, #tpu.memory_space<vmem>>, vector<1x1x1x25x8x128xf32>
    %get3A_55 = vector.shape_cast %get3A_54 : vector<1x1x1x25x8x128xf32> to vector<25x8x128xf32>
    %reshape3A_56 = vector.shape_cast %get3A_55 : vector<25x8x128xf32> to vector<200x128xf32>
    %slice3A_57 = vector.extract_strided_slice %reshape3A_56 {offsets = [0, 0], sizes = [196, 64], strides = [1, 1]} : vector<200x128xf32> to vector<196x64xf32>
    %get3A_58 = arith.constant 0 : index
    %get3A_59 = arith.constant 3 : index
    %get3A_60 = arith.constant 0 : index
    %get3A_61 = arith.constant 0 : index
    %get3A_62 = arith.constant 0 : index
    %get3A_63 = arith.constant 0 : index
    %get3A_64 = vector.load %arg1[%get3A_58, %get3A_59, %get3A_60, %get3A_61, %get3A_62, %get3A_63] : memref<2x4x2x25x8x128xf32, #tpu.memory_space<vmem>>, vector<1x1x1x25x8x128xf32>
    %get3A_65 = vector.shape_cast %get3A_64 : vector<1x1x1x25x8x128xf32> to vector<25x8x128xf32>
    %reshape3A_66 = vector.shape_cast %get3A_65 : vector<25x8x128xf32> to vector<200x128xf32>
    %slice3A_67 = vector.extract_strided_slice %reshape3A_66 {offsets = [0, 0], sizes = [196, 128], strides = [1, 1]} : vector<200x128xf32> to vector<196x128xf32>
    %get3A_68 = arith.constant 0 : index
    %get3A_69 = arith.constant 3 : index
    %get3A_70 = arith.constant 1 : index
    %get3A_71 = arith.constant 0 : index
    %get3A_72 = arith.constant 0 : index
    %get3A_73 = arith.constant 0 : index
    %get3A_74 = vector.load %arg1[%get3A_68, %get3A_69, %get3A_70, %get3A_71, %get3A_72, %get3A_73] : memref<2x4x2x25x8x128xf32, #tpu.memory_space<vmem>>, vector<1x1x1x25x8x128xf32>
    %get3A_75 = vector.shape_cast %get3A_74 : vector<1x1x1x25x8x128xf32> to vector<25x8x128xf32>
    %reshape3A_76 = vector.shape_cast %get3A_75 : vector<25x8x128xf32> to vector<200x128xf32>
    %slice3A_77 = vector.extract_strided_slice %reshape3A_76 {offsets = [0, 0], sizes = [196, 64], strides = [1, 1]} : vector<200x128xf32> to vector<196x64xf32>
    %concatenate3A = tpu.concatenate %slice3A, %slice3A_17, %slice3A_27, %slice3A_37, %slice3A_47, %slice3A_57, %slice3A_67, %slice3A_77 in 1 : vector<196x128xf32>, vector<196x64xf32>, vector<196x128xf32>, vector<196x64xf32>, vector<196x128xf32>, vector<196x64xf32>, vector<196x128xf32>, vector<196x64xf32> -> vector<196x768xf32>
    %get3A_78 = arith.constant 0 : index
    %get3A_79 = arith.constant 0 : index
    %get3A_80 = arith.constant 0 : index
    %get3A_81 = vector.load %arg2[%get3A_78, %get3A_79, %get3A_80] : memref<2x1x196xi32, #tpu.memory_space<vmem>>, vector<1x1x196xi32>
    %get3A_82 = vector.shape_cast %get3A_81 : vector<1x1x196xi32> to vector<1x196xi32>
    %eq3A = vector.broadcast %get3A_82 : vector<1x196xi32> to vector<196x196xi32>
    %eq3A_83 = vector.broadcast %iota3A : vector<196x1xi32> to vector<196x196xi32>
    %eq3A_84 = arith.cmpi eq, %eq3A, %eq3A_83 : vector<196x196xi32>
    %jit3A = arith.constant -1 : i32
    %broadcast_in_dim3A = vector.shape_cast %iota3A_0 : vector<1x196xi32> to vector<1x196xi32>
    %broadcast_in_dim3A_85 = vector.broadcast %broadcast_in_dim3A : vector<1x196xi32> to vector<196x196xi32>
    %broadcast_in_dim3A_86 = vector.broadcast %jit3A : i32 to vector<196x196xi32>
    %select_n3A = arith.select %eq3A_84, %broadcast_in_dim3A_85, %broadcast_in_dim3A_86 : vector<196x196xi1>, vector<196x196xi32>
    %reduce_max3A = arith.constant dense<-2147483648> : vector<196xi32>
    %reduce_max3A_87 = vector.multi_reduction <maxsi>, %select_n3A, %reduce_max3A [1] : vector<196x196xi32> to vector<196xi32>
    %broadcast_in_dim3A_88 = vector.shape_cast %reduce_max3A_87 : vector<196xi32> to vector<196x1xi32>
    %eq3A_89 = vector.broadcast %broadcast_in_dim3A_88 : vector<196x1xi32> to vector<196x196xi32>
    %eq3A_90 = vector.broadcast %iota3A_0 : vector<1x196xi32> to vector<196x196xi32>
    %eq3A_91 = arith.cmpi eq, %eq3A_89, %eq3A_90 : vector<196x196xi32>
    %convert_element_type3A = arith.extui %eq3A_91 : vector<196x196xi1> to vector<196x196xi32>
    %convert_element_type3A_92 = arith.sitofp %convert_element_type3A : vector<196x196xi32> to vector<196x196xf32>
    %dot_general3A = arith.constant dense<0.000000e+00> : vector<196x768xf32>
    %dot_general3A_93 = tpu.matmul %convert_element_type3A_92, %concatenate3A, %dot_general3A {dimension_numbers = #tpu.dot_dimension_numbers<[1], [0], [0], [1], [0, 0, 1, 1], [], []>, transpose_lhs_hint = false} : vector<196x196xf32>, vector<196x768xf32>, vector<196x768xf32> -> vector<196x768xf32>
    %get3A_94 = arith.constant 0 : index
    %get3A_95 = arith.constant 0 : index
    %get3A_96 = vector.load %arg9[%get3A_94, %get3A_95] : memref<1x768xf32, #tpu.memory_space<vmem>>, vector<1x768xf32>
    %get3A_97 = arith.constant 0 : index
    %get3A_98 = arith.constant 0 : index
    %get3A_99 = vector.load %arg10[%get3A_97, %get3A_98] : memref<1x768xf32, #tpu.memory_space<vmem>>, vector<1x768xf32>
    %reduce_sum3A = arith.constant dense<0.000000e+00> : vector<196xf32>
    %reduce_sum3A_100 = vector.multi_reduction <add>, %dot_general3A_93, %reduce_sum3A [1] : vector<196x768xf32> to vector<196xf32>
    %broadcast_in_dim3A_101 = vector.shape_cast %reduce_sum3A_100 : vector<196xf32> to vector<196x1xf32>
    %div3A = arith.constant 7.680000e+02 : f32
    %div3A_102 = vector.broadcast %div3A : f32 to vector<196x1xf32>
    %div3A_103 = arith.divf %broadcast_in_dim3A_101, %div3A_102 : vector<196x1xf32>
    %sub3A = vector.broadcast %div3A_103 : vector<196x1xf32> to vector<196x768xf32>
    %sub3A_104 = arith.subf %dot_general3A_93, %sub3A : vector<196x768xf32>
    %sub3A_105 = vector.broadcast %div3A_103 : vector<196x1xf32> to vector<196x768xf32>
    %sub3A_106 = arith.subf %dot_general3A_93, %sub3A_105 : vector<196x768xf32>
    %mul3A = arith.mulf %sub3A_104, %sub3A_106 : vector<196x768xf32>
    %reduce_sum3A_107 = arith.constant dense<0.000000e+00> : vector<196xf32>
    %reduce_sum3A_108 = vector.multi_reduction <add>, %mul3A, %reduce_sum3A_107 [1] : vector<196x768xf32> to vector<196xf32>
    %broadcast_in_dim3A_109 = vector.shape_cast %reduce_sum3A_108 : vector<196xf32> to vector<196x1xf32>
    %div3A_110 = arith.constant 7.680000e+02 : f32
    %div3A_111 = vector.broadcast %div3A_110 : f32 to vector<196x1xf32>
    %div3A_112 = arith.divf %broadcast_in_dim3A_109, %div3A_111 : vector<196x1xf32>
    %sub3A_113 = vector.broadcast %div3A_103 : vector<196x1xf32> to vector<196x768xf32>
    %sub3A_114 = arith.subf %dot_general3A_93, %sub3A_113 : vector<196x768xf32>
    %add3A = arith.constant 9.99999974E-6 : f32
    %add3A_115 = vector.broadcast %add3A : f32 to vector<196x1xf32>
    %add3A_116 = arith.addf %div3A_112, %add3A_115 : vector<196x1xf32>
    %rsqrt3A = math.rsqrt %add3A_116 : vector<196x1xf32>
    %mul3A_117 = vector.broadcast %rsqrt3A : vector<196x1xf32> to vector<196x768xf32>
    %mul3A_118 = arith.mulf %sub3A_114, %mul3A_117 : vector<196x768xf32>
    %mul3A_119 = vector.broadcast %get3A_96 : vector<1x768xf32> to vector<196x768xf32>
    %mul3A_120 = arith.mulf %mul3A_118, %mul3A_119 : vector<196x768xf32>
    %add3A_121 = vector.broadcast %get3A_99 : vector<1x768xf32> to vector<196x768xf32>
    %add3A_122 = arith.addf %mul3A_120, %add3A_121 : vector<196x768xf32>
    %get3A_123 = arith.constant 0 : index
    %get3A_124 = arith.constant 0 : index
    %get3A_125 = arith.constant 0 : index
    %get3A_126 = vector.load %arg3[%get3A_123, %get3A_124, %get3A_125] : memref<2x196x1xf32, #tpu.memory_space<vmem>>, vector<1x196x1xf32>
    %get3A_127 = vector.shape_cast %get3A_126 : vector<1x196x1xf32> to vector<196x1xf32>
    %mul3A_128 = vector.broadcast %get3A_127 : vector<196x1xf32> to vector<196x768xf32>
    %mul3A_129 = arith.mulf %add3A_122, %mul3A_128 : vector<196x768xf32>
    %get3A_130 = arith.constant 0 : index
    %get3A_131 = arith.constant 0 : index
    %get3A_132 = vector.load %arg6[%get3A_130, %get3A_131] : memref<1x768xf32, #tpu.memory_space<vmem>>, vector<1x768xf32>
    %get3A_133 = arith.constant 0 : index
    %get3A_134 = arith.constant 0 : index
    %get3A_135 = arith.constant 0 : index
    %get3A_136 = vector.load %arg4[%get3A_133, %get3A_134, %get3A_135] : memref<2x196x768xbf16, #tpu.memory_space<vmem>>, vector<1x196x768xbf16>
    %get3A_137 = vector.shape_cast %get3A_136 : vector<1x196x768xbf16> to vector<196x768xbf16>
    %convert_element_type3A_138 = arith.extf %get3A_137 : vector<196x768xbf16> to vector<196x768xf32>
    %mul3A_139 = vector.broadcast %get3A_132 : vector<1x768xf32> to vector<196x768xf32>
    %mul3A_140 = arith.mulf %mul3A_139, %convert_element_type3A_138 : vector<196x768xf32>
    %add3A_141 = arith.addf %mul3A_129, %mul3A_140 : vector<196x768xf32>
    %get3A_142 = arith.constant 0 : index
    %get3A_143 = arith.constant 0 : index
    %get3A_144 = vector.load %arg7[%get3A_142, %get3A_143] : memref<1x768xf32, #tpu.memory_space<vmem>>, vector<1x768xf32>
    %get3A_145 = arith.constant 0 : index
    %get3A_146 = arith.constant 0 : index
    %get3A_147 = vector.load %arg8[%get3A_145, %get3A_146] : memref<1x768xf32, #tpu.memory_space<vmem>>, vector<1x768xf32>
    %reduce_sum3A_148 = arith.constant dense<0.000000e+00> : vector<196xf32>
    %reduce_sum3A_149 = vector.multi_reduction <add>, %add3A_141, %reduce_sum3A_148 [1] : vector<196x768xf32> to vector<196xf32>
    %broadcast_in_dim3A_150 = vector.shape_cast %reduce_sum3A_149 : vector<196xf32> to vector<196x1xf32>
    %div3A_151 = arith.constant 7.680000e+02 : f32
    %div3A_152 = vector.broadcast %div3A_151 : f32 to vector<196x1xf32>
    %div3A_153 = arith.divf %broadcast_in_dim3A_150, %div3A_152 : vector<196x1xf32>
    %sub3A_154 = vector.broadcast %div3A_153 : vector<196x1xf32> to vector<196x768xf32>
    %sub3A_155 = arith.subf %add3A_141, %sub3A_154 : vector<196x768xf32>
    %sub3A_156 = vector.broadcast %div3A_153 : vector<196x1xf32> to vector<196x768xf32>
    %sub3A_157 = arith.subf %add3A_141, %sub3A_156 : vector<196x768xf32>
    %mul3A_158 = arith.mulf %sub3A_155, %sub3A_157 : vector<196x768xf32>
    %reduce_sum3A_159 = arith.constant dense<0.000000e+00> : vector<196xf32>
    %reduce_sum3A_160 = vector.multi_reduction <add>, %mul3A_158, %reduce_sum3A_159 [1] : vector<196x768xf32> to vector<196xf32>
    %broadcast_in_dim3A_161 = vector.shape_cast %reduce_sum3A_160 : vector<196xf32> to vector<196x1xf32>
    %div3A_162 = arith.constant 7.680000e+02 : f32
    %div3A_163 = vector.broadcast %div3A_162 : f32 to vector<196x1xf32>
    %div3A_164 = arith.divf %broadcast_in_dim3A_161, %div3A_163 : vector<196x1xf32>
    %sub3A_165 = vector.broadcast %div3A_153 : vector<196x1xf32> to vector<196x768xf32>
    %sub3A_166 = arith.subf %add3A_141, %sub3A_165 : vector<196x768xf32>
    %add3A_167 = arith.constant 9.99999974E-6 : f32
    %add3A_168 = vector.broadcast %add3A_167 : f32 to vector<196x1xf32>
    %add3A_169 = arith.addf %div3A_164, %add3A_168 : vector<196x1xf32>
    %rsqrt3A_170 = math.rsqrt %add3A_169 : vector<196x1xf32>
    %mul3A_171 = vector.broadcast %rsqrt3A_170 : vector<196x1xf32> to vector<196x768xf32>
    %mul3A_172 = arith.mulf %sub3A_166, %mul3A_171 : vector<196x768xf32>
    %mul3A_173 = vector.broadcast %get3A_144 : vector<1x768xf32> to vector<196x768xf32>
    %mul3A_174 = arith.mulf %mul3A_172, %mul3A_173 : vector<196x768xf32>
    %add3A_175 = vector.broadcast %get3A_147 : vector<1x768xf32> to vector<196x768xf32>
    %add3A_176 = arith.addf %mul3A_174, %add3A_175 : vector<196x768xf32>
    %get3A_177 = arith.constant 0 : index
    %get3A_178 = arith.constant 0 : index
    %get3A_179 = arith.constant 0 : index
    %get3A_180 = vector.load %arg5[%get3A_177, %get3A_178, %get3A_179] : memref<2x196x768xbf16, #tpu.memory_space<vmem>>, vector<1x196x768xbf16>
    %get3A_181 = vector.shape_cast %get3A_180 : vector<1x196x768xbf16> to vector<196x768xbf16>
    %convert_element_type3A_182 = arith.extf %get3A_181 : vector<196x768xbf16> to vector<196x768xf32>
    %logistic3A = arith.negf %convert_element_type3A_182 : vector<196x768xf32>
    %logistic3A_183 = math.exp %logistic3A : vector<196x768xf32>
    %logistic3A_184 = arith.constant 1.000000e+00 : f32
    %logistic3A_185 = vector.broadcast %logistic3A_184 : f32 to vector<196x768xf32>
    %logistic3A_186 = arith.addf %logistic3A_185, %logistic3A_183 : vector<196x768xf32>
    %logistic3A_187 = arith.divf %logistic3A_185, %logistic3A_186 : vector<196x768xf32>
    %mul3A_188 = arith.mulf %convert_element_type3A_182, %logistic3A_187 : vector<196x768xf32>
    %mul3A_189 = arith.mulf %add3A_176, %mul3A_188 : vector<196x768xf32>
    %get3A_190 = arith.constant 0 : index
    %get3A_191 = arith.constant 0 : index
    %get3A_192 = vector.load %arg11[%get3A_190, %get3A_191] : memref<384x768xf32, #tpu.memory_space<vmem>>, vector<384x768xf32>
    %dot_general3A_193 = arith.constant dense<0.000000e+00> : vector<196x384xf32>
    %dot_general3A_194 = tpu.matmul %mul3A_189, %get3A_192, %dot_general3A_193 {dimension_numbers = #tpu.dot_dimension_numbers<[1], [1], [0], [0], [0, 0, 1, 0], [], []>, transpose_lhs_hint = false} : vector<196x768xf32>, vector<384x768xf32>, vector<196x384xf32> -> vector<196x384xf32>
    %swap3A = arith.constant 0 : index
    %swap3A_195 = arith.constant 0 : index
    %swap3A_196 = arith.constant 0 : index
    %swap3A_197 = vector.load %arg12[%swap3A, %swap3A_195, %swap3A_196] : memref<2x196x384xf32, #tpu.memory_space<vmem>>, vector<1x196x384xf32>
    %swap3A_198 = vector.shape_cast %swap3A_197 : vector<1x196x384xf32> to vector<196x384xf32>
    %swap3A_199 = vector.shape_cast %dot_general3A_194 : vector<196x384xf32> to vector<1x196x384xf32>
    tpu.vector_store %arg12[%swap3A, %swap3A_195, %swap3A_196], %swap3A_199 {strides = array<i32>} : memref<2x196x384xf32, #tpu.memory_space<vmem>>, vector<1x196x384xf32>,
    %get3A_200 = arith.constant 1 : index
    %get3A_201 = arith.constant 0 : index
    %get3A_202 = arith.constant 0 : index
    %get3A_203 = arith.constant 0 : index
    %get3A_204 = arith.constant 0 : index
    %get3A_205 = arith.constant 0 : index
    %get3A_206 = vector.load %arg1[%get3A_200, %get3A_201, %get3A_202, %get3A_203, %get3A_204, %get3A_205] : memref<2x4x2x25x8x128xf32, #tpu.memory_space<vmem>>, vector<1x1x1x25x8x128xf32>
    %get3A_207 = vector.shape_cast %get3A_206 : vector<1x1x1x25x8x128xf32> to vector<25x8x128xf32>
    %reshape3A_208 = vector.shape_cast %get3A_207 : vector<25x8x128xf32> to vector<200x128xf32>
    %slice3A_209 = vector.extract_strided_slice %reshape3A_208 {offsets = [0, 0], sizes = [196, 128], strides = [1, 1]} : vector<200x128xf32> to vector<196x128xf32>
    %get3A_210 = arith.constant 1 : index
    %get3A_211 = arith.constant 0 : index
    %get3A_212 = arith.constant 1 : index
    %get3A_213 = arith.constant 0 : index
    %get3A_214 = arith.constant 0 : index
    %get3A_215 = arith.constant 0 : index
    %get3A_216 = vector.load %arg1[%get3A_210, %get3A_211, %get3A_212, %get3A_213, %get3A_214, %get3A_215] : memref<2x4x2x25x8x128xf32, #tpu.memory_space<vmem>>, vector<1x1x1x25x8x128xf32>
    %get3A_217 = vector.shape_cast %get3A_216 : vector<1x1x1x25x8x128xf32> to vector<25x8x128xf32>
    %reshape3A_218 = vector.shape_cast %get3A_217 : vector<25x8x128xf32> to vector<200x128xf32>
    %slice3A_219 = vector.extract_strided_slice %reshape3A_218 {offsets = [0, 0], sizes = [196, 64], strides = [1, 1]} : vector<200x128xf32> to vector<196x64xf32>
    %get3A_220 = arith.constant 1 : index
    %get3A_221 = arith.constant 1 : index
    %get3A_222 = arith.constant 0 : index
    %get3A_223 = arith.constant 0 : index
    %get3A_224 = arith.constant 0 : index
    %get3A_225 = arith.constant 0 : index
    %get3A_226 = vector.load %arg1[%get3A_220, %get3A_221, %get3A_222, %get3A_223, %get3A_224, %get3A_225] : memref<2x4x2x25x8x128xf32, #tpu.memory_space<vmem>>, vector<1x1x1x25x8x128xf32>
    %get3A_227 = vector.shape_cast %get3A_226 : vector<1x1x1x25x8x128xf32> to vector<25x8x128xf32>
    %reshape3A_228 = vector.shape_cast %get3A_227 : vector<25x8x128xf32> to vector<200x128xf32>
    %slice3A_229 = vector.extract_strided_slice %reshape3A_228 {offsets = [0, 0], sizes = [196, 128], strides = [1, 1]} : vector<200x128xf32> to vector<196x128xf32>
    %get3A_230 = arith.constant 1 : index
    %get3A_231 = arith.constant 1 : index
    %get3A_232 = arith.constant 1 : index
    %get3A_233 = arith.constant 0 : index
    %get3A_234 = arith.constant 0 : index
    %get3A_235 = arith.constant 0 : index
    %get3A_236 = vector.load %arg1[%get3A_230, %get3A_231, %get3A_232, %get3A_233, %get3A_234, %get3A_235] : memref<2x4x2x25x8x128xf32, #tpu.memory_space<vmem>>, vector<1x1x1x25x8x128xf32>
    %get3A_237 = vector.shape_cast %get3A_236 : vector<1x1x1x25x8x128xf32> to vector<25x8x128xf32>
    %reshape3A_238 = vector.shape_cast %get3A_237 : vector<25x8x128xf32> to vector<200x128xf32>
    %slice3A_239 = vector.extract_strided_slice %reshape3A_238 {offsets = [0, 0], sizes = [196, 64], strides = [1, 1]} : vector<200x128xf32> to vector<196x64xf32>
    %get3A_240 = arith.constant 1 : index
    %get3A_241 = arith.constant 2 : index
    %get3A_242 = arith.constant 0 : index
    %get3A_243 = arith.constant 0 : index
    %get3A_244 = arith.constant 0 : index
    %get3A_245 = arith.constant 0 : index
    %get3A_246 = vector.load %arg1[%get3A_240, %get3A_241, %get3A_242, %get3A_243, %get3A_244, %get3A_245] : memref<2x4x2x25x8x128xf32, #tpu.memory_space<vmem>>, vector<1x1x1x25x8x128xf32>
    %get3A_247 = vector.shape_cast %get3A_246 : vector<1x1x1x25x8x128xf32> to vector<25x8x128xf32>
    %reshape3A_248 = vector.shape_cast %get3A_247 : vector<25x8x128xf32> to vector<200x128xf32>
    %slice3A_249 = vector.extract_strided_slice %reshape3A_248 {offsets = [0, 0], sizes = [196, 128], strides = [1, 1]} : vector<200x128xf32> to vector<196x128xf32>
    %get3A_250 = arith.constant 1 : index
    %get3A_251 = arith.constant 2 : index
    %get3A_252 = arith.constant 1 : index
    %get3A_253 = arith.constant 0 : index
    %get3A_254 = arith.constant 0 : index
    %get3A_255 = arith.constant 0 : index
    %get3A_256 = vector.load %arg1[%get3A_250, %get3A_251, %get3A_252, %get3A_253, %get3A_254, %get3A_255] : memref<2x4x2x25x8x128xf32, #tpu.memory_space<vmem>>, vector<1x1x1x25x8x128xf32>
    %get3A_257 = vector.shape_cast %get3A_256 : vector<1x1x1x25x8x128xf32> to vector<25x8x128xf32>
    %reshape3A_258 = vector.shape_cast %get3A_257 : vector<25x8x128xf32> to vector<200x128xf32>
    %slice3A_259 = vector.extract_strided_slice %reshape3A_258 {offsets = [0, 0], sizes = [196, 64], strides = [1, 1]} : vector<200x128xf32> to vector<196x64xf32>
    %get3A_260 = arith.constant 1 : index
    %get3A_261 = arith.constant 3 : index
    %get3A_262 = arith.constant 0 : index
    %get3A_263 = arith.constant 0 : index
    %get3A_264 = arith.constant 0 : index
    %get3A_265 = arith.constant 0 : index
    %get3A_266 = vector.load %arg1[%get3A_260, %get3A_261, %get3A_262, %get3A_263, %get3A_264, %get3A_265] : memref<2x4x2x25x8x128xf32, #tpu.memory_space<vmem>>, vector<1x1x1x25x8x128xf32>
    %get3A_267 = vector.shape_cast %get3A_266 : vector<1x1x1x25x8x128xf32> to vector<25x8x128xf32>
    %reshape3A_268 = vector.shape_cast %get3A_267 : vector<25x8x128xf32> to vector<200x128xf32>
    %slice3A_269 = vector.extract_strided_slice %reshape3A_268 {offsets = [0, 0], sizes = [196, 128], strides = [1, 1]} : vector<200x128xf32> to vector<196x128xf32>
    %get3A_270 = arith.constant 1 : index
    %get3A_271 = arith.constant 3 : index
    %get3A_272 = arith.constant 1 : index
    %get3A_273 = arith.constant 0 : index
    %get3A_274 = arith.constant 0 : index
    %get3A_275 = arith.constant 0 : index
    %get3A_276 = vector.load %arg1[%get3A_270, %get3A_271, %get3A_272, %get3A_273, %get3A_274, %get3A_275] : memref<2x4x2x25x8x128xf32, #tpu.memory_space<vmem>>, vector<1x1x1x25x8x128xf32>
    %get3A_277 = vector.shape_cast %get3A_276 : vector<1x1x1x25x8x128xf32> to vector<25x8x128xf32>
    %reshape3A_278 = vector.shape_cast %get3A_277 : vector<25x8x128xf32> to vector<200x128xf32>
    %slice3A_279 = vector.extract_strided_slice %reshape3A_278 {offsets = [0, 0], sizes = [196, 64], strides = [1, 1]} : vector<200x128xf32> to vector<196x64xf32>
    %concatenate3A_280 = tpu.concatenate %slice3A_209, %slice3A_219, %slice3A_229, %slice3A_239, %slice3A_249, %slice3A_259, %slice3A_269, %slice3A_279 in 1 : vector<196x128xf32>, vector<196x64xf32>, vector<196x128xf32>, vector<196x64xf32>, vector<196x128xf32>, vector<196x64xf32>, vector<196x128xf32>, vector<196x64xf32> -> vector<196x768xf32>
    %get3A_281 = arith.constant 1 : index
    %get3A_282 = arith.constant 0 : index
    %get3A_283 = arith.constant 0 : index
    %get3A_284 = vector.load %arg2[%get3A_281, %get3A_282, %get3A_283] : memref<2x1x196xi32, #tpu.memory_space<vmem>>, vector<1x1x196xi32>
    %get3A_285 = vector.shape_cast %get3A_284 : vector<1x1x196xi32> to vector<1x196xi32>
    %eq3A_286 = vector.broadcast %get3A_285 : vector<1x196xi32> to vector<196x196xi32>
    %eq3A_287 = vector.broadcast %iota3A : vector<196x1xi32> to vector<196x196xi32>
    %eq3A_288 = arith.cmpi eq, %eq3A_286, %eq3A_287 : vector<196x196xi32>
    %jit3A_289 = arith.constant -1 : i32
    %broadcast_in_dim3A_290 = vector.shape_cast %iota3A_0 : vector<1x196xi32> to vector<1x196xi32>
    %broadcast_in_dim3A_291 = vector.broadcast %broadcast_in_dim3A_290 : vector<1x196xi32> to vector<196x196xi32>
    %broadcast_in_dim3A_292 = vector.broadcast %jit3A_289 : i32 to vector<196x196xi32>
    %select_n3A_293 = arith.select %eq3A_288, %broadcast_in_dim3A_291, %broadcast_in_dim3A_292 : vector<196x196xi1>, vector<196x196xi32>
    %reduce_max3A_294 = arith.constant dense<-2147483648> : vector<196xi32>
    %reduce_max3A_295 = vector.multi_reduction <maxsi>, %select_n3A_293, %reduce_max3A_294 [1] : vector<196x196xi32> to vector<196xi32>
    %broadcast_in_dim3A_296 = vector.shape_cast %reduce_max3A_295 : vector<196xi32> to vector<196x1xi32>
    %eq3A_297 = vector.broadcast %broadcast_in_dim3A_296 : vector<196x1xi32> to vector<196x196xi32>
    %eq3A_298 = vector.broadcast %iota3A_0 : vector<1x196xi32> to vector<196x196xi32>
    %eq3A_299 = arith.cmpi eq, %eq3A_297, %eq3A_298 : vector<196x196xi32>
    %convert_element_type3A_300 = arith.extui %eq3A_299 : vector<196x196xi1> to vector<196x196xi32>
    %convert_element_type3A_301 = arith.sitofp %convert_element_type3A_300 : vector<196x196xi32> to vector<196x196xf32>
    %dot_general3A_302 = arith.constant dense<0.000000e+00> : vector<196x768xf32>
    %dot_general3A_303 = tpu.matmul %convert_element_type3A_301, %concatenate3A_280, %dot_general3A_302 {dimension_numbers = #tpu.dot_dimension_numbers<[1], [0], [0], [1], [0, 0, 1, 1], [], []>, transpose_lhs_hint = false} : vector<196x196xf32>, vector<196x768xf32>, vector<196x768xf32> -> vector<196x768xf32>
    %get3A_304 = arith.constant 0 : index
    %get3A_305 = arith.constant 0 : index
    %get3A_306 = vector.load %arg9[%get3A_304, %get3A_305] : memref<1x768xf32, #tpu.memory_space<vmem>>, vector<1x768xf32>
    %get3A_307 = arith.constant 0 : index
    %get3A_308 = arith.constant 0 : index
    %get3A_309 = vector.load %arg10[%get3A_307, %get3A_308] : memref<1x768xf32, #tpu.memory_space<vmem>>, vector<1x768xf32>
    %reduce_sum3A_310 = arith.constant dense<0.000000e+00> : vector<196xf32>
    %reduce_sum3A_311 = vector.multi_reduction <add>, %dot_general3A_303, %reduce_sum3A_310 [1] : vector<196x768xf32> to vector<196xf32>
    %broadcast_in_dim3A_312 = vector.shape_cast %reduce_sum3A_311 : vector<196xf32> to vector<196x1xf32>
    %div3A_313 = arith.constant 7.680000e+02 : f32
    %div3A_314 = vector.broadcast %div3A_313 : f32 to vector<196x1xf32>
    %div3A_315 = arith.divf %broadcast_in_dim3A_312, %div3A_314 : vector<196x1xf32>
    %sub3A_316 = vector.broadcast %div3A_315 : vector<196x1xf32> to vector<196x768xf32>
    %sub3A_317 = arith.subf %dot_general3A_303, %sub3A_316 : vector<196x768xf32>
    %sub3A_318 = vector.broadcast %div3A_315 : vector<196x1xf32> to vector<196x768xf32>
    %sub3A_319 = arith.subf %dot_general3A_303, %sub3A_318 : vector<196x768xf32>
    %mul3A_320 = arith.mulf %sub3A_317, %sub3A_319 : vector<196x768xf32>
    %reduce_sum3A_321 = arith.constant dense<0.000000e+00> : vector<196xf32>
    %reduce_sum3A_322 = vector.multi_reduction <add>, %mul3A_320, %reduce_sum3A_321 [1] : vector<196x768xf32> to vector<196xf32>
    %broadcast_in_dim3A_323 = vector.shape_cast %reduce_sum3A_322 : vector<196xf32> to vector<196x1xf32>
    %div3A_324 = arith.constant 7.680000e+02 : f32
    %div3A_325 = vector.broadcast %div3A_324 : f32 to vector<196x1xf32>
    %div3A_326 = arith.divf %broadcast_in_dim3A_323, %div3A_325 : vector<196x1xf32>
    %sub3A_327 = vector.broadcast %div3A_315 : vector<196x1xf32> to vector<196x768xf32>
    %sub3A_328 = arith.subf %dot_general3A_303, %sub3A_327 : vector<196x768xf32>
    %add3A_329 = arith.constant 9.99999974E-6 : f32
    %add3A_330 = vector.broadcast %add3A_329 : f32 to vector<196x1xf32>
    %add3A_331 = arith.addf %div3A_326, %add3A_330 : vector<196x1xf32>
    %rsqrt3A_332 = math.rsqrt %add3A_331 : vector<196x1xf32>
    %mul3A_333 = vector.broadcast %rsqrt3A_332 : vector<196x1xf32> to vector<196x768xf32>
    %mul3A_334 = arith.mulf %sub3A_328, %mul3A_333 : vector<196x768xf32>
    %mul3A_335 = vector.broadcast %get3A_306 : vector<1x768xf32> to vector<196x768xf32>
    %mul3A_336 = arith.mulf %mul3A_334, %mul3A_335 : vector<196x768xf32>
    %add3A_337 = vector.broadcast %get3A_309 : vector<1x768xf32> to vector<196x768xf32>
    %add3A_338 = arith.addf %mul3A_336, %add3A_337 : vector<196x768xf32>
    %get3A_339 = arith.constant 1 : index
    %get3A_340 = arith.constant 0 : index
    %get3A_341 = arith.constant 0 : index
    %get3A_342 = vector.load %arg3[%get3A_339, %get3A_340, %get3A_341] : memref<2x196x1xf32, #tpu.memory_space<vmem>>, vector<1x196x1xf32>
    %get3A_343 = vector.shape_cast %get3A_342 : vector<1x196x1xf32> to vector<196x1xf32>
    %mul3A_344 = vector.broadcast %get3A_343 : vector<196x1xf32> to vector<196x768xf32>
    %mul3A_345 = arith.mulf %add3A_338, %mul3A_344 : vector<196x768xf32>
    %get3A_346 = arith.constant 0 : index
    %get3A_347 = arith.constant 0 : index
    %get3A_348 = vector.load %arg6[%get3A_346, %get3A_347] : memref<1x768xf32, #tpu.memory_space<vmem>>, vector<1x768xf32>
    %get3A_349 = arith.constant 1 : index
    %get3A_350 = arith.constant 0 : index
    %get3A_351 = arith.constant 0 : index
    %get3A_352 = vector.load %arg4[%get3A_349, %get3A_350, %get3A_351] : memref<2x196x768xbf16, #tpu.memory_space<vmem>>, vector<1x196x768xbf16>
    %get3A_353 = vector.shape_cast %get3A_352 : vector<1x196x768xbf16> to vector<196x768xbf16>
    %convert_element_type3A_354 = arith.extf %get3A_353 : vector<196x768xbf16> to vector<196x768xf32>
    %mul3A_355 = vector.broadcast %get3A_348 : vector<1x768xf32> to vector<196x768xf32>
    %mul3A_356 = arith.mulf %mul3A_355, %convert_element_type3A_354 : vector<196x768xf32>
    %add3A_357 = arith.addf %mul3A_345, %mul3A_356 : vector<196x768xf32>
    %get3A_358 = arith.constant 0 : index
    %get3A_359 = arith.constant 0 : index
    %get3A_360 = vector.load %arg7[%get3A_358, %get3A_359] : memref<1x768xf32, #tpu.memory_space<vmem>>, vector<1x768xf32>
    %get3A_361 = arith.constant 0 : index
    %get3A_362 = arith.constant 0 : index
    %get3A_363 = vector.load %arg8[%get3A_361, %get3A_362] : memref<1x768xf32, #tpu.memory_space<vmem>>, vector<1x768xf32>
    %reduce_sum3A_364 = arith.constant dense<0.000000e+00> : vector<196xf32>
    %reduce_sum3A_365 = vector.multi_reduction <add>, %add3A_357, %reduce_sum3A_364 [1] : vector<196x768xf32> to vector<196xf32>
    %broadcast_in_dim3A_366 = vector.shape_cast %reduce_sum3A_365 : vector<196xf32> to vector<196x1xf32>
    %div3A_367 = arith.constant 7.680000e+02 : f32
    %div3A_368 = vector.broadcast %div3A_367 : f32 to vector<196x1xf32>
    %div3A_369 = arith.divf %broadcast_in_dim3A_366, %div3A_368 : vector<196x1xf32>
    %sub3A_370 = vector.broadcast %div3A_369 : vector<196x1xf32> to vector<196x768xf32>
    %sub3A_371 = arith.subf %add3A_357, %sub3A_370 : vector<196x768xf32>
    %sub3A_372 = vector.broadcast %div3A_369 : vector<196x1xf32> to vector<196x768xf32>
    %sub3A_373 = arith.subf %add3A_357, %sub3A_372 : vector<196x768xf32>
    %mul3A_374 = arith.mulf %sub3A_371, %sub3A_373 : vector<196x768xf32>
    %reduce_sum3A_375 = arith.constant dense<0.000000e+00> : vector<196xf32>
    %reduce_sum3A_376 = vector.multi_reduction <add>, %mul3A_374, %reduce_sum3A_375 [1] : vector<196x768xf32> to vector<196xf32>
    %broadcast_in_dim3A_377 = vector.shape_cast %reduce_sum3A_376 : vector<196xf32> to vector<196x1xf32>
    %div3A_378 = arith.constant 7.680000e+02 : f32
    %div3A_379 = vector.broadcast %div3A_378 : f32 to vector<196x1xf32>
    %div3A_380 = arith.divf %broadcast_in_dim3A_377, %div3A_379 : vector<196x1xf32>
    %sub3A_381 = vector.broadcast %div3A_369 : vector<196x1xf32> to vector<196x768xf32>
    %sub3A_382 = arith.subf %add3A_357, %sub3A_381 : vector<196x768xf32>
    %add3A_383 = arith.constant 9.99999974E-6 : f32
    %add3A_384 = vector.broadcast %add3A_383 : f32 to vector<196x1xf32>
    %add3A_385 = arith.addf %div3A_380, %add3A_384 : vector<196x1xf32>
    %rsqrt3A_386 = math.rsqrt %add3A_385 : vector<196x1xf32>
    %mul3A_387 = vector.broadcast %rsqrt3A_386 : vector<196x1xf32> to vector<196x768xf32>
    %mul3A_388 = arith.mulf %sub3A_382, %mul3A_387 : vector<196x768xf32>
    %mul3A_389 = vector.broadcast %get3A_360 : vector<1x768xf32> to vector<196x768xf32>
    %mul3A_390 = arith.mulf %mul3A_388, %mul3A_389 : vector<196x768xf32>
    %add3A_391 = vector.broadcast %get3A_363 : vector<1x768xf32> to vector<196x768xf32>
    %add3A_392 = arith.addf %mul3A_390, %add3A_391 : vector<196x768xf32>
    %get3A_393 = arith.constant 1 : index
    %get3A_394 = arith.constant 0 : index
    %get3A_395 = arith.constant 0 : index
    %get3A_396 = vector.load %arg5[%get3A_393, %get3A_394, %get3A_395] : memref<2x196x768xbf16, #tpu.memory_space<vmem>>, vector<1x196x768xbf16>
    %get3A_397 = vector.shape_cast %get3A_396 : vector<1x196x768xbf16> to vector<196x768xbf16>
    %convert_element_type3A_398 = arith.extf %get3A_397 : vector<196x768xbf16> to vector<196x768xf32>
    %logistic3A_399 = arith.negf %convert_element_type3A_398 : vector<196x768xf32>
    %logistic3A_400 = math.exp %logistic3A_399 : vector<196x768xf32>
    %logistic3A_401 = arith.constant 1.000000e+00 : f32
    %logistic3A_402 = vector.broadcast %logistic3A_401 : f32 to vector<196x768xf32>
    %logistic3A_403 = arith.addf %logistic3A_402, %logistic3A_400 : vector<196x768xf32>
    %logistic3A_404 = arith.divf %logistic3A_402, %logistic3A_403 : vector<196x768xf32>
    %mul3A_405 = arith.mulf %convert_element_type3A_398, %logistic3A_404 : vector<196x768xf32>
    %mul3A_406 = arith.mulf %add3A_392, %mul3A_405 : vector<196x768xf32>
    %get3A_407 = arith.constant 0 : index
    %get3A_408 = arith.constant 0 : index
    %get3A_409 = vector.load %arg11[%get3A_407, %get3A_408] : memref<384x768xf32, #tpu.memory_space<vmem>>, vector<384x768xf32>
    %dot_general3A_410 = arith.constant dense<0.000000e+00> : vector<196x384xf32>
    %dot_general3A_411 = tpu.matmul %mul3A_406, %get3A_409, %dot_general3A_410 {dimension_numbers = #tpu.dot_dimension_numbers<[1], [1], [0], [0], [0, 0, 1, 0], [], []>, transpose_lhs_hint = false} : vector<196x768xf32>, vector<384x768xf32>, vector<196x384xf32> -> vector<196x384xf32>
    %swap3A_412 = arith.constant 1 : index
    %swap3A_413 = arith.constant 0 : index
    %swap3A_414 = arith.constant 0 : index
    %swap3A_415 = vector.load %arg12[%swap3A_412, %swap3A_413, %swap3A_414] : memref<2x196x384xf32, #tpu.memory_space<vmem>>, vector<1x196x384xf32>
    %swap3A_416 = vector.shape_cast %swap3A_415 : vector<1x196x384xf32> to vector<196x384xf32>
    %swap3A_417 = vector.shape_cast %dot_general3A_411 : vector<196x384xf32> to vector<1x196x384xf32>
    tpu.vector_store %arg12[%swap3A_412, %swap3A_413, %swap3A_414], %swap3A_417 {strides = array<i32>} : memref<2x196x384xf32, #tpu.memory_space<vmem>>, vector<1x196x384xf32>,
    return
  }
  func.func @transform_0(%arg0: i32) -> (i32, i32, i32, i32, i32, i32) {
    %c0_i32 = arith.constant 0 : i32
    %c0_i32_0 = arith.constant 0 : i32
    %c0_i32_1 = arith.constant 0 : i32
    %c0_i32_2 = arith.constant 0 : i32
    %c0_i32_3 = arith.constant 0 : i32
    %c0_i32_4 = arith.constant 0 : i32
    return %arg0, %c0_i32, %c0_i32_0, %c0_i32_1, %c0_i32_2, %c0_i32_3 : i32, i32, i32, i32, i32, i32
  }
  func.func @transform_1(%arg0: i32) -> (i32, i32, i32) {
    %c0_i32 = arith.constant 0 : i32
    %c0_i32_0 = arith.constant 0 : i32
    %c0_i32_1 = arith.constant 0 : i32
    return %arg0, %c0_i32, %c0_i32_0 : i32, i32, i32
  }
  func.func @transform_2(%arg0: i32) -> (i32, i32, i32) {
    %c0_i32 = arith.constant 0 : i32
    %c0_i32_0 = arith.constant 0 : i32
    %c0_i32_1 = arith.constant 0 : i32
    return %arg0, %c0_i32, %c0_i32_0 : i32, i32, i32
  }
  func.func @transform_3(%arg0: i32) -> (i32, i32, i32) {
    %c0_i32 = arith.constant 0 : i32
    %c0_i32_0 = arith.constant 0 : i32
    %c0_i32_1 = arith.constant 0 : i32
    return %arg0, %c0_i32, %c0_i32_0 : i32, i32, i32
  }
  func.func @transform_4(%arg0: i32) -> (i32, i32, i32) {
    %c0_i32 = arith.constant 0 : i32
    %c0_i32_0 = arith.constant 0 : i32
    %c0_i32_1 = arith.constant 0 : i32
    return %arg0, %c0_i32, %c0_i32_0 : i32, i32, i32
  }
  func.func @transform_5(%arg0: i32) -> (i32, i32) {
    %c0_i32 = arith.constant 0 : i32
    %c0_i32_0 = arith.constant 0 : i32
    %c0_i32_1 = arith.constant 0 : i32
    return %c0_i32, %c0_i32_0 : i32, i32
  }
  func.func @transform_6(%arg0: i32) -> (i32, i32) {
    %c0_i32 = arith.constant 0 : i32
    %c0_i32_0 = arith.constant 0 : i32
    %c0_i32_1 = arith.constant 0 : i32
    return %c0_i32, %c0_i32_0 : i32, i32
  }
  func.func @transform_7(%arg0: i32) -> (i32, i32) {
    %c0_i32 = arith.constant 0 : i32
    %c0_i32_0 = arith.constant 0 : i32
    %c0_i32_1 = arith.constant 0 : i32
    return %c0_i32, %c0_i32_0 : i32, i32
  }
  func.func @transform_8(%arg0: i32) -> (i32, i32) {
    %c0_i32 = arith.constant 0 : i32
    %c0_i32_0 = arith.constant 0 : i32
    %c0_i32_1 = arith.constant 0 : i32
    return %c0_i32, %c0_i32_0 : i32, i32
  }
  func.func @transform_9(%arg0: i32) -> (i32, i32) {
    %c0_i32 = arith.constant 0 : i32
    %c0_i32_0 = arith.constant 0 : i32
    %c0_i32_1 = arith.constant 0 : i32
    return %c0_i32, %c0_i32_0 : i32, i32
  }
  func.func @transform_10(%arg0: i32) -> (i32, i32) {
    %c0_i32 = arith.constant 0 : i32
    %c0_i32_0 = arith.constant 0 : i32
    %c0_i32_1 = arith.constant 0 : i32
    return %c0_i32, %c0_i32_0 : i32, i32
  }
  func.func @transform_11(%arg0: i32) -> (i32, i32, i32) {
    %c0_i32 = arith.constant 0 : i32
    %c0_i32_0 = arith.constant 0 : i32
    %c0_i32_1 = arith.constant 0 : i32
    return %arg0, %c0_i32, %c0_i32_0 : i32, i32, i32
  }
}

</mosaic_0001>

<sc_bundles>
// kernel: kernel.5.cloned.1.call-start
scs
__scs_entry_jumppad:
0x0: {  	(pc) =	sbr.rel $0x88, $3  }
0x1: {  	(tag) =	ssettag $0x0;
	lr =	simm.s32 $0x1  }
0x2: {  	[smem:$0x3F91] =	sst lr;
	_ =	strace $0xD0000000  }
0x3: {  	_ = 	snop  }
0x4: {  	_ = 	snop  }
0x5: {  	_ = 	snop  }
0x6: {  	_ = 	snop  }
0x7: {  	_ = 	snop  }
__scs_overlays_trampoline_lowered:
0x8: {  	[smem:$0x3FA0] =	sst s0  }
0x9: {  	[smem:$0x3FA1] =	sst s1  }
0xa: {  	[smem:$0x3FA2] =	sst s2  }
0xb: {  	[smem:$0x3FA3] =	sst s3  }
0xc: {  	[smem:$0x3FA4] =	sst s4  }
0xd: {  	[smem:$0x3FA5] =	sst s5  }
0xe: {  	[smem:$0x3FA6] =	sst s6  }
0xf: {  	[smem:$0x3FA7] =	sst s7  }
0x10: {  	[smem:$0x3FA8] =	sst s8  }
0x11: {  	[smem:$0x3FA9] =	sst s9;
	s0 =	simm.s32 @!p0 $0x0  }
0x12: {  	s1 =	sld [smem:$0x3F8F];
	s0 =	simm.s32 @p0 $0x1  }
0x13: {  	[smem:$0x3FAA] =	sst s0;
	s0 =	simm.s32 @!p1 $0x0  }
0x14: {  	s2 =	sld [smem:$0x3F8E];
	s0 =	simm.s32 @p1 $0x1  }
0x15: {  	[smem:$0x3FAB] =	sst s0;
	s0 =	simm.s32 @!p2 $0x0  }
0x16: {  	s3 =	sld [smem:$0x3FDB];
	s0 =	simm.s32 @p2 $0x1  }
0x17: {  	s4 =	simm.s32 $0x1BF5;
	[smem:$0x3FAD] =	sst s0  }
0x18: {  	s0 =	sld [smem:$0x3F90];
	_ =	swait.ge [sflag:s4], $0x0  }
0x19: {  	s7 =	sld [smem:$0x3F91]  }
0x1a: {  	s8 =	sadd.s32 $0xFFFFE003, lr  }
0x1b: {  	s9 =	sadd.s32 $0xFFFFFEF7, lr;
	s5 =	simm.s32 $0xFFFFFFFF;
	p2 =	slt.u32 s8, $0xFFFFF086  }
0x1c: {  	p1 =	slt.u32 s9, $0xF7A;
	s5 =	simm.s32 @!p2 $0x0  }
0x1d: {  	s5 =	simm.s32 @p1 $0x1;
	p0 =	seq.s32 s7, s2  }
0x1e: {  	s7 =	smul.u32 @!p0 $0xF7A, s2;
	p2 =	seq.s32 @!p0 s5, $0x0  }
0x1f: {  	s9 =	smul.u32 $0xF7A, s1;
	s8 =	simm.s32 @!p0 $0x1BF5;
	p2 =	por !p2, p0  }
0x20: {  	[sflag:s8] =	ssyncset.s32 @!p0 $0xFFFFF086;
	s6 =	sadd.s32 @!p0 s3, s7;
	s7 =	simm.s32 @!p0 $0x108  }
0x21: {  	s3 =	sadd.s32 s3, s9;
	s6 =	sadd.s32 @!p0 $0x88, s6;
	s7 =	simm.s32 @p2 $0x1082  }
0x22: {  	[simem:s7], [sflag:s8] =	dma.local @!p0 [hbm:s6], $0xF7A  }
0x23: {  	s9 =	sor.u32 $0xD0000000, s2;
	s6 =	simm.s32 $0x108;
	_ =	swait.ge @!p0 [sflag:s8], $0x0  }
0x24: {  	s3 =	sadd.s32 $0x88, s3;
	s6 =	simm.s32 @!p1 $0x1082;
	[sflag:s4] =	ssyncset.s32 $0xFFFFF086  }
0x25: {  	[simem:s6], [sflag:s4] =	dma.local [hbm:s3], $0xF7A  }
0x26: {  	[smem:$0x3F91] =	sst s1;
	(tag) =	ssettag s2;
	_ =	strace s9  }
0x27: {  	s1 =	sld [smem:$0x3FA1]  }
0x28: {  	s2 =	sld [smem:$0x3FA2]  }
0x29: {  	s4 =	sld [smem:$0x3FA4]  }
0x2a: {  	p0 =	seq.s32 s5, $0x0;
	s5 =	sld [smem:$0x3FA5]  }
0x2b: {  	s6 =	sld [smem:$0x3FA6]  }
0x2c: {  	s7 =	sld [smem:$0x3FA7]  }
0x2d: {  	s3 =	simm.s32 $0x108;
	s8 =	sld [smem:$0x3FA8]  }
0x2e: {  	s3 =	simm.s32 @!p0 $0x1082;
	s9 =	sld [smem:$0x3FA9]  }
0x2f: {  	lr =	sadd.s32 s0, s3;
	s0 =	sld [smem:$0x3FA0]  }
0x30: {  	s3 =	sld [smem:$0x3FA3]  }
0x31: {  	[smem:$0x3FAC] =	sst s10  }
0x32: {  	s10 =	sld [smem:$0x3FAA];
	_ =	sdelay $0x3  }
0x33: {  	p0 =	seq.s32 s10, $0x1;
	s10 =	sld [smem:$0x3FAC];
	_ =	sdelay $0x3  }
0x34: {  	[smem:$0x3FAC] =	sst s10  }
0x35: {  	s10 =	sld [smem:$0x3FAB];
	_ =	sdelay $0x3  }
0x36: {  	p1 =	seq.s32 s10, $0x1;
	s10 =	sld [smem:$0x3FAC];
	_ =	sdelay $0x3  }
0x37: {  	[smem:$0x3FAC] =	sst s10  }
0x38: {  	s10 =	sld [smem:$0x3FAD]  }
0x39: {  	_ = 	snop;
	(pc) =	sbr.ind lr, $3  }
0x3a: {  	_ = 	snop  }
0x3b: {  	_ = 	snop  }
0x3c: {  	p2 =	seq.s32 s10, $0x1;
	s10 =	sld [smem:$0x3FAC]  }
0x3d: {  	_ =	shalt  }
0x3e: {  	_ =	shalt  }
0x3f: {  	_ =	shalt  }
0x40: {  	_ =	shalt  }
0x41: {  	_ =	shalt  }
0x42: {  	_ =	shalt  }
0x43: {  	_ =	shalt  }
0x44: {  	_ =	shalt  }
0x45: {  	_ =	shalt  }
0x46: {  	_ =	shalt  }
0x47: {  	_ =	shalt  }
0x48: {  	_ =	shalt  }
0x49: {  	_ =	shalt  }
0x4a: {  	_ =	shalt  }
0x4b: {  	_ =	shalt  }
0x4c: {  	_ =	shalt  }
0x4d: {  	_ =	shalt  }
0x4e: {  	_ =	shalt  }
0x4f: {  	_ =	shalt  }
0x50: {  	_ =	shalt  }
0x51: {  	_ =	shalt  }
0x52: {  	_ =	shalt  }
0x53: {  	_ =	shalt  }
0x54: {  	_ =	shalt  }
0x55: {  	_ =	shalt  }
0x56: {  	_ =	shalt  }
0x57: {  	_ =	shalt  }
0x58: {  	_ =	shalt  }
0x59: {  	_ =	shalt  }
0x5a: {  	_ =	shalt  }
0x5b: {  	_ =	shalt  }
0x5c: {  	_ =	shalt  }
0x5d: {  	_ =	shalt  }
0x5e: {  	_ =	shalt  }
0x5f: {  	_ =	shalt  }
0x60: {  	_ =	shalt  }
0x61: {  	_ =	shalt  }
0x62: {  	_ =	shalt  }
0x63: {  	_ =	shalt  }
0x64: {  	_ =	shalt  }
0x65: {  	_ =	shalt  }
0x66: {  	_ =	shalt  }
0x67: {  	_ =	shalt  }
0x68: {  	_ =	shalt  }
0x69: {  	_ =	shalt  }
0x6a: {  	_ =	shalt  }
0x6b: {  	_ =	shalt  }
0x6c: {  	_ =	shalt  }
0x6d: {  	_ =	shalt  }
0x6e: {  	_ =	shalt  }
0x6f: {  	_ =	shalt  }
0x70: {  	_ =	shalt  }
0x71: {  	_ =	shalt  }
0x72: {  	_ =	shalt  }
0x73: {  	_ =	shalt  }
0x74: {  	_ =	shalt  }
0x75: {  	_ =	shalt  }
0x76: {  	_ =	shalt  }
0x77: {  	_ =	shalt  }
0x78: {  	_ =	shalt  }
0x79: {  	_ =	shalt  }
0x7a: {  	_ =	shalt  }
0x7b: {  	_ =	shalt  }
0x7c: {  	_ =	shalt  }
0x7d: {  	_ =	shalt  }
0x7e: {  	_ =	shalt  }
0x7f: {  	_ =	shalt  }
0x80: {  	_ =	shalt  }
0x81: {  	_ =	shalt  }
0x82: {  	_ =	shalt  }
0x83: {  	_ =	shalt  }
0x84: {  	_ =	shalt  }
0x85: {  	_ =	shalt  }
0x86: {  	_ =	shalt  }
0x87: {  	_ =	shalt  }
.Lfunc_end0:
.L_simem_size_0:
called_computation_lowered:
.L_overlay_start_0:
0x88: {  	s2 =	sld [smem:$0x3FD9]  }
0x89: {  	s3 =	sld [smem:$0x3FFE];
	_ =	sdelay $0x1  }
0x8a: {  	s1 =	srdreg.scid  }
0x8b: {  	s0 =	sand.u32 $0x1, s1  }
0x8c: {  	s17 =	sshll.u32 s0, $0xA;
	s2 =	sadd.s32 s3, s2  }
0x8d: {  	s2 =	sadd.s32 s2, s17  }
0x8e: {  	[smem:$0x3FB8] =	sst s2  }
0x8f: {  	_ = 	snop  }
0x90: {  	s2 =	sld [smem:$0x3FD0];
	(tm) =	ssettm $0x1  }
0x91: {  	s18 =	sld [smem:$0x3FFB];
	_ =	sdelay $0x3  }
0x92: {  	_ =	strace s18  }
0x93: {  	s3 =	sld [smem:$0x3FFC];
	_ =	sdelay $0x3  }
0x94: {  	_ =	strace s3  }
0x95: {  	s3 =	sld [smem:$0x3FFD];
	_ =	sdelay $0x3  }
0x96: {  	_ =	strace s3  }
0x97: {  	_ =	strace $0x8FFFFFFF  }
0x98: {  	s19 =	sld [smem:$0x3FDB];
	_ =	sdelay $0x1  }
0x99: {  	s4 =	simm.s32 $_scs_section_size  }
0x9a: {  	s5 =	simm.s32 $_size__tile_overlayer_lowered;
	s6 =	simm.s32 $_tile_overlayer_lowered  }
0x9b: {  	s22 =	simm.s32 $0x1BFF;
	s21 =	sshll.u32 s6, $0x1;
	s3 =	sadd.s32 s4, s19  }
0x9c: {  	s7 =	simm.s32 $0x0;
	s20 =	sshll.u32 s5, $0x1;
	s5 =	sadd.s32 s21, s3  }
0x9d: {  	[timem:s7], [sflag:s22] =	dma.local [hbm:s5], s20  }
0x9e: {  	_ =	swait.ge [sflag:s22], s20  }
0x9f: {  	s4 =	ssub.s32 $0x0, s20;
	[sflag:s22] =	ssyncset.done $0x0  }
0xa0: {  	[sflag:s22] =	ssyncadd.s32 s4;
	_ =	sdelay $0x1  }
0xa1: {  	s23 =	simm.s32 $0x1B8B  }
0xa2: {  	_ =	swait.ge [sflag:s23], $0x1  }
0xa3: {  	[sflag:s23] =	ssyncset.done $0x0  }
0xa4: {  	s25 =	simm.s32 $0x1B8E;
	s24 =	sld [smem:$0x3FFE];
	[sflag:s23] =	ssyncadd.s32 $0xFFFFFFFF  }
0xa5: {  	s26 =	simm.s32 $execute0_lowered;
	[smem:$0x3FD2] =	sst s25  }
0xa6: {  	s5 =	sshll.u32 s26, $0x1;
	_ =	strace $0x80000046;
	[dreg:$0x1] =	wrdreg $0xFFFFFFFF  }
0xa7: {  	s28 =	simm.s32 $_size_execute0_lowered;
	s3 =	sadd.s32 s3, s5;
	[dreg:$0x0] =	wrdreg $0x0  }
0xa8: {  	s5 =	sshll.u32 s28, $0x1;
	[dreg:$0x2] =	wrdreg s3  }
0xa9: {  	[dreg:$0x3] =	wrdreg s5  }
0xaa: {  	[dreg:$0x4] =	wrdreg $0xC0  }
0xab: {  	_ =	task [dreg:s7], $0x5FFFF  }
0xac: {  	[dreg:$0x1] =	wrdreg $0xFFFFFFFF  }
0xad: {  	[dreg:$0x0] =	wrdreg $0x60  }
0xae: {  	[dreg:$0x2] =	wrdreg s24  }
0xaf: {  	[dreg:$0x3] =	wrdreg s2  }
0xb0: {  	[dreg:$0x4] =	wrdreg $0x9  }
0xb1: {  	_ =	task.clear_ibuf [dreg:s7], $0x5FFFF;
	_ =	strace $0x90000046  }
0xb2: {  	s29 =	simm.s32 $0x9;
	_ =	strace $0x80000048  }
0xb3: {  	_ =	swait.ge [sflag:s29], $0x1  }
0xb4: {  	[sflag:s29] =	ssyncadd.s32 $0xFFFFFFFF  }
0xb5: {  	_ =	strace $0x90000048  }
0xb6: {  	_ =	sfence  }
0xb7: {  	s30 =	sld [smem:$0x0];
	_ =	sdelay $0x2  }
0xb8: {  	s31 =	sshll.u32 s1, $0xD;
	s1 =	sshrl.u32 s1, $0x2  }
0xb9: {  	s3 =	sand.u32 $0x4000, s31;
	s1 =	sadd.s32 s1, s30  }
0xba: {  	s0 =	sor.u32 s3, s0;
	s1 =	sshll.u32 s1, $0x11  }
0xbb: {  	s0 =	sor.u32 s1, s0  }
0xbc: {  	s0 =	sadd.s32 $0x8F2B, s0  }
0xbd: {  	[sflag:s0] =	ssyncadd.remote.s32 $0x1  }
0xbe: {  	_ =	sfence.sel $0xFFFF  }
0xbf: {  	[dreg:$0x0] =	wrdreg $0xFFFFFFFF;
	(pc) =	sbr.abs _section_cstart, $3  }
0xc0: {  	[dreg:$0x1] =	wrdreg $0xFFFFFFFF  }
0xc1: {  	_ =	task.clear_ibuf [dreg:s7], $0x2FFFF;
	_ =	strace $0x9FFFFFFF  }
0xc2: {  	(tm) =	ssettm $0x7FFFFFFF  }
0xc3: {  	_ =	shalt  }
tec
execute0_lowered:
.L_overlay_start_1:
0x0: {  	(tag) =	ssettag $0x1  }
0x1: {  	s0 =	stileid.u32  }
0x2: {  	s1 =	srdreg.scid;
	s8 =	rddreg [dreg:$0x0]  }
0x3: {  	s3 =	simm.s32 $0x0;
	s2 =	sshll.u32 s0, $0x1;
	s6 =	sshrl.u32 s0, $0x2  }
0x4: {  	s4 =	sand.u32 $0x1, s1;
	s24 =	sand.u32 $0x6, s2;
	s9 =	smul.u32 $0x12C00, s6  }
0x5: {  	s1 =	rddreg [dreg:$0x2];
	s6 =	smul.u32 $0xC800, s6;
	s5 =	sor.u32 s4, s24  }
0x6: {  	[smem:$0x7FF] =	sst s3;
	s25 =	sand.u32 $0x3, s0;
	s7 =	smul.u32 $0x4B000, s5  }
0x7: {  	s2 =	rddreg [dreg:$0x1];
	s26 =	ssub.s32 $0x2, s4;
	s10 =	smul.u32 $0x32000, s5  }
0x8: {  	_ =	strace $0x80000047;
	s11 =	smul.u32 $0xC4, s4;
	s29 =	sshrl.u32 s26, $0x1  }
0x9: {  	v1 =	vlaneseq.u32;
	s5 =	smul.u32 $0xC4, s5;
	s7 =	sadd.s32 s9, s7;
	s6 =	sadd.s32 s6, s10  }
0xa: {  	v2 =	vimm.s32 $0x0;
	v3 =	vor.u32 $0x10, v1;
	s9 =	smul.u32 $0x188, s25;
	s10 =	simm.s32 $0x0;
	s7 =	sshrl.u32 s7, $0x3  }
0xb: {  	v4 =	vor.u32 $0x20, v1;
	v5 =	vor.u32 $0x30, v1;
	v6 =	vor.u32 $0x40, v1;
	s28 =	sshrl.u32 s6, $0x3;
	s6 =	ssub.s32 s26, s29;
	s30 =	sadd.s32 s7, s8  }
0xc: {  	v7 =	vor.u32 $0x50, v1;
	v8 =	vor.u32 $0x60, v1;
	v0 =	vmov s5;
	s5 =	sadd.s32 s28, s8;
	s31 =	sadd.s32 s11, s9;
	s6 =	smax.u32 s6, $0x1  }
0xd: {  	v9 =	vor.u32 $0x70, v1;
	v10 =	vor.u32 $0x6400, v1;
	v11 =	vor.u32 $0x6410, v1;
	s7 =	simm.s32 $0x1;
	s8 =	simm.s32 $0x1F400;
	s9 =	simm.s32 $0x12C00  }
0xe: {  	v12 =	vor.u32 $0x6420, v1;
	v13 =	vor.u32 $0x6430, v1;
	v0 =	vbroadcast v0, $0x0;
	s4 =	sadd.s32 $0x2400, s30;
	s5 =	sadd.s32 $0x4D400, s5;
	[dreg:$0x3] =	wrdreg s31  }
.LBB2_1:
0xf: {  	[tilespmem:s3], [sflag:$0x1] =	stream.linear.gather [hbm4b:s4+s3], $0x12C00, $0x38;
	[tilespmem:$0x1FA20] =	vst v63  }
0x10: {  	_ =	swait.ge [sflag:s7], $0x12C00  }
0x11: {  	[sflag:s7] =	ssyncset.done $0x0  }
0x12: {  	[sflag:s7] =	ssyncadd.s32 $0xFFFED400  }
0x13: {  	[tilespmem:s8], [sflag:$0x1] =	stream.linear.gather [hbm4b:s2+s3], $0x620, $0x38;
	[tilespmem:$0x1FA20] =	vst v63  }
0x14: {  	_ =	swait.ge [sflag:s7], $0x620  }
0x15: {  	[sflag:s7] =	ssyncset.done $0x0  }
0x16: {  	[sflag:s7] =	ssyncadd.s32 $0xFFFFF9E0  }
0x17: {  	v14 =	vld.idx.msk [tilespmem:v0+s8+$0x0], $0xffff;
	_ =	sdelay $0x2  }
0x18: {  	s11 =	simm.s32 $0x180  }
0x19: {  	s12 =	simm.s32 $0x12C40;
	s13 =	simm.s32 $0x40;
	s14 =	simm.s32 $0x0  }
.LBB2_2:
0x1a: {  	vm0 =	vgt.s32 v14, $0x0  }
0x1b: {  	v15 =	vnsel vm0, $0x0, v14  }
0x1c: {  	v16 =	vand.u32 $0x7, v15  }
0x1d: {  	vm11 =	vlt.s32 v14, $0x1;
	vm1 =	vne.s32 v16, $0x0  }
0x1e: {  	vm0 =	vmand vm11, vm1  }
0x1f: {  	s15 =	rddreg [dreg:$0x3];
	v15 =	vshrl.u32 v15, $0x3;
	v17 =	vsel vm0, $0xFFFFFFFF, v2  }
0x20: {  	s18 =	sadd.s32 s14, s15;
	v15 =	vadd.s32 v17, v15  }
0x21: {  	s15 =	sadd.s32 $0x1, s18;
	v16 =	vshll.u32 v16, $0x7;
	v15 =	vshll.u32 v15, $0xA  }
0x22: {  	s16 =	sadd.s32 $0xFFFFFE80, s11;
	v59 =	vmov s15;
	v16 =	vor.u32 v16, v15  }
0x23: {  	s15 =	sand.u32 $0x7C00, s16;
	v18 =	vor.u32 v1, v16  }
0x24: {  	s20 =	sand.u32 $0x200, s16;
	s31 =	sadd.s32 $0x6400, s15;
	v19 =	vor.u32 v3, v16  }
0x25: {  	v28 =	vld [tilespmem:s13+$0xFFFFFFC0];
	s19 =	sor.u32 s20, s31;
	v20 =	vor.u32 v4, v16  }
0x26: {  	v26 =	vld [tilespmem:s19+$0x40];
	v21 =	vor.u32 v5, v16  }
0x27: {  	v15 =	vld.idx.msk [tilespmem:v59+s8+$0x0], $0xffff;
	v60 =	vor.u32 v6, v16  }
0x28: {  	v22 =	vor.u32 v7, v16;
	v18 =	vld.idx.msk [tilespmem:v18+s9+$0x0], $0xffff  }
0x29: {  	v23 =	vor.u32 v8, v16;
	v19 =	vld.idx.msk [tilespmem:v19+s9+$0x0], $0xffff  }
0x2a: {  	v24 =	vor.u32 v9, v16;
	v20 =	vld.idx.msk [tilespmem:v20+s9+$0x0], $0xffff  }
0x2b: {  	v25 =	vadd.s32 v10, v16;
	v21 =	vld.idx.msk [tilespmem:v21+s9+$0x0], $0xffff  }
0x2c: {  	vm12 =	vgt.s32 v14, $0xFFFFFFFF;
	vm13 =	vlt.s32 v14, s14;
	v27 =	vadd.s32 v11, v16;
	v17 =	vld.idx.msk [tilespmem:v60+s9+$0x0], $0xffff  }
0x2d: {  	vm0 =	vmand vm12, vm13;
	v14 =	vadd.s32 v12, v16;
	v22 =	vld.idx.msk [tilespmem:v22+s9+$0x0], $0xffff  }
0x2e: {  	v16 =	vadd.s32 v13, v16;
	v23 =	vld.idx.msk [tilespmem:v23+s9+$0x0], $0xffff;
	v18 =	vnsel vm0, $0x0, v18  }
0x2f: {  	v24 =	vld.idx.msk [tilespmem:v24+s9+$0x0], $0xffff;
	v18 =	vmul.f32 v26, v18  }
0x30: {  	v25 =	vld.idx.msk [tilespmem:v25+s9+$0x0], $0xffff  }
0x31: {  	v61 =	vld.idx.msk [tilespmem:v27+s9+$0x0], $0xffff;
	v18 =	vadd.f32 v18, v28  }
0x32: {  	v14 =	vld.idx.msk [tilespmem:v14+s9+$0x0], $0xffff  }
0x33: {  	v16 =	vld.idx.msk [tilespmem:v16+s9+$0x0], $0xffff;
	[tilespmem:s12+$0xFFFFFFC0] =	vst v18  }
0x34: {  	v18 =	vld [tilespmem:s19+$0x50];
	_ =	sdelay $0x1  }
0x35: {  	v62 =	vld [tilespmem:s13+$0xFFFFFFD0];
	_ =	sdelay $0x1  }
0x36: {  	v19 =	vnsel vm0, $0x0, v19  }
0x37: {  	v18 =	vmul.f32 v18, v19;
	_ =	sdelay $0x1  }
0x38: {  	v18 =	vadd.f32 v18, v62;
	_ =	sdelay $0x1  }
0x39: {  	[tilespmem:s12+$0xFFFFFFD0] =	vst v18  }
0x3a: {  	v18 =	vld [tilespmem:s19+$0x60];
	_ =	sdelay $0x1  }
0x3b: {  	v63 =	vld [tilespmem:s13+$0xFFFFFFE0];
	_ =	sdelay $0x1  }
0x3c: {  	v20 =	vnsel vm0, $0x0, v20  }
0x3d: {  	v18 =	vmul.f32 v18, v20;
	_ =	sdelay $0x1  }
0x3e: {  	v18 =	vadd.f32 v18, v63;
	_ =	sdelay $0x1  }
0x3f: {  	[tilespmem:s12+$0xFFFFFFE0] =	vst v18  }
0x40: {  	v18 =	vld [tilespmem:s19+$0x70];
	_ =	sdelay $0x1  }
0x41: {  	v27 =	vld [tilespmem:s13+$0xFFFFFFF0];
	_ =	sdelay $0x1  }
0x42: {  	v28 =	vnsel vm0, $0x0, v21  }
0x43: {  	v18 =	vmul.f32 v18, v28;
	_ =	sdelay $0x1  }
0x44: {  	v18 =	vadd.f32 v18, v27  }
0x45: {  	s17 =	sadd.s32 $0xC800, s15  }
0x46: {  	s20 =	sor.u32 s20, s17;
	[tilespmem:s12+$0xFFFFFFF0] =	vst v18  }
0x47: {  	v18 =	vld [tilespmem:s20+$0x0];
	_ =	sdelay $0x1  }
0x48: {  	v29 =	vld [tilespmem:s13+$0x0];
	_ =	sdelay $0x1  }
0x49: {  	v17 =	vnsel vm0, $0x0, v17  }
0x4a: {  	v17 =	vmul.f32 v18, v17;
	_ =	sdelay $0x1  }
0x4b: {  	v17 =	vadd.f32 v17, v29;
	_ =	sdelay $0x1  }
0x4c: {  	[tilespmem:s12+$0x0] =	vst v17  }
0x4d: {  	v17 =	vld [tilespmem:s20+$0x10];
	_ =	sdelay $0x1  }
0x4e: {  	v30 =	vld [tilespmem:s13+$0x10];
	_ =	sdelay $0x1  }
0x4f: {  	v31 =	vnsel vm0, $0x0, v22  }
0x50: {  	v17 =	vmul.f32 v17, v31;
	_ =	sdelay $0x1  }
0x51: {  	v17 =	vadd.f32 v17, v30;
	_ =	sdelay $0x1  }
0x52: {  	[tilespmem:s12+$0x10] =	vst v17  }
0x53: {  	v17 =	vld [tilespmem:s20+$0x20];
	_ =	sdelay $0x1  }
0x54: {  	v32 =	vld [tilespmem:s13+$0x20];
	_ =	sdelay $0x1  }
0x55: {  	v33 =	vnsel vm0, $0x0, v23  }
0x56: {  	v17 =	vmul.f32 v17, v33;
	_ =	sdelay $0x1  }
0x57: {  	v17 =	vadd.f32 v17, v32;
	_ =	sdelay $0x1  }
0x58: {  	[tilespmem:s12+$0x20] =	vst v17  }
0x59: {  	v17 =	vld [tilespmem:s20+$0x30];
	_ =	sdelay $0x1  }
0x5a: {  	v34 =	vld [tilespmem:s13+$0x30];
	_ =	sdelay $0x1  }
0x5b: {  	v35 =	vnsel vm0, $0x0, v24  }
0x5c: {  	v17 =	vmul.f32 v17, v35;
	_ =	sdelay $0x1  }
0x5d: {  	v17 =	vadd.f32 v17, v34;
	_ =	sdelay $0x1  }
0x5e: {  	[tilespmem:s12+$0x30] =	vst v17  }
0x5f: {  	v17 =	vld [tilespmem:s20+$0x40];
	_ =	sdelay $0x1  }
0x60: {  	v36 =	vld [tilespmem:s19+$0x0];
	_ =	sdelay $0x1  }
0x61: {  	v37 =	vnsel vm0, $0x0, v25  }
0x62: {  	v17 =	vmul.f32 v17, v37;
	_ =	sdelay $0x1  }
0x63: {  	v17 =	vadd.f32 v17, v36;
	_ =	sdelay $0x1  }
0x64: {  	[tilespmem:s19+$0x12C00] =	vst v17  }
0x65: {  	v17 =	vld [tilespmem:s20+$0x50];
	_ =	sdelay $0x1  }
0x66: {  	v38 =	vld [tilespmem:s19+$0x10];
	_ =	sdelay $0x1  }
0x67: {  	v39 =	vnsel vm0, $0x0, v61  }
0x68: {  	v17 =	vmul.f32 v17, v39;
	_ =	sdelay $0x1  }
0x69: {  	v17 =	vadd.f32 v17, v38;
	_ =	sdelay $0x1  }
0x6a: {  	[tilespmem:s19+$0x12C10] =	vst v17  }
0x6b: {  	v17 =	vld [tilespmem:s20+$0x60];
	_ =	sdelay $0x1  }
0x6c: {  	v40 =	vld [tilespmem:s19+$0x20];
	_ =	sdelay $0x1  }
0x6d: {  	v14 =	vnsel vm0, $0x0, v14  }
0x6e: {  	v14 =	vmul.f32 v17, v14;
	_ =	sdelay $0x1  }
0x6f: {  	v14 =	vadd.f32 v14, v40;
	_ =	sdelay $0x1  }
0x70: {  	vm14 =	vgt.s32 v15, $0x0;
	[tilespmem:s19+$0x12C20] =	vst v14  }
0x71: {  	v41 =	vnsel vm14, $0x0, v15;
	v42 =	vld [tilespmem:s20+$0x70]  }
0x72: {  	v14 =	vand.u32 $0x7, v41  }
0x73: {  	vm15 =	vlt.s32 v15, $0x1;
	v43 =	vld [tilespmem:s19+$0x30];
	vm2 =	vne.s32 v14, $0x0  }
0x74: {  	vm1 =	vmand vm15, vm2  }
0x75: {  	s22 =	sadd.s32 $0x2, s18;
	v16 =	vnsel vm0, $0x0, v16;
	v17 =	vshrl.u32 v41, $0x3;
	v44 =	vsel vm1, $0xFFFFFFFF, v2  }
0x76: {  	v45 =	vmov s22;
	v17 =	vadd.s32 v44, v17;
	v16 =	vmul.f32 v42, v16  }
0x77: {  	v14 =	vshll.u32 v14, $0x7;
	v17 =	vshll.u32 v17, $0xA  }
0x78: {  	v17 =	vor.u32 v14, v17;
	v14 =	vadd.f32 v16, v43  }
0x79: {  	s23 =	sadd.s32 $0xFFFFFF00, s11;
	v46 =	vor.u32 v1, v17  }
0x7a: {  	s24 =	sand.u32 $0x280, s23;
	v47 =	vor.u32 v3, v17;
	[tilespmem:s19+$0x12C30] =	vst v14  }
0x7b: {  	v48 =	vor.u32 v4, v17;
	s19 =	sor.u32 s24, s31;
	v14 =	vld.idx.msk [tilespmem:v45+s8+$0x0], $0xffff  }
0x7c: {  	s22 =	sor.u32 s15, s24;
	v49 =	vor.u32 v5, v17;
	v55 =	vld [tilespmem:s19+$0x40]  }
0x7d: {  	v50 =	vor.u32 v6, v17;
	v57 =	vld [tilespmem:s22+$0x0]  }
0x7e: {  	v51 =	vor.u32 v7, v17;
	v20 =	vld.idx.msk [tilespmem:v46+s9+$0x0], $0xffff  }
0x7f: {  	v52 =	vor.u32 v8, v17;
	v16 =	vld.idx.msk [tilespmem:v47+s9+$0x0], $0xffff  }
0x80: {  	v53 =	vor.u32 v9, v17;
	v19 =	vld.idx.msk [tilespmem:v48+s9+$0x0], $0xffff  }
0x81: {  	s21 =	sadd.s32 $0x1, s14;
	v54 =	vadd.s32 v10, v17;
	v21 =	vld.idx.msk [tilespmem:v49+s9+$0x0], $0xffff  }
0x82: {  	vm4 =	vgt.s32 v15, $0xFFFFFFFF;
	vm5 =	vlt.s32 v15, s21;
	v56 =	vadd.s32 v11, v17;
	v18 =	vld.idx.msk [tilespmem:v50+s9+$0x0], $0xffff  }
0x83: {  	vm0 =	vmand vm4, vm5;
	v15 =	vadd.s32 v12, v17;
	v22 =	vld.idx.msk [tilespmem:v51+s9+$0x0], $0xffff  }
0x84: {  	v17 =	vadd.s32 v13, v17;
	v23 =	vld.idx.msk [tilespmem:v52+s9+$0x0], $0xffff;
	v20 =	vnsel vm0, $0x0, v20  }
0x85: {  	v24 =	vld.idx.msk [tilespmem:v53+s9+$0x0], $0xffff;
	v20 =	vmul.f32 v55, v20  }
0x86: {  	v25 =	vld.idx.msk [tilespmem:v54+s9+$0x0], $0xffff  }
0x87: {  	v58 =	vld.idx.msk [tilespmem:v56+s9+$0x0], $0xffff;
	v20 =	vadd.f32 v20, v57  }
0x88: {  	v15 =	vld.idx.msk [tilespmem:v15+s9+$0x0], $0xffff  }
0x89: {  	v17 =	vld.idx.msk [tilespmem:v17+s9+$0x0], $0xffff;
	[tilespmem:s22+$0x12C00] =	vst v20  }
0x8a: {  	v20 =	vld [tilespmem:s19+$0x50];
	_ =	sdelay $0x1  }
0x8b: {  	v59 =	vld [tilespmem:s22+$0x10];
	_ =	sdelay $0x1  }
0x8c: {  	v16 =	vnsel vm0, $0x0, v16  }
0x8d: {  	v16 =	vmul.f32 v20, v16;
	_ =	sdelay $0x1  }
0x8e: {  	v16 =	vadd.f32 v16, v59;
	_ =	sdelay $0x1  }
0x8f: {  	[tilespmem:s22+$0x12C10] =	vst v16  }
0x90: {  	v16 =	vld [tilespmem:s19+$0x60];
	_ =	sdelay $0x1  }
0x91: {  	v60 =	vld [tilespmem:s22+$0x20];
	_ =	sdelay $0x1  }
0x92: {  	v19 =	vnsel vm0, $0x0, v19  }
0x93: {  	v16 =	vmul.f32 v16, v19;
	_ =	sdelay $0x1  }
0x94: {  	v16 =	vadd.f32 v16, v60;
	_ =	sdelay $0x1  }
0x95: {  	[tilespmem:s22+$0x12C20] =	vst v16  }
0x96: {  	v16 =	vld [tilespmem:s19+$0x70];
	_ =	sdelay $0x1  }
0x97: {  	v61 =	vld [tilespmem:s22+$0x30];
	_ =	sdelay $0x1  }
0x98: {  	v62 =	vnsel vm0, $0x0, v21  }
0x99: {  	v16 =	vmul.f32 v16, v62;
	_ =	sdelay $0x1  }
0x9a: {  	v16 =	vadd.f32 v16, v61;
	_ =	sdelay $0x1  }
0x9b: {  	s20 =	sor.u32 s24, s17;
	[tilespmem:s22+$0x12C30] =	vst v16  }
0x9c: {  	v16 =	vld [tilespmem:s20+$0x0];
	_ =	sdelay $0x1  }
0x9d: {  	v63 =	vld [tilespmem:s22+$0x40];
	_ =	sdelay $0x1  }
0x9e: {  	v18 =	vnsel vm0, $0x0, v18  }
0x9f: {  	v16 =	vmul.f32 v16, v18;
	_ =	sdelay $0x1  }
0xa0: {  	v16 =	vadd.f32 v16, v63;
	_ =	sdelay $0x1  }
0xa1: {  	[tilespmem:s22+$0x12C40] =	vst v16  }
0xa2: {  	v16 =	vld [tilespmem:s20+$0x10];
	_ =	sdelay $0x1  }
0xa3: {  	v21 =	vld [tilespmem:s22+$0x50];
	_ =	sdelay $0x1  }
0xa4: {  	v27 =	vnsel vm0, $0x0, v22  }
0xa5: {  	v16 =	vmul.f32 v16, v27;
	_ =	sdelay $0x1  }
0xa6: {  	v16 =	vadd.f32 v16, v21;
	_ =	sdelay $0x1  }
0xa7: {  	[tilespmem:s22+$0x12C50] =	vst v16  }
0xa8: {  	v16 =	vld [tilespmem:s20+$0x20];
	_ =	sdelay $0x1  }
0xa9: {  	v28 =	vld [tilespmem:s22+$0x60];
	_ =	sdelay $0x1  }
0xaa: {  	v29 =	vnsel vm0, $0x0, v23  }
0xab: {  	v16 =	vmul.f32 v16, v29;
	_ =	sdelay $0x1  }
0xac: {  	v16 =	vadd.f32 v16, v28;
	_ =	sdelay $0x1  }
0xad: {  	[tilespmem:s22+$0x12C60] =	vst v16  }
0xae: {  	v16 =	vld [tilespmem:s20+$0x30];
	_ =	sdelay $0x1  }
0xaf: {  	v30 =	vld [tilespmem:s22+$0x70];
	_ =	sdelay $0x1  }
0xb0: {  	v31 =	vnsel vm0, $0x0, v24  }
0xb1: {  	v16 =	vmul.f32 v16, v31;
	_ =	sdelay $0x1  }
0xb2: {  	v16 =	vadd.f32 v16, v30;
	_ =	sdelay $0x1  }
0xb3: {  	[tilespmem:s22+$0x12C70] =	vst v16  }
0xb4: {  	v16 =	vld [tilespmem:s20+$0x40];
	_ =	sdelay $0x1  }
0xb5: {  	v32 =	vld [tilespmem:s19+$0x0];
	_ =	sdelay $0x1  }
0xb6: {  	v33 =	vnsel vm0, $0x0, v25  }
0xb7: {  	v16 =	vmul.f32 v16, v33;
	_ =	sdelay $0x1  }
0xb8: {  	v16 =	vadd.f32 v16, v32;
	_ =	sdelay $0x1  }
0xb9: {  	[tilespmem:s19+$0x12C00] =	vst v16  }
0xba: {  	v16 =	vld [tilespmem:s20+$0x50];
	_ =	sdelay $0x1  }
0xbb: {  	v34 =	vld [tilespmem:s19+$0x10];
	_ =	sdelay $0x1  }
0xbc: {  	v35 =	vnsel vm0, $0x0, v58  }
0xbd: {  	v16 =	vmul.f32 v16, v35;
	_ =	sdelay $0x1  }
0xbe: {  	v16 =	vadd.f32 v16, v34;
	_ =	sdelay $0x1  }
0xbf: {  	[tilespmem:s19+$0x12C10] =	vst v16  }
0xc0: {  	v16 =	vld [tilespmem:s20+$0x60];
	_ =	sdelay $0x1  }
0xc1: {  	v36 =	vld [tilespmem:s19+$0x20];
	_ =	sdelay $0x1  }
0xc2: {  	v15 =	vnsel vm0, $0x0, v15  }
0xc3: {  	v15 =	vmul.f32 v16, v15;
	_ =	sdelay $0x1  }
0xc4: {  	v15 =	vadd.f32 v15, v36;
	_ =	sdelay $0x1  }
0xc5: {  	vm6 =	vgt.s32 v14, $0x0;
	[tilespmem:s19+$0x12C20] =	vst v15  }
0xc6: {  	v37 =	vnsel vm6, $0x0, v14;
	v38 =	vld [tilespmem:s20+$0x70]  }
0xc7: {  	v15 =	vand.u32 $0x7, v37  }
0xc8: {  	vm7 =	vlt.s32 v14, $0x1;
	v39 =	vld [tilespmem:s19+$0x30];
	vm8 =	vne.s32 v15, $0x0  }
0xc9: {  	vm1 =	vmand vm7, vm8  }
0xca: {  	s18 =	sadd.s32 $0x3, s18;
	v17 =	vnsel vm0, $0x0, v17;
	v16 =	vshrl.u32 v37, $0x3;
	v40 =	vsel vm1, $0xFFFFFFFF, v2  }
0xcb: {  	v41 =	vmov s18;
	v16 =	vadd.s32 v40, v16;
	v17 =	vmul.f32 v38, v17  }
0xcc: {  	v15 =	vshll.u32 v15, $0x7;
	v16 =	vshll.u32 v16, $0xA  }
0xcd: {  	v16 =	vor.u32 v15, v16;
	v15 =	vadd.f32 v17, v39  }
0xce: {  	s25 =	sadd.s32 $0xFFFFFF80, s11;
	v42 =	vor.u32 v1, v16  }
0xcf: {  	s26 =	sand.u32 $0x300, s25;
	v43 =	vor.u32 v3, v16;
	[tilespmem:s19+$0x12C30] =	vst v15  }
0xd0: {  	v44 =	vor.u32 v4, v16;
	s19 =	sor.u32 s26, s31;
	v15 =	vld.idx.msk [tilespmem:v41+s8+$0x0], $0xffff  }
0xd1: {  	s29 =	sor.u32 s15, s26;
	v45 =	vor.u32 v5, v16;
	v51 =	vld [tilespmem:s19+$0x40]  }
0xd2: {  	v46 =	vor.u32 v6, v16;
	v53 =	vld [tilespmem:s29+$0x0]  }
0xd3: {  	v47 =	vor.u32 v7, v16;
	v20 =	vld.idx.msk [tilespmem:v42+s9+$0x0], $0xffff  }
0xd4: {  	v48 =	vor.u32 v8, v16;
	v17 =	vld.idx.msk [tilespmem:v43+s9+$0x0], $0xffff  }
0xd5: {  	v49 =	vor.u32 v9, v16;
	v19 =	vld.idx.msk [tilespmem:v44+s9+$0x0], $0xffff  }
0xd6: {  	s28 =	sadd.s32 $0x2, s14;
	v50 =	vadd.s32 v10, v16;
	v21 =	vld.idx.msk [tilespmem:v45+s9+$0x0], $0xffff  }
0xd7: {  	vm9 =	vlt.s32 v14, s28;
	vm10 =	vgt.s32 v14, $0xFFFFFFFF;
	v52 =	vadd.s32 v11, v16;
	v18 =	vld.idx.msk [tilespmem:v46+s9+$0x0], $0xffff  }
0xd8: {  	vm0 =	vmand vm10, vm9;
	v14 =	vadd.s32 v12, v16;
	v22 =	vld.idx.msk [tilespmem:v47+s9+$0x0], $0xffff  }
0xd9: {  	v16 =	vadd.s32 v13, v16;
	v23 =	vld.idx.msk [tilespmem:v48+s9+$0x0], $0xffff;
	v20 =	vnsel vm0, $0x0, v20  }
0xda: {  	v24 =	vld.idx.msk [tilespmem:v49+s9+$0x0], $0xffff;
	v20 =	vmul.f32 v51, v20  }
0xdb: {  	v25 =	vld.idx.msk [tilespmem:v50+s9+$0x0], $0xffff  }
0xdc: {  	v54 =	vld.idx.msk [tilespmem:v52+s9+$0x0], $0xffff;
	v20 =	vadd.f32 v20, v53  }
0xdd: {  	v14 =	vld.idx.msk [tilespmem:v14+s9+$0x0], $0xffff  }
0xde: {  	v16 =	vld.idx.msk [tilespmem:v16+s9+$0x0], $0xffff;
	[tilespmem:s29+$0x12C00] =	vst v20  }
0xdf: {  	v20 =	vld [tilespmem:s19+$0x50];
	_ =	sdelay $0x1  }
0xe0: {  	v55 =	vld [tilespmem:s29+$0x10];
	_ =	sdelay $0x1  }
0xe1: {  	v17 =	vnsel vm0, $0x0, v17  }
0xe2: {  	v17 =	vmul.f32 v20, v17;
	_ =	sdelay $0x1  }
0xe3: {  	v17 =	vadd.f32 v17, v55;
	_ =	sdelay $0x1  }
0xe4: {  	[tilespmem:s29+$0x12C10] =	vst v17  }
0xe5: {  	v17 =	vld [tilespmem:s19+$0x60];
	_ =	sdelay $0x1  }
0xe6: {  	v56 =	vld [tilespmem:s29+$0x20];
	_ =	sdelay $0x1  }
0xe7: {  	v19 =	vnsel vm0, $0x0, v19  }
0xe8: {  	v17 =	vmul.f32 v17, v19;
	_ =	sdelay $0x1  }
0xe9: {  	v17 =	vadd.f32 v17, v56;
	_ =	sdelay $0x1  }
0xea: {  	[tilespmem:s29+$0x12C20] =	vst v17  }
0xeb: {  	v17 =	vld [tilespmem:s19+$0x70];
	_ =	sdelay $0x1  }
0xec: {  	v57 =	vld [tilespmem:s29+$0x30];
	_ =	sdelay $0x1  }
0xed: {  	v58 =	vnsel vm0, $0x0, v21  }
0xee: {  	v17 =	vmul.f32 v17, v58;
	_ =	sdelay $0x1  }
0xef: {  	v17 =	vadd.f32 v17, v57;
	_ =	sdelay $0x1  }
0xf0: {  	s20 =	sor.u32 s26, s17;
	[tilespmem:s29+$0x12C30] =	vst v17  }
0xf1: {  	v17 =	vld [tilespmem:s20+$0x0];
	_ =	sdelay $0x1  }
0xf2: {  	v59 =	vld [tilespmem:s29+$0x40];
	_ =	sdelay $0x1  }
0xf3: {  	v18 =	vnsel vm0, $0x0, v18  }
0xf4: {  	v17 =	vmul.f32 v17, v18;
	_ =	sdelay $0x1  }
0xf5: {  	v17 =	vadd.f32 v17, v59;
	_ =	sdelay $0x1  }
0xf6: {  	[tilespmem:s29+$0x12C40] =	vst v17  }
0xf7: {  	v17 =	vld [tilespmem:s20+$0x10];
	_ =	sdelay $0x1  }
0xf8: {  	v60 =	vld [tilespmem:s29+$0x50];
	_ =	sdelay $0x1  }
0xf9: {  	v61 =	vnsel vm0, $0x0, v22  }
0xfa: {  	v17 =	vmul.f32 v17, v61;
	_ =	sdelay $0x1  }
0xfb: {  	v17 =	vadd.f32 v17, v60;
	_ =	sdelay $0x1  }
0xfc: {  	[tilespmem:s29+$0x12C50] =	vst v17  }
0xfd: {  	v17 =	vld [tilespmem:s20+$0x20];
	_ =	sdelay $0x1  }
0xfe: {  	v62 =	vld [tilespmem:s29+$0x60];
	_ =	sdelay $0x1  }
0xff: {  	v63 =	vnsel vm0, $0x0, v23  }
0x100: {  	v17 =	vmul.f32 v17, v63;
	_ =	sdelay $0x1  }
0x101: {  	v17 =	vadd.f32 v17, v62;
	_ =	sdelay $0x1  }
0x102: {  	[tilespmem:s29+$0x12C60] =	vst v17  }
0x103: {  	v17 =	vld [tilespmem:s20+$0x30];
	_ =	sdelay $0x1  }
0x104: {  	v21 =	vld [tilespmem:s29+$0x70];
	_ =	sdelay $0x1  }
0x105: {  	v22 =	vnsel vm0, $0x0, v24  }
0x106: {  	v17 =	vmul.f32 v17, v22;
	_ =	sdelay $0x1  }
0x107: {  	v17 =	vadd.f32 v17, v21;
	_ =	sdelay $0x1  }
0x108: {  	[tilespmem:s29+$0x12C70] =	vst v17  }
0x109: {  	v17 =	vld [tilespmem:s20+$0x40];
	_ =	sdelay $0x1  }
0x10a: {  	v23 =	vld [tilespmem:s19+$0x0];
	_ =	sdelay $0x1  }
0x10b: {  	v24 =	vnsel vm0, $0x0, v25  }
0x10c: {  	v17 =	vmul.f32 v17, v24;
	_ =	sdelay $0x1  }
0x10d: {  	v17 =	vadd.f32 v17, v23;
	_ =	sdelay $0x1  }
0x10e: {  	[tilespmem:s19+$0x12C00] =	vst v17  }
0x10f: {  	v17 =	vld [tilespmem:s20+$0x50];
	_ =	sdelay $0x1  }
0x110: {  	v25 =	vld [tilespmem:s19+$0x10];
	_ =	sdelay $0x1  }
0x111: {  	v27 =	vnsel vm0, $0x0, v54  }
0x112: {  	v17 =	vmul.f32 v17, v27;
	_ =	sdelay $0x1  }
0x113: {  	v17 =	vadd.f32 v17, v25;
	_ =	sdelay $0x1  }
0x114: {  	[tilespmem:s19+$0x12C10] =	vst v17  }
0x115: {  	v17 =	vld [tilespmem:s20+$0x60];
	_ =	sdelay $0x1  }
0x116: {  	v28 =	vld [tilespmem:s19+$0x20];
	_ =	sdelay $0x1  }
0x117: {  	v14 =	vnsel vm0, $0x0, v14  }
0x118: {  	v14 =	vmul.f32 v17, v14;
	_ =	sdelay $0x1  }
0x119: {  	v14 =	vadd.f32 v14, v28;
	_ =	sdelay $0x1  }
0x11a: {  	vm11 =	vgt.s32 v15, $0x0;
	[tilespmem:s19+$0x12C20] =	vst v14  }
0x11b: {  	v29 =	vnsel vm11, $0x0, v15;
	v30 =	vld [tilespmem:s20+$0x70]  }
0x11c: {  	v14 =	vand.u32 $0x7, v29  }
0x11d: {  	p0 =	slt.s32 s18, $0x61E;
	vm12 =	vlt.s32 v15, $0x1;
	v31 =	vld [tilespmem:s19+$0x30];
	vm13 =	vne.s32 v14, $0x0  }
0x11e: {  	s18 =	simm.s32 @!p0 $0x61E;
	vm1 =	vmand vm12, vm13  }
0x11f: {  	s18 =	sadd.s32 $0x1, s18;
	v16 =	vnsel vm0, $0x0, v16;
	v17 =	vshrl.u32 v29, $0x3;
	v32 =	vsel vm1, $0xFFFFFFFF, v2  }
0x120: {  	v33 =	vmov s18;
	v17 =	vadd.s32 v32, v17;
	v16 =	vmul.f32 v30, v16  }
0x121: {  	v14 =	vshll.u32 v14, $0x7;
	v17 =	vshll.u32 v17, $0xA  }
0x122: {  	v17 =	vor.u32 v14, v17;
	v14 =	vadd.f32 v16, v31  }
0x123: {  	v34 =	vor.u32 v1, v17  }
0x124: {  	s30 =	sand.u32 $0x380, s11;
	v35 =	vor.u32 v3, v17;
	[tilespmem:s19+$0x12C30] =	vst v14  }
0x125: {  	s16 =	sor.u32 s30, s31;
	v36 =	vor.u32 v4, v17;
	v14 =	vld.idx.msk [tilespmem:v33+s8+$0x0], $0xffff  }
0x126: {  	s15 =	sor.u32 s15, s30;
	v37 =	vor.u32 v5, v17;
	v43 =	vld [tilespmem:s16+$0x40]  }
0x127: {  	v38 =	vor.u32 v6, v17;
	v45 =	vld [tilespmem:s15+$0x0]  }
0x128: {  	v39 =	vor.u32 v7, v17;
	v20 =	vld.idx.msk [tilespmem:v34+s9+$0x0], $0xffff  }
0x129: {  	v40 =	vor.u32 v8, v17;
	v16 =	vld.idx.msk [tilespmem:v35+s9+$0x0], $0xffff  }
0x12a: {  	v41 =	vor.u32 v9, v17;
	v19 =	vld.idx.msk [tilespmem:v36+s9+$0x0], $0xffff  }
0x12b: {  	s31 =	sadd.s32 $0x3, s14;
	v42 =	vadd.s32 v10, v17;
	v21 =	vld.idx.msk [tilespmem:v37+s9+$0x0], $0xffff  }
0x12c: {  	vm14 =	vgt.s32 v15, $0xFFFFFFFF;
	vm15 =	vlt.s32 v15, s31;
	v44 =	vadd.s32 v11, v17;
	v18 =	vld.idx.msk [tilespmem:v38+s9+$0x0], $0xffff  }
0x12d: {  	vm0 =	vmand vm14, vm15;
	v15 =	vadd.s32 v12, v17;
	v22 =	vld.idx.msk [tilespmem:v39+s9+$0x0], $0xffff  }
0x12e: {  	v17 =	vadd.s32 v13, v17;
	v23 =	vld.idx.msk [tilespmem:v40+s9+$0x0], $0xffff;
	v20 =	vnsel vm0, $0x0, v20  }
0x12f: {  	v24 =	vld.idx.msk [tilespmem:v41+s9+$0x0], $0xffff;
	v20 =	vmul.f32 v43, v20  }
0x130: {  	v25 =	vld.idx.msk [tilespmem:v42+s9+$0x0], $0xffff  }
0x131: {  	v46 =	vld.idx.msk [tilespmem:v44+s9+$0x0], $0xffff;
	v20 =	vadd.f32 v20, v45  }
0x132: {  	v15 =	vld.idx.msk [tilespmem:v15+s9+$0x0], $0xffff  }
0x133: {  	v17 =	vld.idx.msk [tilespmem:v17+s9+$0x0], $0xffff;
	[tilespmem:s15+$0x12C00] =	vst v20  }
0x134: {  	v20 =	vld [tilespmem:s16+$0x50];
	_ =	sdelay $0x1  }
0x135: {  	v47 =	vld [tilespmem:s15+$0x10];
	_ =	sdelay $0x1  }
0x136: {  	v16 =	vnsel vm0, $0x0, v16  }
0x137: {  	v16 =	vmul.f32 v20, v16;
	_ =	sdelay $0x1  }
0x138: {  	v16 =	vadd.f32 v16, v47;
	_ =	sdelay $0x1  }
0x139: {  	[tilespmem:s15+$0x12C10] =	vst v16  }
0x13a: {  	v16 =	vld [tilespmem:s16+$0x60];
	_ =	sdelay $0x1  }
0x13b: {  	v48 =	vld [tilespmem:s15+$0x20];
	_ =	sdelay $0x1  }
0x13c: {  	v19 =	vnsel vm0, $0x0, v19  }
0x13d: {  	v16 =	vmul.f32 v16, v19;
	_ =	sdelay $0x1  }
0x13e: {  	v16 =	vadd.f32 v16, v48;
	_ =	sdelay $0x1  }
0x13f: {  	[tilespmem:s15+$0x12C20] =	vst v16  }
0x140: {  	v16 =	vld [tilespmem:s16+$0x70];
	_ =	sdelay $0x1  }
0x141: {  	v49 =	vld [tilespmem:s15+$0x30];
	_ =	sdelay $0x1  }
0x142: {  	v50 =	vnsel vm0, $0x0, v21  }
0x143: {  	v16 =	vmul.f32 v16, v50;
	_ =	sdelay $0x1  }
0x144: {  	v16 =	vadd.f32 v16, v49;
	_ =	sdelay $0x1  }
0x145: {  	s17 =	sor.u32 s30, s17;
	[tilespmem:s15+$0x12C30] =	vst v16  }
0x146: {  	v16 =	vld [tilespmem:s17+$0x0];
	_ =	sdelay $0x1  }
0x147: {  	v51 =	vld [tilespmem:s15+$0x40];
	_ =	sdelay $0x1  }
0x148: {  	v18 =	vnsel vm0, $0x0, v18  }
0x149: {  	v16 =	vmul.f32 v16, v18;
	_ =	sdelay $0x1  }
0x14a: {  	v16 =	vadd.f32 v16, v51;
	_ =	sdelay $0x1  }
0x14b: {  	[tilespmem:s15+$0x12C40] =	vst v16  }
0x14c: {  	v16 =	vld [tilespmem:s17+$0x10];
	_ =	sdelay $0x1  }
0x14d: {  	v52 =	vld [tilespmem:s15+$0x50];
	_ =	sdelay $0x1  }
0x14e: {  	v53 =	vnsel vm0, $0x0, v22  }
0x14f: {  	v16 =	vmul.f32 v16, v53;
	_ =	sdelay $0x1  }
0x150: {  	v16 =	vadd.f32 v16, v52;
	_ =	sdelay $0x1  }
0x151: {  	[tilespmem:s15+$0x12C50] =	vst v16  }
0x152: {  	v16 =	vld [tilespmem:s17+$0x20];
	_ =	sdelay $0x1  }
0x153: {  	v54 =	vld [tilespmem:s15+$0x60];
	_ =	sdelay $0x1  }
0x154: {  	v55 =	vnsel vm0, $0x0, v23  }
0x155: {  	v16 =	vmul.f32 v16, v55;
	_ =	sdelay $0x1  }
0x156: {  	v16 =	vadd.f32 v16, v54;
	_ =	sdelay $0x1  }
0x157: {  	[tilespmem:s15+$0x12C60] =	vst v16  }
0x158: {  	v16 =	vld [tilespmem:s17+$0x30];
	_ =	sdelay $0x1  }
0x159: {  	v56 =	vld [tilespmem:s15+$0x70];
	_ =	sdelay $0x1  }
0x15a: {  	v57 =	vnsel vm0, $0x0, v24  }
0x15b: {  	v16 =	vmul.f32 v16, v57;
	_ =	sdelay $0x1  }
0x15c: {  	v16 =	vadd.f32 v16, v56;
	_ =	sdelay $0x1  }
0x15d: {  	[tilespmem:s15+$0x12C70] =	vst v16  }
0x15e: {  	v16 =	vld [tilespmem:s17+$0x40];
	_ =	sdelay $0x1  }
0x15f: {  	v58 =	vld [tilespmem:s16+$0x0];
	_ =	sdelay $0x1  }
0x160: {  	v59 =	vnsel vm0, $0x0, v25  }
0x161: {  	v16 =	vmul.f32 v16, v59;
	_ =	sdelay $0x1  }
0x162: {  	v16 =	vadd.f32 v16, v58;
	_ =	sdelay $0x1  }
0x163: {  	[tilespmem:s16+$0x12C00] =	vst v16  }
0x164: {  	v16 =	vld [tilespmem:s17+$0x50];
	_ =	sdelay $0x1  }
0x165: {  	v60 =	vld [tilespmem:s16+$0x10];
	_ =	sdelay $0x1  }
0x166: {  	v61 =	vnsel vm0, $0x0, v46  }
0x167: {  	v16 =	vmul.f32 v16, v61;
	_ =	sdelay $0x1  }
0x168: {  	v16 =	vadd.f32 v16, v60;
	_ =	sdelay $0x1  }
0x169: {  	[tilespmem:s16+$0x12C10] =	vst v16  }
0x16a: {  	v16 =	vld [tilespmem:s17+$0x60];
	_ =	sdelay $0x1  }
0x16b: {  	v62 =	vld [tilespmem:s16+$0x20];
	_ =	sdelay $0x1  }
0x16c: {  	v15 =	vnsel vm0, $0x0, v15  }
0x16d: {  	v15 =	vmul.f32 v16, v15;
	_ =	sdelay $0x1  }
0x16e: {  	v15 =	vadd.f32 v15, v62;
	_ =	sdelay $0x1  }
0x16f: {  	[tilespmem:s16+$0x12C20] =	vst v15  }
0x170: {  	v15 =	vld [tilespmem:s17+$0x70];
	_ =	sdelay $0x1  }
0x171: {  	v63 =	vld [tilespmem:s16+$0x30];
	_ =	sdelay $0x1  }
0x172: {  	p0 =	slt.u32 s14, $0xC0;
	v17 =	vnsel vm0, $0x0, v17  }
.Ltmp0:
0x173: {  	v15 =	vmul.f32 v15, v17;
	(pc) =	sbr.rel @p0 .LBB2_2-.Ltmp0, $4  }
0x174: {  	_ = 	snop  }
0x175: {  	v15 =	vadd.f32 v15, v63  }
0x176: {  	s11 =	sadd.s32 $0x200, s11  }
0x177: {  	s13 =	sadd.s32 $0x200, s13;
	s12 =	sadd.s32 $0x200, s12;
	s14 =	sadd.s32 $0x4, s14;
	[tilespmem:s16+$0x12C30] =	vst v15  }
0x178: {  	s10 =	sadd.s32 $0x1, s10  }
0x179: {  	p0 =	sne.s32 s10, s6  }
.Ltmp1:
0x17a: {  	_ = 	snop;
	(pc) =	sbr.rel @p0 .LBB2_1-.Ltmp1, $4  }
0x17b: {  	[hbm4b:s5+s3] =	stream.linear.scatter [tilespmem:s9], [sflag:$0x1], $0xC800, $0x38;
	[tilespmem:$0x1FA20] =	vst v63  }
0x17c: {  	_ =	swait.ge [sflag:s7], $0xC800  }
0x17d: {  	[sflag:s7] =	ssyncset.done $0x0  }
0x17e: {  	[sflag:s7] =	ssyncadd.s32 $0xFFFF3800  }
0x17f: {  	_ =	sfence.sel $0x180000  }
0x180: {  	[bflag:$0x0] =	sbarrier.arrive $0xFFFF  }
0x181: {  	p0 =	sne.s32 s0, $0x0;
	_ =	strace $0x90000047  }
0x182: {  	s0 =	sadd.s32 @!p0 $0x100000, s1;
	[bflag:$0x2] =	sbarrier.arrive $0xFFFF  }
0x183: {  	[sflag:s0] =	ssyncadd.tile.s32 @!p0 $0x1;
	_ =	shalt  }
.Lfunc_end2:
_tile_overlayer_lowered:
.L_overlay_start_2:
0x184: {  	(tag) =	ssettag $0x2  }
0x185: {  	s0 =	rddreg [dreg:$0x0];
	s2 =	stileid.u32  }
0x186: {  	s1 =	rddreg [dreg:$0x1];
	p0 =	sne.s32 s2, $0x0  }
0x187: {  	s3 =	rddreg [dreg:$0x2];
	[bflag:$0x3] =	sbarrier.arrive $0xFFFF;
	s2 =	simm.s32 @!p0 $0x1C01  }
0x188: {  	[timem:s3], [sflag:s2] =	dma.local @!p0 [hbm:s0], s1  }
0x189: {  	s0 =	simm.s32 @!p0 $0x1  }
0x18a: {  	_ =	swait.ge @!p0 [sflag:s0], s1  }
0x18b: {  	s1 =	ssub.s32 @!p0 $0x0, s1;
	[sflag:s0] =	ssyncset.done @!p0 $0x0  }
0x18c: {  	[sflag:s0] =	ssyncadd.s32 @!p0 s1  }
0x18d: {  	[bflag:$0x3] =	sbarrier.arrive $0xFFFF  }
0x18e: {  	_ =	shalt  }

</sc_bundles>
